<compile_context>
chip_gen: v7x
topology: tpu7x:2x2x1
jax: 0.10.2.dev20260603
libtpu: 0.0.44.dev20260713+nightly
codegen_flags: <defaults>
</compile_context>

<pallas_src>
import functools

import numpy as np

import jax
import jax.numpy as jnp
from jax import lax
from jax.experimental import pallas as pl
from jax.experimental.pallas import tpu as pltpu
from jax.experimental.pallas import tpu_sc as plsc

P = 2147483647
N_ROBE = 64000
FEAT = 64
A1, B1 = 1664525, 1013904223
A2, A3, B2 = 22695477, 1103515245, 12345
A1H, A1L = A1 >> 8, A1 & 0xFF
A2H, A2L = A2 >> 12, A2 & 0xFFF
CD = [(A3 * d + B2) % P for d in range(FEAT)]

NCORE, NSUB = 2, 16
NW = NCORE * NSUB
NIDX = 4096 * 26
NI = NIDX // NW
CI = 256
NCHUNK = NI // CI
ROW_W = FEAT + 1
CHUNK_P = CI * ROW_W


def _addmod(a, b):
    d = a - (P - b)
    return jnp.where(d < 0, a + b, d)


def _mod_robe(r):
    for _ in range(3):
        r = (r >> 16) * 1536 + (r & 0xFFFF)
    d = r - N_ROBE
    return jnp.where(d < 0, r, d)


def _hashes(x):
    xh, xl = x >> 16, x & 0xFFFF
    t1 = A1 * xh
    t1m = ((t1 & 0x7FFF) << 16) + (t1 >> 15)
    t2 = A1H * xl
    t2m = ((t2 & 0x7FFFFF) << 8) + (t2 >> 23)
    t3 = A1L * xl
    h = _mod_robe(_addmod(_addmod(t1m, t2m), _addmod(t3, jnp.int32(B1))))
    u1 = A2 * xh
    u1m = ((u1 & 0x7FFF) << 16) + (u1 >> 15)
    u2 = A2H * xl
    u2m = ((u2 & 0x7FFFF) << 12) + (u2 >> 19)
    u3 = A2L * xl
    a2 = _addmod(_addmod(u1m, u2m), u3)
    return h, a2


def _i32(v):
    return jnp.int32(v)


def _body(robe_hbm, idx_hbm, out_hbm,
          robe_v, idx_v, h_v, a2_v, thr_s, par_s, stage_a, stage_b, sem0, sem1):
    wid = (lax.axis_index("s").astype(jnp.int32) * _i32(NCORE)
           + lax.axis_index("c").astype(jnp.int32))
    ibase = wid * _i32(NI)
    pltpu.sync_copy(robe_hbm, robe_v.at[pl.ds(_i32(0), N_ROBE)])
    pltpu.sync_copy(robe_hbm.at[pl.ds(_i32(0), FEAT)],
                    robe_v.at[pl.ds(_i32(N_ROBE), FEAT)])
    pltpu.sync_copy(idx_hbm.at[pl.ds(ibase, NI)], idx_v)

    def fill_tab(d, c):
        thr_s[d] = _i32(P - 1) - c
        par_s[d] = (c & _i32(1)) << _i32(31)
        t = c - _i32(P - A3)
        return jnp.where(t < 0, c + _i32(A3), t)

    lax.fori_loop(_i32(0), _i32(FEAT), fill_tab, _i32(B2))
    lane = lax.iota(jnp.int32, 16)

    def compute_chunk(ci, buf):
        @plsc.parallel_loop(_i32(0), _i32(CI // 16), step=_i32(1), unroll=2)
        def hpass(g):
            x = idx_v[pl.ds(ci * _i32(CI) + g * _i32(16), 16)]
            h, a2 = _hashes(x)
            h_v[pl.ds(g * _i32(16), 16)] = h
            a2_v[pl.ds(g * _i32(16), 16)] = a2

        def group(g, _):
            h = h_v[pl.ds(g * _i32(16), 16)]
            a2 = a2_v[pl.ds(g * _i32(16), 16)]
            px = a2 & 1
            f0 = (px ^ 1) << 31
            f1 = f0 ^ jnp.int32(-2**31)
            nvec = lane + g * _i32(16)

            @plsc.parallel_loop(_i32(0), _i32(FEAT), step=_i32(1), unroll=8)
            def dloop(d):
                thr = thr_s[d]
                par = par_s[d]
                gv = plsc.load_gather(robe_v, [h + d])
                sel = jnp.where(a2 > thr, f1, f0)
                outw = plsc.bitcast(gv, jnp.int32) ^ sel ^ par
                plsc.store_scatter(buf, [nvec, jnp.broadcast_to(d, (16,))],
                                   plsc.bitcast(outw, jnp.float32))

            return _i32(0)

        lax.fori_loop(_i32(0), _i32(CI // 16), group, _i32(0))

    def fire(ci, buf, sem):
        row0 = wid * _i32(NI) + ci * _i32(CI)
        pltpu.async_copy(buf.at[:, pl.ds(_i32(0), FEAT)],
                         out_hbm.at[pl.ds(row0, CI), :], sem)

    def drain(buf, sem):
        pltpu.make_async_copy(buf.at[:, pl.ds(_i32(0), FEAT)],
                              out_hbm.at[pl.ds(_i32(0), CI), :], sem).wait()

    def chunk_pair(cp, _):
        ci0 = cp * _i32(2)

        @pl.when(cp > 0)
        def _():
            drain(stage_a, sem0)

        compute_chunk(ci0, stage_a)
        fire(ci0, stage_a, sem0)

        @pl.when(cp > 0)
        def _():
            drain(stage_b, sem1)

        compute_chunk(ci0 + _i32(1), stage_b)
        fire(ci0 + _i32(1), stage_b, sem1)
        return _i32(0)

    lax.fori_loop(_i32(0), _i32(NCHUNK // 2), chunk_pair, _i32(0))
    drain(stage_a, sem0)
    compute_chunk(_i32(NCHUNK - 1), stage_a)
    fire(_i32(NCHUNK - 1), stage_a, sem0)
    drain(stage_a, sem0)
    drain(stage_b, sem1)


_sc_call = pl.kernel(
    _body,
    out_type=jax.ShapeDtypeStruct((NIDX, FEAT), jnp.float32),
    mesh=plsc.VectorSubcoreMesh(
        core_axis_name="c", subcore_axis_name="s",
        num_cores=NCORE, num_subcores=NSUB),
    scratch_types=[
        pltpu.VMEM((N_ROBE + FEAT,), jnp.float32),
        pltpu.VMEM((NI,), jnp.int32),
        pltpu.VMEM((CI,), jnp.int32),
        pltpu.VMEM((CI,), jnp.int32),
        pltpu.SMEM((FEAT,), jnp.int32),
        pltpu.SMEM((FEAT,), jnp.int32),
        pltpu.VMEM((CI, ROW_W), jnp.float32),
        pltpu.VMEM((CI, ROW_W), jnp.float32),
        pltpu.SemaphoreType.DMA,
        pltpu.SemaphoreType.DMA,
    ],
    compiler_params=pltpu.CompilerParams(
        needs_layout_passes=False, use_tc_tiling_on_sc=False),
)


def kernel(robe_array, idx):
    idx32 = idx.reshape(-1).astype(jnp.int32)
    out = _sc_call(robe_array, idx32)
    return out.reshape(idx.shape[0], idx.shape[1], FEAT)

# --- scband reference (transcript-rebuilt; emitter-appended) ---
"""Pipeline reference for scband-robe-dembedding-47845935677945 (READ-ONLY COPY).

The authoritative reference and input builder live on the scoring server;
editing this copy changes nothing except your own understanding.
"""

import jax, jax.numpy as jnp
import numpy as np

jax.config.update("jax_enable_x64", True)

# --- dimensions per init_kwargs ---
NUM_EMBEDDINGS = 1000000
FEATURES = 64
COMPRESSION_RATIO = 1000
ROBE_ARRAY_SIZE = max(1, NUM_EMBEDDINGS * FEATURES // COMPRESSION_RATIO)  # 64000

# --- fixed universal-hash parameters (stand-ins for UniversalHash's random params) ---
P = 2147483647  # prime 2^31 - 1
# block_start_hash_fn: num_args=1, max_output=ROBE_ARRAY_SIZE
A1 = 1664525
B1 = 1013904223
# sign_hash_fn: num_args=2, max_output=2
A2 = 22695477
A3 = 1103515245
B2 = 12345


def _block_start_hash(x):
    # universal hash h(x) = ((a*x + b) mod p) mod m
    return ((A1 * x + B1) % P) % ROBE_ARRAY_SIZE


def _sign_hash(x, y):
    # universal hash on two args, output in {0, 1}
    return ((A2 * x + A3 * y + B2) % P) % 2


def setup_inputs(seed: int = 0) -> dict:
    key = jax.random.key(seed)
    k1, k2 = jax.random.split(key)
    idx = jax.random.randint(k1, (4096, 26), 0, NUM_EMBEDDINGS, dtype=jnp.int64)
    # learned parameter: flat ROBE array, normal init (stddev 0.01)
    robe_array = (jax.random.normal(k2, (ROBE_ARRAY_SIZE,), dtype=jnp.float32) * 0.01)
    return {"robe_array": robe_array, "idx": idx}


def reference(robe_array, idx):
    # block_start_idx = block_start_hash_fn(idx)  -> [B, F]
    block_start_idx = _block_start_hash(idx)
    offsets = jnp.arange(FEATURES, dtype=jnp.int64)  # [D]
    # block_idx = (block_start_idx[..., None] + offsets) % robe_array_size -> [B, F, D]
    block_idx = (block_start_idx[..., None] + offsets) % ROBE_ARRAY_SIZE
    # gather overlapping blocks from the shared 1-D robe array
    embeddings = robe_array[block_idx]  # [B, F, D]
    # signs = 2 * sign_hash(idx[..., None], offsets[None, :]) - 1  (broadcast to [B, F, D])
    signs = (2 * _sign_hash(idx[..., None], offsets[None, None, :]) - 1).astype(robe_array.dtype)
    return signs * embeddings

if __name__ == "__main__":
    import jax
    _d = setup_inputs()
    print(jax.jit(kernel)(*tuple(_d.values())))

</pallas_src>

<mosaic_0001>
#map = affine_map<(d0, d1) -> (0)>
#map1 = affine_map<(d0, d1) -> (0, 0)>
module attributes {stable_mosaic.version = 14 : i64} {
  func.func @_body(%arg0: i32, %arg1: i32, %arg2: memref<64000xf32, #tpu.memory_space<hbm>>, %arg3: memref<106496xi32, #tpu.memory_space<hbm>>, %arg4: memref<106496x64xf32, #tpu.memory_space<hbm>>, %arg5: memref<64064xf32, #tpu.memory_space<vmem>>, %arg6: memref<3328xi32, #tpu.memory_space<vmem>>, %arg7: memref<256xi32, #tpu.memory_space<vmem>>, %arg8: memref<256xi32, #tpu.memory_space<vmem>>, %arg9: memref<64xi32, #tpu.memory_space<smem>>, %arg10: memref<64xi32, #tpu.memory_space<smem>>, %arg11: memref<256x65xf32, #tpu.memory_space<vmem>>, %arg12: memref<256x65xf32, #tpu.memory_space<vmem>>, %arg13: memref<!tpu.dma_semaphore, #tpu.memory_space<semaphore_mem>>, %arg14: memref<!tpu.dma_semaphore, #tpu.memory_space<semaphore_mem>>) attributes {dimension_semantics = [#tpu.dimension_semantics<core_parallel>, #tpu.dimension_semantics<subcore_parallel>], iteration_bounds = array<i64: 2, 16>, scalar_prefetch = 0 : i64, scratch_operands = 10 : i64, tpu.core_type = #tpu.core_type<sc_vector_subcore>, window_params = [{transform_indices = #map}, {transform_indices = #map}, {transform_indices = #map1}]} {
    %mul3A = arith.constant 2 : i32
    %mul3A_0 = arith.muli %arg1, %mul3A : i32
    %add3A = arith.addi %mul3A_0, %arg0 : i32
    %mul3A_1 = arith.constant 3328 : i32
    %mul3A_2 = arith.muli %add3A, %mul3A_1 : i32
    %run_scoped3A = arith.constant 0 : i32
    "tpu.region"() ({
      %run_scoped3A_89 = tpu.sem_alloc : memref<!tpu.dma_semaphore, #tpu.memory_space<semaphore_mem>>
      %dma_start3A_90 = tpu.memref_slice %arg5[%run_scoped3A] : memref<64064xf32, #tpu.memory_space<vmem>> -> memref<64000xf32, #tpu.memory_space<vmem>>
      %dma_start3A_91 = tpu.memref_slice %arg5[%run_scoped3A] : memref<64064xf32, #tpu.memory_space<vmem>> -> memref<64000xf32, #tpu.memory_space<vmem>>
      tpu.enqueue_dma source(%arg2 : memref<64000xf32, #tpu.memory_space<hbm>>) target(%dma_start3A_91 : memref<64000xf32, #tpu.memory_space<vmem>>) target_semaphore(%run_scoped3A_89 : memref<!tpu.dma_semaphore, #tpu.memory_space<semaphore_mem>>)
      %dma_wait3A_92 = tpu.memref_slice %arg5[%run_scoped3A] : memref<64064xf32, #tpu.memory_space<vmem>> -> memref<64000xf32, #tpu.memory_space<vmem>>
      %dma_wait3A_93 = tpu.memref_slice %arg5[%run_scoped3A] : memref<64064xf32, #tpu.memory_space<vmem>> -> memref<64000xf32, #tpu.memory_space<vmem>>
      tpu.wait_dma2 semaphore(%run_scoped3A_89 : memref<!tpu.dma_semaphore, #tpu.memory_space<semaphore_mem>>) src(%arg2 : memref<64000xf32, #tpu.memory_space<hbm>>) dst(%dma_wait3A_93 : memref<64000xf32, #tpu.memory_space<vmem>>)
      tpu.yield
    }) : () -> ()
    %run_scoped3A_3 = arith.constant 0 : i32
    %run_scoped3A_4 = arith.constant 64000 : i32
    "tpu.region"() ({
      %run_scoped3A_89 = tpu.sem_alloc : memref<!tpu.dma_semaphore, #tpu.memory_space<semaphore_mem>>
      %dma_start3A_90 = tpu.memref_slice %arg5[%run_scoped3A_4] : memref<64064xf32, #tpu.memory_space<vmem>> -> memref<64xf32, #tpu.memory_space<vmem>>
      %dma_start3A_91 = tpu.memref_slice %arg2[%run_scoped3A_3] : memref<64000xf32, #tpu.memory_space<hbm>> -> memref<64xf32, #tpu.memory_space<hbm>>
      %dma_start3A_92 = tpu.memref_slice %arg5[%run_scoped3A_4] : memref<64064xf32, #tpu.memory_space<vmem>> -> memref<64xf32, #tpu.memory_space<vmem>>
      %dma_start3A_93 = tpu.memref_slice %arg2[%run_scoped3A_3] : memref<64000xf32, #tpu.memory_space<hbm>> -> memref<64xf32, #tpu.memory_space<hbm>>
      tpu.enqueue_dma source(%dma_start3A_93 : memref<64xf32, #tpu.memory_space<hbm>>) target(%dma_start3A_92 : memref<64xf32, #tpu.memory_space<vmem>>) target_semaphore(%run_scoped3A_89 : memref<!tpu.dma_semaphore, #tpu.memory_space<semaphore_mem>>)
      %dma_wait3A_94 = tpu.memref_slice %arg5[%run_scoped3A_4] : memref<64064xf32, #tpu.memory_space<vmem>> -> memref<64xf32, #tpu.memory_space<vmem>>
      %dma_wait3A_95 = tpu.memref_slice %arg2[%run_scoped3A_3] : memref<64000xf32, #tpu.memory_space<hbm>> -> memref<64xf32, #tpu.memory_space<hbm>>
      %dma_wait3A_96 = tpu.memref_slice %arg5[%run_scoped3A_4] : memref<64064xf32, #tpu.memory_space<vmem>> -> memref<64xf32, #tpu.memory_space<vmem>>
      %dma_wait3A_97 = tpu.memref_slice %arg2[%run_scoped3A_3] : memref<64000xf32, #tpu.memory_space<hbm>> -> memref<64xf32, #tpu.memory_space<hbm>>
      tpu.wait_dma2 semaphore(%run_scoped3A_89 : memref<!tpu.dma_semaphore, #tpu.memory_space<semaphore_mem>>) src(%dma_wait3A_97 : memref<64xf32, #tpu.memory_space<hbm>>) dst(%dma_wait3A_96 : memref<64xf32, #tpu.memory_space<vmem>>)
      tpu.yield
    }) : () -> ()
    "tpu.region"() ({
      %run_scoped3A_89 = tpu.sem_alloc : memref<!tpu.dma_semaphore, #tpu.memory_space<semaphore_mem>>
      %dma_start3A_90 = tpu.memref_slice %arg3[%mul3A_2] : memref<106496xi32, #tpu.memory_space<hbm>> -> memref<3328xi32, #tpu.memory_space<hbm>>
      %dma_start3A_91 = tpu.memref_slice %arg3[%mul3A_2] : memref<106496xi32, #tpu.memory_space<hbm>> -> memref<3328xi32, #tpu.memory_space<hbm>>
      tpu.enqueue_dma source(%dma_start3A_91 : memref<3328xi32, #tpu.memory_space<hbm>>) target(%arg6 : memref<3328xi32, #tpu.memory_space<vmem>>) target_semaphore(%run_scoped3A_89 : memref<!tpu.dma_semaphore, #tpu.memory_space<semaphore_mem>>)
      %dma_wait3A_92 = tpu.memref_slice %arg3[%mul3A_2] : memref<106496xi32, #tpu.memory_space<hbm>> -> memref<3328xi32, #tpu.memory_space<hbm>>
      %dma_wait3A_93 = tpu.memref_slice %arg3[%mul3A_2] : memref<106496xi32, #tpu.memory_space<hbm>> -> memref<3328xi32, #tpu.memory_space<hbm>>
      tpu.wait_dma2 semaphore(%run_scoped3A_89 : memref<!tpu.dma_semaphore, #tpu.memory_space<semaphore_mem>>) src(%dma_wait3A_93 : memref<3328xi32, #tpu.memory_space<hbm>>) dst(%arg6 : memref<3328xi32, #tpu.memory_space<vmem>>)
      tpu.yield
    }) : () -> ()
    %while3A = arith.constant 0 : i32
    %while3A_5 = arith.constant 64 : i32
    %while3A_6 = arith.constant 12345 : i32
    %while3A_7 = arith.subi %while3A_5, %while3A : i32
    %while3A_8 = arith.addi %while3A, %while3A_7 : i32
    %while3A_9 = arith.constant 1 : i32
    %while3A_10 = arith.divsi %while3A_7, %while3A_9 : i32
    %while3A_11 = arith.muli %while3A_10, %while3A_9 : i32
    %while3A_12 = arith.addi %while3A, %while3A_11 : i32
    %while3A_13 = arith.constant 1 : i32
    %while3A_14 = scf.for %while3A_89 = %while3A to %while3A_12 step %while3A_13 iter_args(%while3A_90 = %while3A_6) -> (i32)  : i32 {
      %sub3A = arith.constant 2147483646 : i32
      %sub3A_91 = arith.subi %sub3A, %while3A_90 : i32
      %swap3A = arith.index_cast %while3A_89 : i32 to index
      %swap3A_92 = memref.load %arg9[%swap3A] : memref<64xi32, #tpu.memory_space<smem>>
      memref.store %sub3A_91, %arg9[%swap3A] : memref<64xi32, #tpu.memory_space<smem>>
      %and3A = arith.constant 1 : i32
      %and3A_93 = arith.andi %while3A_90, %and3A : i32
      %shift_left3A = arith.constant 31 : i32
      %shift_left3A_94 = arith.shli %and3A_93, %shift_left3A : i32
      %swap3A_95 = arith.index_cast %while3A_89 : i32 to index
      %swap3A_96 = memref.load %arg10[%swap3A_95] : memref<64xi32, #tpu.memory_space<smem>>
      memref.store %shift_left3A_94, %arg10[%swap3A_95] : memref<64xi32, #tpu.memory_space<smem>>
      %sub3A_97 = arith.constant 1043968402 : i32
      %sub3A_98 = arith.subi %while3A_90, %sub3A_97 : i32
      %lt3A = arith.constant 0 : i32
      %lt3A_99 = arith.cmpi slt, %sub3A_98, %lt3A : i32
      %add3A_100 = arith.constant 1103515245 : i32
      %add3A_101 = arith.addi %while3A_90, %add3A_100 : i32
      %select_n3A = arith.select %lt3A_99, %add3A_101, %sub3A_98 : i32
      scf.yield %select_n3A : i32
    }
    %while3A_15 = arith.constant 1 : i32
    %while3A_16 = scf.for %while3A_89 = %while3A_12 to %while3A_8 step %while3A_15 iter_args(%while3A_90 = %while3A_14) -> (i32)  : i32 {
      %sub3A = arith.constant 2147483646 : i32
      %sub3A_91 = arith.subi %sub3A, %while3A_90 : i32
      %swap3A = arith.index_cast %while3A_89 : i32 to index
      %swap3A_92 = memref.load %arg9[%swap3A] : memref<64xi32, #tpu.memory_space<smem>>
      memref.store %sub3A_91, %arg9[%swap3A] : memref<64xi32, #tpu.memory_space<smem>>
      %and3A = arith.constant 1 : i32
      %and3A_93 = arith.andi %while3A_90, %and3A : i32
      %shift_left3A = arith.constant 31 : i32
      %shift_left3A_94 = arith.shli %and3A_93, %shift_left3A : i32
      %swap3A_95 = arith.index_cast %while3A_89 : i32 to index
      %swap3A_96 = memref.load %arg10[%swap3A_95] : memref<64xi32, #tpu.memory_space<smem>>
      memref.store %shift_left3A_94, %arg10[%swap3A_95] : memref<64xi32, #tpu.memory_space<smem>>
      %sub3A_97 = arith.constant 1043968402 : i32
      %sub3A_98 = arith.subi %while3A_90, %sub3A_97 : i32
      %lt3A = arith.constant 0 : i32
      %lt3A_99 = arith.cmpi slt, %sub3A_98, %lt3A : i32
      %add3A_100 = arith.constant 1103515245 : i32
      %add3A_101 = arith.addi %while3A_90, %add3A_100 : i32
      %select_n3A = arith.select %lt3A_99, %add3A_101, %sub3A_98 : i32
      scf.yield %select_n3A : i32
    }
    %iota3A = tpu.iota {dimensions = array<i32: 0>} : vector<16xi32>
    %while3A_17 = arith.constant 0 : i32
    %while3A_18 = arith.constant 6 : i32
    %while3A_19 = arith.constant 0 : i32
    %while3A_20 = arith.subi %while3A_18, %while3A_17 : i32
    %while3A_21 = arith.addi %while3A_17, %while3A_20 : i32
    %while3A_22 = arith.constant 1 : i32
    %while3A_23 = arith.divsi %while3A_20, %while3A_22 : i32
    %while3A_24 = arith.muli %while3A_23, %while3A_22 : i32
    %while3A_25 = arith.addi %while3A_17, %while3A_24 : i32
    %while3A_26 = arith.constant 1 : i32
    %while3A_27 = scf.for %while3A_89 = %while3A_17 to %while3A_25 step %while3A_26 iter_args(%while3A_90 = %while3A_19) -> (i32)  : i32 {
      %mul3A_91 = arith.constant 2 : i32
      %mul3A_92 = arith.muli %while3A_89, %mul3A_91 : i32
      %gt3A = arith.constant 0 : i32
      %gt3A_93 = arith.cmpi sgt, %while3A_89, %gt3A : i32
      %convert_element_type3A = arith.extui %gt3A_93 : i1 to i32
      %cond3A = arith.constant 0 : i32
      %cond3A_94 = arith.cmpi ne, %convert_element_type3A, %cond3A : i32
      scf.if %cond3A_94 {
        %dma_wait3A_165 = arith.constant 0 : i32
        %dma_wait3A_166 = arith.constant 0 : i32
        %dma_wait3A_167 = arith.constant 0 : i32
        %dma_wait3A_168 = tpu.memref_slice %arg11[%dma_wait3A_167, %dma_wait3A_165] : memref<256x65xf32, #tpu.memory_space<vmem>> -> memref<256x64xf32, #tpu.memory_space<vmem>>
        %dma_wait3A_169 = arith.constant 0 : i32
        %dma_wait3A_170 = tpu.memref_slice %arg4[%dma_wait3A_166, %dma_wait3A_169] : memref<106496x64xf32, #tpu.memory_space<hbm>> -> memref<256x64xf32, #tpu.memory_space<hbm>>
        %dma_wait3A_171 = arith.constant 0 : i32
        %dma_wait3A_172 = tpu.memref_slice %arg4[%dma_wait3A_166, %dma_wait3A_171] : memref<106496x64xf32, #tpu.memory_space<hbm>> -> memref<256x64xf32, #tpu.memory_space<hbm>>
        %dma_wait3A_173 = arith.constant 0 : i32
        %dma_wait3A_174 = tpu.memref_slice %arg11[%dma_wait3A_173, %dma_wait3A_165] : memref<256x65xf32, #tpu.memory_space<vmem>> -> memref<256x64xf32, #tpu.memory_space<vmem>>
        tpu.wait_dma2 semaphore(%arg13 : memref<!tpu.dma_semaphore, #tpu.memory_space<semaphore_mem>>) src(%dma_wait3A_174 : memref<256x64xf32, #tpu.memory_space<vmem>>) dst(%dma_wait3A_172 : memref<256x64xf32, #tpu.memory_space<hbm>>)
      } else {
      }
      %parallel_loop3A_95 = arith.constant 0 : i32
      %parallel_loop3A_96 = arith.constant 16 : i32
      %parallel_loop3A_97 = arith.constant 1 : i32
      scf.for %parallel_loop3A_165 = %parallel_loop3A_95 to %parallel_loop3A_96 step %parallel_loop3A_97  : i32 {
        %parallel_loop3A_166 = arith.constant 256 : i32
        %parallel_loop3A_167 = arith.muli %mul3A_92, %parallel_loop3A_166 : i32
        %parallel_loop3A_168 = arith.constant 16 : i32
        %parallel_loop3A_169 = arith.muli %parallel_loop3A_165, %parallel_loop3A_168 : i32
        %parallel_loop3A_170 = arith.addi %parallel_loop3A_167, %parallel_loop3A_169 : i32
        %parallel_loop3A_171 = arith.index_cast %parallel_loop3A_170 : i32 to index
        %parallel_loop3A_172 = tpu.vector_load %arg6[%parallel_loop3A_171] {strides = array<i32>} : memref<3328xi32, #tpu.memory_space<vmem>>, vector<16xi32>,
        %parallel_loop3A_173 = arith.constant 16 : i32
        %parallel_loop3A_174 = vector.broadcast %parallel_loop3A_173 : i32 to vector<16xi32>
        %parallel_loop3A_175 = arith.shrsi %parallel_loop3A_172, %parallel_loop3A_174 : vector<16xi32>
        %parallel_loop3A_176 = arith.constant 65535 : i32
        %parallel_loop3A_177 = vector.broadcast %parallel_loop3A_176 : i32 to vector<16xi32>
        %parallel_loop3A_178 = arith.andi %parallel_loop3A_172, %parallel_loop3A_177 : vector<16xi32>
        %parallel_loop3A_179 = arith.constant 1664525 : i32
        %parallel_loop3A_180 = vector.broadcast %parallel_loop3A_179 : i32 to vector<16xi32>
        %parallel_loop3A_181 = arith.muli %parallel_loop3A_180, %parallel_loop3A_175 : vector<16xi32>
        %parallel_loop3A_182 = arith.constant 32767 : i32
        %parallel_loop3A_183 = vector.broadcast %parallel_loop3A_182 : i32 to vector<16xi32>
        %parallel_loop3A_184 = arith.andi %parallel_loop3A_181, %parallel_loop3A_183 : vector<16xi32>
        %parallel_loop3A_185 = arith.constant 16 : i32
        %parallel_loop3A_186 = vector.broadcast %parallel_loop3A_185 : i32 to vector<16xi32>
        %parallel_loop3A_187 = arith.shli %parallel_loop3A_184, %parallel_loop3A_186 : vector<16xi32>
        %parallel_loop3A_188 = arith.constant 15 : i32
        %parallel_loop3A_189 = vector.broadcast %parallel_loop3A_188 : i32 to vector<16xi32>
        %parallel_loop3A_190 = arith.shrsi %parallel_loop3A_181, %parallel_loop3A_189 : vector<16xi32>
        %parallel_loop3A_191 = arith.addi %parallel_loop3A_187, %parallel_loop3A_190 : vector<16xi32>
        %parallel_loop3A_192 = arith.constant 6502 : i32
        %parallel_loop3A_193 = vector.broadcast %parallel_loop3A_192 : i32 to vector<16xi32>
        %parallel_loop3A_194 = arith.muli %parallel_loop3A_193, %parallel_loop3A_178 : vector<16xi32>
        %parallel_loop3A_195 = arith.constant 8388607 : i32
        %parallel_loop3A_196 = vector.broadcast %parallel_loop3A_195 : i32 to vector<16xi32>
        %parallel_loop3A_197 = arith.andi %parallel_loop3A_194, %parallel_loop3A_196 : vector<16xi32>
        %parallel_loop3A_198 = arith.constant 8 : i32
        %parallel_loop3A_199 = vector.broadcast %parallel_loop3A_198 : i32 to vector<16xi32>
        %parallel_loop3A_200 = arith.shli %parallel_loop3A_197, %parallel_loop3A_199 : vector<16xi32>
        %parallel_loop3A_201 = arith.constant 23 : i32
        %parallel_loop3A_202 = vector.broadcast %parallel_loop3A_201 : i32 to vector<16xi32>
        %parallel_loop3A_203 = arith.shrsi %parallel_loop3A_194, %parallel_loop3A_202 : vector<16xi32>
        %parallel_loop3A_204 = arith.addi %parallel_loop3A_200, %parallel_loop3A_203 : vector<16xi32>
        %parallel_loop3A_205 = arith.constant 13 : i32
        %parallel_loop3A_206 = vector.broadcast %parallel_loop3A_205 : i32 to vector<16xi32>
        %parallel_loop3A_207 = arith.muli %parallel_loop3A_206, %parallel_loop3A_178 : vector<16xi32>
        %parallel_loop3A_208 = arith.constant 2147483647 : i32
        %parallel_loop3A_209 = vector.broadcast %parallel_loop3A_208 : i32 to vector<16xi32>
        %parallel_loop3A_210 = arith.subi %parallel_loop3A_209, %parallel_loop3A_204 : vector<16xi32>
        %parallel_loop3A_211 = arith.subi %parallel_loop3A_191, %parallel_loop3A_210 : vector<16xi32>
        %parallel_loop3A_212 = arith.constant 0 : i32
        %parallel_loop3A_213 = vector.broadcast %parallel_loop3A_212 : i32 to vector<16xi32>
        %parallel_loop3A_214 = arith.cmpi slt, %parallel_loop3A_211, %parallel_loop3A_213 : vector<16xi32>
        %parallel_loop3A_215 = arith.addi %parallel_loop3A_191, %parallel_loop3A_204 : vector<16xi32>
        %parallel_loop3A_216 = arith.select %parallel_loop3A_214, %parallel_loop3A_215, %parallel_loop3A_211 : vector<16xi1>, vector<16xi32>
        %parallel_loop3A_217 = arith.constant 2147483647 : i32
        %parallel_loop3A_218 = arith.constant 1013904223 : i32
        %parallel_loop3A_219 = arith.subi %parallel_loop3A_217, %parallel_loop3A_218 : i32
        %parallel_loop3A_220 = vector.broadcast %parallel_loop3A_219 : i32 to vector<16xi32>
        %parallel_loop3A_221 = arith.subi %parallel_loop3A_207, %parallel_loop3A_220 : vector<16xi32>
        %parallel_loop3A_222 = arith.constant 0 : i32
        %parallel_loop3A_223 = vector.broadcast %parallel_loop3A_222 : i32 to vector<16xi32>
        %parallel_loop3A_224 = arith.cmpi slt, %parallel_loop3A_221, %parallel_loop3A_223 : vector<16xi32>
        %parallel_loop3A_225 = arith.constant 1013904223 : i32
        %parallel_loop3A_226 = vector.broadcast %parallel_loop3A_225 : i32 to vector<16xi32>
        %parallel_loop3A_227 = arith.addi %parallel_loop3A_207, %parallel_loop3A_226 : vector<16xi32>
        %parallel_loop3A_228 = arith.select %parallel_loop3A_224, %parallel_loop3A_227, %parallel_loop3A_221 : vector<16xi1>, vector<16xi32>
        %parallel_loop3A_229 = arith.constant 2147483647 : i32
        %parallel_loop3A_230 = vector.broadcast %parallel_loop3A_229 : i32 to vector<16xi32>
        %parallel_loop3A_231 = arith.subi %parallel_loop3A_230, %parallel_loop3A_228 : vector<16xi32>
        %parallel_loop3A_232 = arith.subi %parallel_loop3A_216, %parallel_loop3A_231 : vector<16xi32>
        %parallel_loop3A_233 = arith.constant 0 : i32
        %parallel_loop3A_234 = vector.broadcast %parallel_loop3A_233 : i32 to vector<16xi32>
        %parallel_loop3A_235 = arith.cmpi slt, %parallel_loop3A_232, %parallel_loop3A_234 : vector<16xi32>
        %parallel_loop3A_236 = arith.addi %parallel_loop3A_216, %parallel_loop3A_228 : vector<16xi32>
        %parallel_loop3A_237 = arith.select %parallel_loop3A_235, %parallel_loop3A_236, %parallel_loop3A_232 : vector<16xi1>, vector<16xi32>
        %parallel_loop3A_238 = arith.constant 16 : i32
        %parallel_loop3A_239 = vector.broadcast %parallel_loop3A_238 : i32 to vector<16xi32>
        %parallel_loop3A_240 = arith.shrsi %parallel_loop3A_237, %parallel_loop3A_239 : vector<16xi32>
        %parallel_loop3A_241 = arith.constant 1536 : i32
        %parallel_loop3A_242 = vector.broadcast %parallel_loop3A_241 : i32 to vector<16xi32>
        %parallel_loop3A_243 = arith.muli %parallel_loop3A_240, %parallel_loop3A_242 : vector<16xi32>
        %parallel_loop3A_244 = arith.constant 65535 : i32
        %parallel_loop3A_245 = vector.broadcast %parallel_loop3A_244 : i32 to vector<16xi32>
        %parallel_loop3A_246 = arith.andi %parallel_loop3A_237, %parallel_loop3A_245 : vector<16xi32>
        %parallel_loop3A_247 = arith.addi %parallel_loop3A_243, %parallel_loop3A_246 : vector<16xi32>
        %parallel_loop3A_248 = arith.constant 16 : i32
        %parallel_loop3A_249 = vector.broadcast %parallel_loop3A_248 : i32 to vector<16xi32>
        %parallel_loop3A_250 = arith.shrsi %parallel_loop3A_247, %parallel_loop3A_249 : vector<16xi32>
        %parallel_loop3A_251 = arith.constant 1536 : i32
        %parallel_loop3A_252 = vector.broadcast %parallel_loop3A_251 : i32 to vector<16xi32>
        %parallel_loop3A_253 = arith.muli %parallel_loop3A_250, %parallel_loop3A_252 : vector<16xi32>
        %parallel_loop3A_254 = arith.constant 65535 : i32
        %parallel_loop3A_255 = vector.broadcast %parallel_loop3A_254 : i32 to vector<16xi32>
        %parallel_loop3A_256 = arith.andi %parallel_loop3A_247, %parallel_loop3A_255 : vector<16xi32>
        %parallel_loop3A_257 = arith.addi %parallel_loop3A_253, %parallel_loop3A_256 : vector<16xi32>
        %parallel_loop3A_258 = arith.constant 16 : i32
        %parallel_loop3A_259 = vector.broadcast %parallel_loop3A_258 : i32 to vector<16xi32>
        %parallel_loop3A_260 = arith.shrsi %parallel_loop3A_257, %parallel_loop3A_259 : vector<16xi32>
        %parallel_loop3A_261 = arith.constant 1536 : i32
        %parallel_loop3A_262 = vector.broadcast %parallel_loop3A_261 : i32 to vector<16xi32>
        %parallel_loop3A_263 = arith.muli %parallel_loop3A_260, %parallel_loop3A_262 : vector<16xi32>
        %parallel_loop3A_264 = arith.constant 65535 : i32
        %parallel_loop3A_265 = vector.broadcast %parallel_loop3A_264 : i32 to vector<16xi32>
        %parallel_loop3A_266 = arith.andi %parallel_loop3A_257, %parallel_loop3A_265 : vector<16xi32>
        %parallel_loop3A_267 = arith.addi %parallel_loop3A_263, %parallel_loop3A_266 : vector<16xi32>
        %parallel_loop3A_268 = arith.constant 64000 : i32
        %parallel_loop3A_269 = vector.broadcast %parallel_loop3A_268 : i32 to vector<16xi32>
        %parallel_loop3A_270 = arith.subi %parallel_loop3A_267, %parallel_loop3A_269 : vector<16xi32>
        %parallel_loop3A_271 = arith.constant 0 : i32
        %parallel_loop3A_272 = vector.broadcast %parallel_loop3A_271 : i32 to vector<16xi32>
        %parallel_loop3A_273 = arith.cmpi slt, %parallel_loop3A_270, %parallel_loop3A_272 : vector<16xi32>
        %parallel_loop3A_274 = arith.select %parallel_loop3A_273, %parallel_loop3A_267, %parallel_loop3A_270 : vector<16xi1>, vector<16xi32>
        %parallel_loop3A_275 = arith.constant 22695477 : i32
        %parallel_loop3A_276 = vector.broadcast %parallel_loop3A_275 : i32 to vector<16xi32>
        %parallel_loop3A_277 = arith.muli %parallel_loop3A_276, %parallel_loop3A_175 : vector<16xi32>
        %parallel_loop3A_278 = arith.constant 32767 : i32
        %parallel_loop3A_279 = vector.broadcast %parallel_loop3A_278 : i32 to vector<16xi32>
        %parallel_loop3A_280 = arith.andi %parallel_loop3A_277, %parallel_loop3A_279 : vector<16xi32>
        %parallel_loop3A_281 = arith.constant 16 : i32
        %parallel_loop3A_282 = vector.broadcast %parallel_loop3A_281 : i32 to vector<16xi32>
        %parallel_loop3A_283 = arith.shli %parallel_loop3A_280, %parallel_loop3A_282 : vector<16xi32>
        %parallel_loop3A_284 = arith.constant 15 : i32
        %parallel_loop3A_285 = vector.broadcast %parallel_loop3A_284 : i32 to vector<16xi32>
        %parallel_loop3A_286 = arith.shrsi %parallel_loop3A_277, %parallel_loop3A_285 : vector<16xi32>
        %parallel_loop3A_287 = arith.addi %parallel_loop3A_283, %parallel_loop3A_286 : vector<16xi32>
        %parallel_loop3A_288 = arith.constant 5540 : i32
        %parallel_loop3A_289 = vector.broadcast %parallel_loop3A_288 : i32 to vector<16xi32>
        %parallel_loop3A_290 = arith.muli %parallel_loop3A_289, %parallel_loop3A_178 : vector<16xi32>
        %parallel_loop3A_291 = arith.constant 524287 : i32
        %parallel_loop3A_292 = vector.broadcast %parallel_loop3A_291 : i32 to vector<16xi32>
        %parallel_loop3A_293 = arith.andi %parallel_loop3A_290, %parallel_loop3A_292 : vector<16xi32>
        %parallel_loop3A_294 = arith.constant 12 : i32
        %parallel_loop3A_295 = vector.broadcast %parallel_loop3A_294 : i32 to vector<16xi32>
        %parallel_loop3A_296 = arith.shli %parallel_loop3A_293, %parallel_loop3A_295 : vector<16xi32>
        %parallel_loop3A_297 = arith.constant 19 : i32
        %parallel_loop3A_298 = vector.broadcast %parallel_loop3A_297 : i32 to vector<16xi32>
        %parallel_loop3A_299 = arith.shrsi %parallel_loop3A_290, %parallel_loop3A_298 : vector<16xi32>
        %parallel_loop3A_300 = arith.addi %parallel_loop3A_296, %parallel_loop3A_299 : vector<16xi32>
        %parallel_loop3A_301 = arith.constant 3637 : i32
        %parallel_loop3A_302 = vector.broadcast %parallel_loop3A_301 : i32 to vector<16xi32>
        %parallel_loop3A_303 = arith.muli %parallel_loop3A_302, %parallel_loop3A_178 : vector<16xi32>
        %parallel_loop3A_304 = arith.constant 2147483647 : i32
        %parallel_loop3A_305 = vector.broadcast %parallel_loop3A_304 : i32 to vector<16xi32>
        %parallel_loop3A_306 = arith.subi %parallel_loop3A_305, %parallel_loop3A_300 : vector<16xi32>
        %parallel_loop3A_307 = arith.subi %parallel_loop3A_287, %parallel_loop3A_306 : vector<16xi32>
        %parallel_loop3A_308 = arith.constant 0 : i32
        %parallel_loop3A_309 = vector.broadcast %parallel_loop3A_308 : i32 to vector<16xi32>
        %parallel_loop3A_310 = arith.cmpi slt, %parallel_loop3A_307, %parallel_loop3A_309 : vector<16xi32>
        %parallel_loop3A_311 = arith.addi %parallel_loop3A_287, %parallel_loop3A_300 : vector<16xi32>
        %parallel_loop3A_312 = arith.select %parallel_loop3A_310, %parallel_loop3A_311, %parallel_loop3A_307 : vector<16xi1>, vector<16xi32>
        %parallel_loop3A_313 = arith.constant 2147483647 : i32
        %parallel_loop3A_314 = vector.broadcast %parallel_loop3A_313 : i32 to vector<16xi32>
        %parallel_loop3A_315 = arith.subi %parallel_loop3A_314, %parallel_loop3A_303 : vector<16xi32>
        %parallel_loop3A_316 = arith.subi %parallel_loop3A_312, %parallel_loop3A_315 : vector<16xi32>
        %parallel_loop3A_317 = arith.constant 0 : i32
        %parallel_loop3A_318 = vector.broadcast %parallel_loop3A_317 : i32 to vector<16xi32>
        %parallel_loop3A_319 = arith.cmpi slt, %parallel_loop3A_316, %parallel_loop3A_318 : vector<16xi32>
        %parallel_loop3A_320 = arith.addi %parallel_loop3A_312, %parallel_loop3A_303 : vector<16xi32>
        %parallel_loop3A_321 = arith.select %parallel_loop3A_319, %parallel_loop3A_320, %parallel_loop3A_316 : vector<16xi1>, vector<16xi32>
        %parallel_loop3A_322 = arith.constant 16 : i32
        %parallel_loop3A_323 = arith.muli %parallel_loop3A_165, %parallel_loop3A_322 : i32
        %parallel_loop3A_324 = arith.index_cast %parallel_loop3A_323 : i32 to index
        %parallel_loop3A_325 = tpu.vector_load %arg7[%parallel_loop3A_324] {strides = array<i32>} : memref<256xi32, #tpu.memory_space<vmem>>, vector<16xi32>,
        tpu.vector_store %arg7[%parallel_loop3A_324], %parallel_loop3A_274 {strides = array<i32>} : memref<256xi32, #tpu.memory_space<vmem>>, vector<16xi32>,
        %parallel_loop3A_326 = arith.constant 16 : i32
        %parallel_loop3A_327 = arith.muli %parallel_loop3A_165, %parallel_loop3A_326 : i32
        %parallel_loop3A_328 = arith.index_cast %parallel_loop3A_327 : i32 to index
        %parallel_loop3A_329 = tpu.vector_load %arg8[%parallel_loop3A_328] {strides = array<i32>} : memref<256xi32, #tpu.memory_space<vmem>>, vector<16xi32>,
        tpu.vector_store %arg8[%parallel_loop3A_328], %parallel_loop3A_321 {strides = array<i32>} : memref<256xi32, #tpu.memory_space<vmem>>, vector<16xi32>,
      } {sc.loop_unroll_factor = 2 : i64, sc.parallel_access}
      %while3A_98 = arith.constant 0 : i32
      %while3A_99 = arith.constant 16 : i32
      %while3A_100 = arith.constant 0 : i32
      %while3A_101 = arith.subi %while3A_99, %while3A_98 : i32
      %while3A_102 = arith.addi %while3A_98, %while3A_101 : i32
      %while3A_103 = arith.constant 1 : i32
      %while3A_104 = arith.divsi %while3A_101, %while3A_103 : i32
      %while3A_105 = arith.muli %while3A_104, %while3A_103 : i32
      %while3A_106 = arith.addi %while3A_98, %while3A_105 : i32
      %while3A_107 = arith.constant 1 : i32
      %while3A_108 = scf.for %while3A_165 = %while3A_98 to %while3A_106 step %while3A_107 iter_args(%while3A_166 = %while3A_100) -> (i32)  : i32 {
        %mul3A_167 = arith.constant 16 : i32
        %mul3A_168 = arith.muli %while3A_165, %mul3A_167 : i32
        %get3A = arith.index_cast %mul3A_168 : i32 to index
        %get3A_169 = tpu.vector_load %arg7[%get3A] {strides = array<i32>} : memref<256xi32, #tpu.memory_space<vmem>>, vector<16xi32>,
        %mul3A_170 = arith.constant 16 : i32
        %mul3A_171 = arith.muli %while3A_165, %mul3A_170 : i32
        %get3A_172 = arith.index_cast %mul3A_171 : i32 to index
        %get3A_173 = tpu.vector_load %arg8[%get3A_172] {strides = array<i32>} : memref<256xi32, #tpu.memory_space<vmem>>, vector<16xi32>,
        %and3A = arith.constant 1 : i32
        %and3A_174 = vector.broadcast %and3A : i32 to vector<16xi32>
        %and3A_175 = arith.andi %get3A_173, %and3A_174 : vector<16xi32>
        %xor3A = arith.constant 1 : i32
        %xor3A_176 = vector.broadcast %xor3A : i32 to vector<16xi32>
        %xor3A_177 = arith.xori %and3A_175, %xor3A_176 : vector<16xi32>
        %shift_left3A = arith.constant 31 : i32
        %shift_left3A_178 = vector.broadcast %shift_left3A : i32 to vector<16xi32>
        %shift_left3A_179 = arith.shli %xor3A_177, %shift_left3A_178 : vector<16xi32>
        %xor3A_180 = arith.constant -2147483648 : i32
        %xor3A_181 = vector.broadcast %xor3A_180 : i32 to vector<16xi32>
        %xor3A_182 = arith.xori %shift_left3A_179, %xor3A_181 : vector<16xi32>
        %mul3A_183 = arith.constant 16 : i32
        %mul3A_184 = arith.muli %while3A_165, %mul3A_183 : i32
        %add3A_185 = vector.broadcast %mul3A_184 : i32 to vector<16xi32>
        %add3A_186 = arith.addi %iota3A, %add3A_185 : vector<16xi32>
        %parallel_loop3A_187 = arith.constant 0 : i32
        %parallel_loop3A_188 = arith.constant 64 : i32
        %parallel_loop3A_189 = arith.constant 1 : i32
        scf.for %parallel_loop3A_191 = %parallel_loop3A_187 to %parallel_loop3A_188 step %parallel_loop3A_189  : i32 {
          %parallel_loop3A_192 = arith.index_cast %parallel_loop3A_191 : i32 to index
          %parallel_loop3A_193 = memref.load %arg9[%parallel_loop3A_192] : memref<64xi32, #tpu.memory_space<smem>>
          %parallel_loop3A_194 = arith.index_cast %parallel_loop3A_191 : i32 to index
          %parallel_loop3A_195 = memref.load %arg10[%parallel_loop3A_194] : memref<64xi32, #tpu.memory_space<smem>>
          %parallel_loop3A_196 = vector.broadcast %parallel_loop3A_191 : i32 to vector<16xi32>
          %parallel_loop3A_197 = arith.addi %get3A_169, %parallel_loop3A_196 : vector<16xi32>
          %parallel_loop3A_198 = tpu.vector_load_idx %arg5[%parallel_loop3A_197] : memref<64064xf32, #tpu.memory_space<vmem>>[vector<16xi32>], vector<16xf32>,
          %parallel_loop3A_199 = vector.broadcast %parallel_loop3A_193 : i32 to vector<16xi32>
          %parallel_loop3A_200 = arith.cmpi sgt, %get3A_173, %parallel_loop3A_199 : vector<16xi32>
          %parallel_loop3A_201 = arith.select %parallel_loop3A_200, %xor3A_182, %shift_left3A_179 : vector<16xi1>, vector<16xi32>
          %parallel_loop3A_202 = vector.bitcast %parallel_loop3A_198 : vector<16xf32> to vector<16xi32>
          %parallel_loop3A_203 = arith.xori %parallel_loop3A_202, %parallel_loop3A_201 : vector<16xi32>
          %parallel_loop3A_204 = vector.broadcast %parallel_loop3A_195 : i32 to vector<16xi32>
          %parallel_loop3A_205 = arith.xori %parallel_loop3A_203, %parallel_loop3A_204 : vector<16xi32>
          %parallel_loop3A_206 = vector.broadcast %parallel_loop3A_191 : i32 to vector<16xi32>
          %parallel_loop3A_207 = vector.bitcast %parallel_loop3A_205 : vector<16xi32> to vector<16xf32>
          tpu.vector_store_idx %arg11[%add3A_186, %parallel_loop3A_206], %parallel_loop3A_207 : memref<256x65xf32, #tpu.memory_space<vmem>>[vector<16xi32>, vector<16xi32>], vector<16xf32>,
        } {sc.loop_unroll_factor = 8 : i64, sc.parallel_access}
        %while3A_190 = arith.constant 0 : i32
        scf.yield %while3A_190 : i32
      }
      %while3A_109 = arith.constant 1 : i32
      %while3A_110 = scf.for %while3A_165 = %while3A_106 to %while3A_102 step %while3A_109 iter_args(%while3A_166 = %while3A_108) -> (i32)  : i32 {
        %mul3A_167 = arith.constant 16 : i32
        %mul3A_168 = arith.muli %while3A_165, %mul3A_167 : i32
        %get3A = arith.index_cast %mul3A_168 : i32 to index
        %get3A_169 = tpu.vector_load %arg7[%get3A] {strides = array<i32>} : memref<256xi32, #tpu.memory_space<vmem>>, vector<16xi32>,
        %mul3A_170 = arith.constant 16 : i32
        %mul3A_171 = arith.muli %while3A_165, %mul3A_170 : i32
        %get3A_172 = arith.index_cast %mul3A_171 : i32 to index
        %get3A_173 = tpu.vector_load %arg8[%get3A_172] {strides = array<i32>} : memref<256xi32, #tpu.memory_space<vmem>>, vector<16xi32>,
        %and3A = arith.constant 1 : i32
        %and3A_174 = vector.broadcast %and3A : i32 to vector<16xi32>
        %and3A_175 = arith.andi %get3A_173, %and3A_174 : vector<16xi32>
        %xor3A = arith.constant 1 : i32
        %xor3A_176 = vector.broadcast %xor3A : i32 to vector<16xi32>
        %xor3A_177 = arith.xori %and3A_175, %xor3A_176 : vector<16xi32>
        %shift_left3A = arith.constant 31 : i32
        %shift_left3A_178 = vector.broadcast %shift_left3A : i32 to vector<16xi32>
        %shift_left3A_179 = arith.shli %xor3A_177, %shift_left3A_178 : vector<16xi32>
        %xor3A_180 = arith.constant -2147483648 : i32
        %xor3A_181 = vector.broadcast %xor3A_180 : i32 to vector<16xi32>
        %xor3A_182 = arith.xori %shift_left3A_179, %xor3A_181 : vector<16xi32>
        %mul3A_183 = arith.constant 16 : i32
        %mul3A_184 = arith.muli %while3A_165, %mul3A_183 : i32
        %add3A_185 = vector.broadcast %mul3A_184 : i32 to vector<16xi32>
        %add3A_186 = arith.addi %iota3A, %add3A_185 : vector<16xi32>
        %parallel_loop3A_187 = arith.constant 0 : i32
        %parallel_loop3A_188 = arith.constant 64 : i32
        %parallel_loop3A_189 = arith.constant 1 : i32
        scf.for %parallel_loop3A_191 = %parallel_loop3A_187 to %parallel_loop3A_188 step %parallel_loop3A_189  : i32 {
          %parallel_loop3A_192 = arith.index_cast %parallel_loop3A_191 : i32 to index
          %parallel_loop3A_193 = memref.load %arg9[%parallel_loop3A_192] : memref<64xi32, #tpu.memory_space<smem>>
          %parallel_loop3A_194 = arith.index_cast %parallel_loop3A_191 : i32 to index
          %parallel_loop3A_195 = memref.load %arg10[%parallel_loop3A_194] : memref<64xi32, #tpu.memory_space<smem>>
          %parallel_loop3A_196 = vector.broadcast %parallel_loop3A_191 : i32 to vector<16xi32>
          %parallel_loop3A_197 = arith.addi %get3A_169, %parallel_loop3A_196 : vector<16xi32>
          %parallel_loop3A_198 = tpu.vector_load_idx %arg5[%parallel_loop3A_197] : memref<64064xf32, #tpu.memory_space<vmem>>[vector<16xi32>], vector<16xf32>,
          %parallel_loop3A_199 = vector.broadcast %parallel_loop3A_193 : i32 to vector<16xi32>
          %parallel_loop3A_200 = arith.cmpi sgt, %get3A_173, %parallel_loop3A_199 : vector<16xi32>
          %parallel_loop3A_201 = arith.select %parallel_loop3A_200, %xor3A_182, %shift_left3A_179 : vector<16xi1>, vector<16xi32>
          %parallel_loop3A_202 = vector.bitcast %parallel_loop3A_198 : vector<16xf32> to vector<16xi32>
          %parallel_loop3A_203 = arith.xori %parallel_loop3A_202, %parallel_loop3A_201 : vector<16xi32>
          %parallel_loop3A_204 = vector.broadcast %parallel_loop3A_195 : i32 to vector<16xi32>
          %parallel_loop3A_205 = arith.xori %parallel_loop3A_203, %parallel_loop3A_204 : vector<16xi32>
          %parallel_loop3A_206 = vector.broadcast %parallel_loop3A_191 : i32 to vector<16xi32>
          %parallel_loop3A_207 = vector.bitcast %parallel_loop3A_205 : vector<16xi32> to vector<16xf32>
          tpu.vector_store_idx %arg11[%add3A_186, %parallel_loop3A_206], %parallel_loop3A_207 : memref<256x65xf32, #tpu.memory_space<vmem>>[vector<16xi32>, vector<16xi32>], vector<16xf32>,
        } {sc.loop_unroll_factor = 8 : i64, sc.parallel_access}
        %while3A_190 = arith.constant 0 : i32
        scf.yield %while3A_190 : i32
      }
      %mul3A_111 = arith.constant 3328 : i32
      %mul3A_112 = arith.muli %add3A, %mul3A_111 : i32
      %mul3A_113 = arith.constant 256 : i32
      %mul3A_114 = arith.muli %mul3A_92, %mul3A_113 : i32
      %add3A_115 = arith.addi %mul3A_112, %mul3A_114 : i32
      %dma_start3A_116 = arith.constant 0 : i32
      %dma_start3A_117 = arith.constant 0 : i32
      %dma_start3A_118 = tpu.memref_slice %arg11[%dma_start3A_117, %dma_start3A_116] : memref<256x65xf32, #tpu.memory_space<vmem>> -> memref<256x64xf32, #tpu.memory_space<vmem>>
      %dma_start3A_119 = arith.constant 0 : i32
      %dma_start3A_120 = tpu.memref_slice %arg4[%add3A_115, %dma_start3A_119] : memref<106496x64xf32, #tpu.memory_space<hbm>> -> memref<256x64xf32, #tpu.memory_space<hbm>>
      %dma_start3A_121 = arith.constant 0 : i32
      %dma_start3A_122 = tpu.memref_slice %arg4[%add3A_115, %dma_start3A_121] : memref<106496x64xf32, #tpu.memory_space<hbm>> -> memref<256x64xf32, #tpu.memory_space<hbm>>
      %dma_start3A_123 = arith.constant 0 : i32
      %dma_start3A_124 = tpu.memref_slice %arg11[%dma_start3A_123, %dma_start3A_116] : memref<256x65xf32, #tpu.memory_space<vmem>> -> memref<256x64xf32, #tpu.memory_space<vmem>>
      tpu.enqueue_dma source(%dma_start3A_124 : memref<256x64xf32, #tpu.memory_space<vmem>>) target(%dma_start3A_122 : memref<256x64xf32, #tpu.memory_space<hbm>>) target_semaphore(%arg13 : memref<!tpu.dma_semaphore, #tpu.memory_space<semaphore_mem>>)
      %gt3A_125 = arith.constant 0 : i32
      %gt3A_126 = arith.cmpi sgt, %while3A_89, %gt3A_125 : i32
      %convert_element_type3A_127 = arith.extui %gt3A_126 : i1 to i32
      %cond3A_128 = arith.constant 0 : i32
      %cond3A_129 = arith.cmpi ne, %convert_element_type3A_127, %cond3A_128 : i32
      scf.if %cond3A_129 {
        %dma_wait3A_165 = arith.constant 0 : i32
        %dma_wait3A_166 = arith.constant 0 : i32
        %dma_wait3A_167 = arith.constant 0 : i32
        %dma_wait3A_168 = tpu.memref_slice %arg12[%dma_wait3A_167, %dma_wait3A_165] : memref<256x65xf32, #tpu.memory_space<vmem>> -> memref<256x64xf32, #tpu.memory_space<vmem>>
        %dma_wait3A_169 = arith.constant 0 : i32
        %dma_wait3A_170 = tpu.memref_slice %arg4[%dma_wait3A_166, %dma_wait3A_169] : memref<106496x64xf32, #tpu.memory_space<hbm>> -> memref<256x64xf32, #tpu.memory_space<hbm>>
        %dma_wait3A_171 = arith.constant 0 : i32
        %dma_wait3A_172 = tpu.memref_slice %arg4[%dma_wait3A_166, %dma_wait3A_171] : memref<106496x64xf32, #tpu.memory_space<hbm>> -> memref<256x64xf32, #tpu.memory_space<hbm>>
        %dma_wait3A_173 = arith.constant 0 : i32
        %dma_wait3A_174 = tpu.memref_slice %arg12[%dma_wait3A_173, %dma_wait3A_165] : memref<256x65xf32, #tpu.memory_space<vmem>> -> memref<256x64xf32, #tpu.memory_space<vmem>>
        tpu.wait_dma2 semaphore(%arg14 : memref<!tpu.dma_semaphore, #tpu.memory_space<semaphore_mem>>) src(%dma_wait3A_174 : memref<256x64xf32, #tpu.memory_space<vmem>>) dst(%dma_wait3A_172 : memref<256x64xf32, #tpu.memory_space<hbm>>)
      } else {
      }
      %add3A_130 = arith.constant 1 : i32
      %add3A_131 = arith.addi %mul3A_92, %add3A_130 : i32
      %parallel_loop3A_132 = arith.constant 0 : i32
      %parallel_loop3A_133 = arith.constant 16 : i32
      %parallel_loop3A_134 = arith.constant 1 : i32
      scf.for %parallel_loop3A_165 = %parallel_loop3A_132 to %parallel_loop3A_133 step %parallel_loop3A_134  : i32 {
        %parallel_loop3A_166 = arith.constant 256 : i32
        %parallel_loop3A_167 = arith.muli %add3A_131, %parallel_loop3A_166 : i32
        %parallel_loop3A_168 = arith.constant 16 : i32
        %parallel_loop3A_169 = arith.muli %parallel_loop3A_165, %parallel_loop3A_168 : i32
        %parallel_loop3A_170 = arith.addi %parallel_loop3A_167, %parallel_loop3A_169 : i32
        %parallel_loop3A_171 = arith.index_cast %parallel_loop3A_170 : i32 to index
        %parallel_loop3A_172 = tpu.vector_load %arg6[%parallel_loop3A_171] {strides = array<i32>} : memref<3328xi32, #tpu.memory_space<vmem>>, vector<16xi32>,
        %parallel_loop3A_173 = arith.constant 16 : i32
        %parallel_loop3A_174 = vector.broadcast %parallel_loop3A_173 : i32 to vector<16xi32>
        %parallel_loop3A_175 = arith.shrsi %parallel_loop3A_172, %parallel_loop3A_174 : vector<16xi32>
        %parallel_loop3A_176 = arith.constant 65535 : i32
        %parallel_loop3A_177 = vector.broadcast %parallel_loop3A_176 : i32 to vector<16xi32>
        %parallel_loop3A_178 = arith.andi %parallel_loop3A_172, %parallel_loop3A_177 : vector<16xi32>
        %parallel_loop3A_179 = arith.constant 1664525 : i32
        %parallel_loop3A_180 = vector.broadcast %parallel_loop3A_179 : i32 to vector<16xi32>
        %parallel_loop3A_181 = arith.muli %parallel_loop3A_180, %parallel_loop3A_175 : vector<16xi32>
        %parallel_loop3A_182 = arith.constant 32767 : i32
        %parallel_loop3A_183 = vector.broadcast %parallel_loop3A_182 : i32 to vector<16xi32>
        %parallel_loop3A_184 = arith.andi %parallel_loop3A_181, %parallel_loop3A_183 : vector<16xi32>
        %parallel_loop3A_185 = arith.constant 16 : i32
        %parallel_loop3A_186 = vector.broadcast %parallel_loop3A_185 : i32 to vector<16xi32>
        %parallel_loop3A_187 = arith.shli %parallel_loop3A_184, %parallel_loop3A_186 : vector<16xi32>
        %parallel_loop3A_188 = arith.constant 15 : i32
        %parallel_loop3A_189 = vector.broadcast %parallel_loop3A_188 : i32 to vector<16xi32>
        %parallel_loop3A_190 = arith.shrsi %parallel_loop3A_181, %parallel_loop3A_189 : vector<16xi32>
        %parallel_loop3A_191 = arith.addi %parallel_loop3A_187, %parallel_loop3A_190 : vector<16xi32>
        %parallel_loop3A_192 = arith.constant 6502 : i32
        %parallel_loop3A_193 = vector.broadcast %parallel_loop3A_192 : i32 to vector<16xi32>
        %parallel_loop3A_194 = arith.muli %parallel_loop3A_193, %parallel_loop3A_178 : vector<16xi32>
        %parallel_loop3A_195 = arith.constant 8388607 : i32
        %parallel_loop3A_196 = vector.broadcast %parallel_loop3A_195 : i32 to vector<16xi32>
        %parallel_loop3A_197 = arith.andi %parallel_loop3A_194, %parallel_loop3A_196 : vector<16xi32>
        %parallel_loop3A_198 = arith.constant 8 : i32
        %parallel_loop3A_199 = vector.broadcast %parallel_loop3A_198 : i32 to vector<16xi32>
        %parallel_loop3A_200 = arith.shli %parallel_loop3A_197, %parallel_loop3A_199 : vector<16xi32>
        %parallel_loop3A_201 = arith.constant 23 : i32
        %parallel_loop3A_202 = vector.broadcast %parallel_loop3A_201 : i32 to vector<16xi32>
        %parallel_loop3A_203 = arith.shrsi %parallel_loop3A_194, %parallel_loop3A_202 : vector<16xi32>
        %parallel_loop3A_204 = arith.addi %parallel_loop3A_200, %parallel_loop3A_203 : vector<16xi32>
        %parallel_loop3A_205 = arith.constant 13 : i32
        %parallel_loop3A_206 = vector.broadcast %parallel_loop3A_205 : i32 to vector<16xi32>
        %parallel_loop3A_207 = arith.muli %parallel_loop3A_206, %parallel_loop3A_178 : vector<16xi32>
        %parallel_loop3A_208 = arith.constant 2147483647 : i32
        %parallel_loop3A_209 = vector.broadcast %parallel_loop3A_208 : i32 to vector<16xi32>
        %parallel_loop3A_210 = arith.subi %parallel_loop3A_209, %parallel_loop3A_204 : vector<16xi32>
        %parallel_loop3A_211 = arith.subi %parallel_loop3A_191, %parallel_loop3A_210 : vector<16xi32>
        %parallel_loop3A_212 = arith.constant 0 : i32
        %parallel_loop3A_213 = vector.broadcast %parallel_loop3A_212 : i32 to vector<16xi32>
        %parallel_loop3A_214 = arith.cmpi slt, %parallel_loop3A_211, %parallel_loop3A_213 : vector<16xi32>
        %parallel_loop3A_215 = arith.addi %parallel_loop3A_191, %parallel_loop3A_204 : vector<16xi32>
        %parallel_loop3A_216 = arith.select %parallel_loop3A_214, %parallel_loop3A_215, %parallel_loop3A_211 : vector<16xi1>, vector<16xi32>
        %parallel_loop3A_217 = arith.constant 2147483647 : i32
        %parallel_loop3A_218 = arith.constant 1013904223 : i32
        %parallel_loop3A_219 = arith.subi %parallel_loop3A_217, %parallel_loop3A_218 : i32
        %parallel_loop3A_220 = vector.broadcast %parallel_loop3A_219 : i32 to vector<16xi32>
        %parallel_loop3A_221 = arith.subi %parallel_loop3A_207, %parallel_loop3A_220 : vector<16xi32>
        %parallel_loop3A_222 = arith.constant 0 : i32
        %parallel_loop3A_223 = vector.broadcast %parallel_loop3A_222 : i32 to vector<16xi32>
        %parallel_loop3A_224 = arith.cmpi slt, %parallel_loop3A_221, %parallel_loop3A_223 : vector<16xi32>
        %parallel_loop3A_225 = arith.constant 1013904223 : i32
        %parallel_loop3A_226 = vector.broadcast %parallel_loop3A_225 : i32 to vector<16xi32>
        %parallel_loop3A_227 = arith.addi %parallel_loop3A_207, %parallel_loop3A_226 : vector<16xi32>
        %parallel_loop3A_228 = arith.select %parallel_loop3A_224, %parallel_loop3A_227, %parallel_loop3A_221 : vector<16xi1>, vector<16xi32>
        %parallel_loop3A_229 = arith.constant 2147483647 : i32
        %parallel_loop3A_230 = vector.broadcast %parallel_loop3A_229 : i32 to vector<16xi32>
        %parallel_loop3A_231 = arith.subi %parallel_loop3A_230, %parallel_loop3A_228 : vector<16xi32>
        %parallel_loop3A_232 = arith.subi %parallel_loop3A_216, %parallel_loop3A_231 : vector<16xi32>
        %parallel_loop3A_233 = arith.constant 0 : i32
        %parallel_loop3A_234 = vector.broadcast %parallel_loop3A_233 : i32 to vector<16xi32>
        %parallel_loop3A_235 = arith.cmpi slt, %parallel_loop3A_232, %parallel_loop3A_234 : vector<16xi32>
        %parallel_loop3A_236 = arith.addi %parallel_loop3A_216, %parallel_loop3A_228 : vector<16xi32>
        %parallel_loop3A_237 = arith.select %parallel_loop3A_235, %parallel_loop3A_236, %parallel_loop3A_232 : vector<16xi1>, vector<16xi32>
        %parallel_loop3A_238 = arith.constant 16 : i32
        %parallel_loop3A_239 = vector.broadcast %parallel_loop3A_238 : i32 to vector<16xi32>
        %parallel_loop3A_240 = arith.shrsi %parallel_loop3A_237, %parallel_loop3A_239 : vector<16xi32>
        %parallel_loop3A_241 = arith.constant 1536 : i32
        %parallel_loop3A_242 = vector.broadcast %parallel_loop3A_241 : i32 to vector<16xi32>
        %parallel_loop3A_243 = arith.muli %parallel_loop3A_240, %parallel_loop3A_242 : vector<16xi32>
        %parallel_loop3A_244 = arith.constant 65535 : i32
        %parallel_loop3A_245 = vector.broadcast %parallel_loop3A_244 : i32 to vector<16xi32>
        %parallel_loop3A_246 = arith.andi %parallel_loop3A_237, %parallel_loop3A_245 : vector<16xi32>
        %parallel_loop3A_247 = arith.addi %parallel_loop3A_243, %parallel_loop3A_246 : vector<16xi32>
        %parallel_loop3A_248 = arith.constant 16 : i32
        %parallel_loop3A_249 = vector.broadcast %parallel_loop3A_248 : i32 to vector<16xi32>
        %parallel_loop3A_250 = arith.shrsi %parallel_loop3A_247, %parallel_loop3A_249 : vector<16xi32>
        %parallel_loop3A_251 = arith.constant 1536 : i32
        %parallel_loop3A_252 = vector.broadcast %parallel_loop3A_251 : i32 to vector<16xi32>
        %parallel_loop3A_253 = arith.muli %parallel_loop3A_250, %parallel_loop3A_252 : vector<16xi32>
        %parallel_loop3A_254 = arith.constant 65535 : i32
        %parallel_loop3A_255 = vector.broadcast %parallel_loop3A_254 : i32 to vector<16xi32>
        %parallel_loop3A_256 = arith.andi %parallel_loop3A_247, %parallel_loop3A_255 : vector<16xi32>
        %parallel_loop3A_257 = arith.addi %parallel_loop3A_253, %parallel_loop3A_256 : vector<16xi32>
        %parallel_loop3A_258 = arith.constant 16 : i32
        %parallel_loop3A_259 = vector.broadcast %parallel_loop3A_258 : i32 to vector<16xi32>
        %parallel_loop3A_260 = arith.shrsi %parallel_loop3A_257, %parallel_loop3A_259 : vector<16xi32>
        %parallel_loop3A_261 = arith.constant 1536 : i32
        %parallel_loop3A_262 = vector.broadcast %parallel_loop3A_261 : i32 to vector<16xi32>
        %parallel_loop3A_263 = arith.muli %parallel_loop3A_260, %parallel_loop3A_262 : vector<16xi32>
        %parallel_loop3A_264 = arith.constant 65535 : i32
        %parallel_loop3A_265 = vector.broadcast %parallel_loop3A_264 : i32 to vector<16xi32>
        %parallel_loop3A_266 = arith.andi %parallel_loop3A_257, %parallel_loop3A_265 : vector<16xi32>
        %parallel_loop3A_267 = arith.addi %parallel_loop3A_263, %parallel_loop3A_266 : vector<16xi32>
        %parallel_loop3A_268 = arith.constant 64000 : i32
        %parallel_loop3A_269 = vector.broadcast %parallel_loop3A_268 : i32 to vector<16xi32>
        %parallel_loop3A_270 = arith.subi %parallel_loop3A_267, %parallel_loop3A_269 : vector<16xi32>
        %parallel_loop3A_271 = arith.constant 0 : i32
        %parallel_loop3A_272 = vector.broadcast %parallel_loop3A_271 : i32 to vector<16xi32>
        %parallel_loop3A_273 = arith.cmpi slt, %parallel_loop3A_270, %parallel_loop3A_272 : vector<16xi32>
        %parallel_loop3A_274 = arith.select %parallel_loop3A_273, %parallel_loop3A_267, %parallel_loop3A_270 : vector<16xi1>, vector<16xi32>
        %parallel_loop3A_275 = arith.constant 22695477 : i32
        %parallel_loop3A_276 = vector.broadcast %parallel_loop3A_275 : i32 to vector<16xi32>
        %parallel_loop3A_277 = arith.muli %parallel_loop3A_276, %parallel_loop3A_175 : vector<16xi32>
        %parallel_loop3A_278 = arith.constant 32767 : i32
        %parallel_loop3A_279 = vector.broadcast %parallel_loop3A_278 : i32 to vector<16xi32>
        %parallel_loop3A_280 = arith.andi %parallel_loop3A_277, %parallel_loop3A_279 : vector<16xi32>
        %parallel_loop3A_281 = arith.constant 16 : i32
        %parallel_loop3A_282 = vector.broadcast %parallel_loop3A_281 : i32 to vector<16xi32>
        %parallel_loop3A_283 = arith.shli %parallel_loop3A_280, %parallel_loop3A_282 : vector<16xi32>
        %parallel_loop3A_284 = arith.constant 15 : i32
        %parallel_loop3A_285 = vector.broadcast %parallel_loop3A_284 : i32 to vector<16xi32>
        %parallel_loop3A_286 = arith.shrsi %parallel_loop3A_277, %parallel_loop3A_285 : vector<16xi32>
        %parallel_loop3A_287 = arith.addi %parallel_loop3A_283, %parallel_loop3A_286 : vector<16xi32>
        %parallel_loop3A_288 = arith.constant 5540 : i32
        %parallel_loop3A_289 = vector.broadcast %parallel_loop3A_288 : i32 to vector<16xi32>
        %parallel_loop3A_290 = arith.muli %parallel_loop3A_289, %parallel_loop3A_178 : vector<16xi32>
        %parallel_loop3A_291 = arith.constant 524287 : i32
        %parallel_loop3A_292 = vector.broadcast %parallel_loop3A_291 : i32 to vector<16xi32>
        %parallel_loop3A_293 = arith.andi %parallel_loop3A_290, %parallel_loop3A_292 : vector<16xi32>
        %parallel_loop3A_294 = arith.constant 12 : i32
        %parallel_loop3A_295 = vector.broadcast %parallel_loop3A_294 : i32 to vector<16xi32>
        %parallel_loop3A_296 = arith.shli %parallel_loop3A_293, %parallel_loop3A_295 : vector<16xi32>
        %parallel_loop3A_297 = arith.constant 19 : i32
        %parallel_loop3A_298 = vector.broadcast %parallel_loop3A_297 : i32 to vector<16xi32>
        %parallel_loop3A_299 = arith.shrsi %parallel_loop3A_290, %parallel_loop3A_298 : vector<16xi32>
        %parallel_loop3A_300 = arith.addi %parallel_loop3A_296, %parallel_loop3A_299 : vector<16xi32>
        %parallel_loop3A_301 = arith.constant 3637 : i32
        %parallel_loop3A_302 = vector.broadcast %parallel_loop3A_301 : i32 to vector<16xi32>
        %parallel_loop3A_303 = arith.muli %parallel_loop3A_302, %parallel_loop3A_178 : vector<16xi32>
        %parallel_loop3A_304 = arith.constant 2147483647 : i32
        %parallel_loop3A_305 = vector.broadcast %parallel_loop3A_304 : i32 to vector<16xi32>
        %parallel_loop3A_306 = arith.subi %parallel_loop3A_305, %parallel_loop3A_300 : vector<16xi32>
        %parallel_loop3A_307 = arith.subi %parallel_loop3A_287, %parallel_loop3A_306 : vector<16xi32>
        %parallel_loop3A_308 = arith.constant 0 : i32
        %parallel_loop3A_309 = vector.broadcast %parallel_loop3A_308 : i32 to vector<16xi32>
        %parallel_loop3A_310 = arith.cmpi slt, %parallel_loop3A_307, %parallel_loop3A_309 : vector<16xi32>
        %parallel_loop3A_311 = arith.addi %parallel_loop3A_287, %parallel_loop3A_300 : vector<16xi32>
        %parallel_loop3A_312 = arith.select %parallel_loop3A_310, %parallel_loop3A_311, %parallel_loop3A_307 : vector<16xi1>, vector<16xi32>
        %parallel_loop3A_313 = arith.constant 2147483647 : i32
        %parallel_loop3A_314 = vector.broadcast %parallel_loop3A_313 : i32 to vector<16xi32>
        %parallel_loop3A_315 = arith.subi %parallel_loop3A_314, %parallel_loop3A_303 : vector<16xi32>
        %parallel_loop3A_316 = arith.subi %parallel_loop3A_312, %parallel_loop3A_315 : vector<16xi32>
        %parallel_loop3A_317 = arith.constant 0 : i32
        %parallel_loop3A_318 = vector.broadcast %parallel_loop3A_317 : i32 to vector<16xi32>
        %parallel_loop3A_319 = arith.cmpi slt, %parallel_loop3A_316, %parallel_loop3A_318 : vector<16xi32>
        %parallel_loop3A_320 = arith.addi %parallel_loop3A_312, %parallel_loop3A_303 : vector<16xi32>
        %parallel_loop3A_321 = arith.select %parallel_loop3A_319, %parallel_loop3A_320, %parallel_loop3A_316 : vector<16xi1>, vector<16xi32>
        %parallel_loop3A_322 = arith.constant 16 : i32
        %parallel_loop3A_323 = arith.muli %parallel_loop3A_165, %parallel_loop3A_322 : i32
        %parallel_loop3A_324 = arith.index_cast %parallel_loop3A_323 : i32 to index
        %parallel_loop3A_325 = tpu.vector_load %arg7[%parallel_loop3A_324] {strides = array<i32>} : memref<256xi32, #tpu.memory_space<vmem>>, vector<16xi32>,
        tpu.vector_store %arg7[%parallel_loop3A_324], %parallel_loop3A_274 {strides = array<i32>} : memref<256xi32, #tpu.memory_space<vmem>>, vector<16xi32>,
        %parallel_loop3A_326 = arith.constant 16 : i32
        %parallel_loop3A_327 = arith.muli %parallel_loop3A_165, %parallel_loop3A_326 : i32
        %parallel_loop3A_328 = arith.index_cast %parallel_loop3A_327 : i32 to index
        %parallel_loop3A_329 = tpu.vector_load %arg8[%parallel_loop3A_328] {strides = array<i32>} : memref<256xi32, #tpu.memory_space<vmem>>, vector<16xi32>,
        tpu.vector_store %arg8[%parallel_loop3A_328], %parallel_loop3A_321 {strides = array<i32>} : memref<256xi32, #tpu.memory_space<vmem>>, vector<16xi32>,
      } {sc.loop_unroll_factor = 2 : i64, sc.parallel_access}
      %while3A_135 = arith.constant 0 : i32
      %while3A_136 = arith.constant 16 : i32
      %while3A_137 = arith.constant 0 : i32
      %while3A_138 = arith.subi %while3A_136, %while3A_135 : i32
      %while3A_139 = arith.addi %while3A_135, %while3A_138 : i32
      %while3A_140 = arith.constant 1 : i32
      %while3A_141 = arith.divsi %while3A_138, %while3A_140 : i32
      %while3A_142 = arith.muli %while3A_141, %while3A_140 : i32
      %while3A_143 = arith.addi %while3A_135, %while3A_142 : i32
      %while3A_144 = arith.constant 1 : i32
      %while3A_145 = scf.for %while3A_165 = %while3A_135 to %while3A_143 step %while3A_144 iter_args(%while3A_166 = %while3A_137) -> (i32)  : i32 {
        %mul3A_167 = arith.constant 16 : i32
        %mul3A_168 = arith.muli %while3A_165, %mul3A_167 : i32
        %get3A = arith.index_cast %mul3A_168 : i32 to index
        %get3A_169 = tpu.vector_load %arg7[%get3A] {strides = array<i32>} : memref<256xi32, #tpu.memory_space<vmem>>, vector<16xi32>,
        %mul3A_170 = arith.constant 16 : i32
        %mul3A_171 = arith.muli %while3A_165, %mul3A_170 : i32
        %get3A_172 = arith.index_cast %mul3A_171 : i32 to index
        %get3A_173 = tpu.vector_load %arg8[%get3A_172] {strides = array<i32>} : memref<256xi32, #tpu.memory_space<vmem>>, vector<16xi32>,
        %and3A = arith.constant 1 : i32
        %and3A_174 = vector.broadcast %and3A : i32 to vector<16xi32>
        %and3A_175 = arith.andi %get3A_173, %and3A_174 : vector<16xi32>
        %xor3A = arith.constant 1 : i32
        %xor3A_176 = vector.broadcast %xor3A : i32 to vector<16xi32>
        %xor3A_177 = arith.xori %and3A_175, %xor3A_176 : vector<16xi32>
        %shift_left3A = arith.constant 31 : i32
        %shift_left3A_178 = vector.broadcast %shift_left3A : i32 to vector<16xi32>
        %shift_left3A_179 = arith.shli %xor3A_177, %shift_left3A_178 : vector<16xi32>
        %xor3A_180 = arith.constant -2147483648 : i32
        %xor3A_181 = vector.broadcast %xor3A_180 : i32 to vector<16xi32>
        %xor3A_182 = arith.xori %shift_left3A_179, %xor3A_181 : vector<16xi32>
        %mul3A_183 = arith.constant 16 : i32
        %mul3A_184 = arith.muli %while3A_165, %mul3A_183 : i32
        %add3A_185 = vector.broadcast %mul3A_184 : i32 to vector<16xi32>
        %add3A_186 = arith.addi %iota3A, %add3A_185 : vector<16xi32>
        %parallel_loop3A_187 = arith.constant 0 : i32
        %parallel_loop3A_188 = arith.constant 64 : i32
        %parallel_loop3A_189 = arith.constant 1 : i32
        scf.for %parallel_loop3A_191 = %parallel_loop3A_187 to %parallel_loop3A_188 step %parallel_loop3A_189  : i32 {
          %parallel_loop3A_192 = arith.index_cast %parallel_loop3A_191 : i32 to index
          %parallel_loop3A_193 = memref.load %arg9[%parallel_loop3A_192] : memref<64xi32, #tpu.memory_space<smem>>
          %parallel_loop3A_194 = arith.index_cast %parallel_loop3A_191 : i32 to index
          %parallel_loop3A_195 = memref.load %arg10[%parallel_loop3A_194] : memref<64xi32, #tpu.memory_space<smem>>
          %parallel_loop3A_196 = vector.broadcast %parallel_loop3A_191 : i32 to vector<16xi32>
          %parallel_loop3A_197 = arith.addi %get3A_169, %parallel_loop3A_196 : vector<16xi32>
          %parallel_loop3A_198 = tpu.vector_load_idx %arg5[%parallel_loop3A_197] : memref<64064xf32, #tpu.memory_space<vmem>>[vector<16xi32>], vector<16xf32>,
          %parallel_loop3A_199 = vector.broadcast %parallel_loop3A_193 : i32 to vector<16xi32>
          %parallel_loop3A_200 = arith.cmpi sgt, %get3A_173, %parallel_loop3A_199 : vector<16xi32>
          %parallel_loop3A_201 = arith.select %parallel_loop3A_200, %xor3A_182, %shift_left3A_179 : vector<16xi1>, vector<16xi32>
          %parallel_loop3A_202 = vector.bitcast %parallel_loop3A_198 : vector<16xf32> to vector<16xi32>
          %parallel_loop3A_203 = arith.xori %parallel_loop3A_202, %parallel_loop3A_201 : vector<16xi32>
          %parallel_loop3A_204 = vector.broadcast %parallel_loop3A_195 : i32 to vector<16xi32>
          %parallel_loop3A_205 = arith.xori %parallel_loop3A_203, %parallel_loop3A_204 : vector<16xi32>
          %parallel_loop3A_206 = vector.broadcast %parallel_loop3A_191 : i32 to vector<16xi32>
          %parallel_loop3A_207 = vector.bitcast %parallel_loop3A_205 : vector<16xi32> to vector<16xf32>
          tpu.vector_store_idx %arg12[%add3A_186, %parallel_loop3A_206], %parallel_loop3A_207 : memref<256x65xf32, #tpu.memory_space<vmem>>[vector<16xi32>, vector<16xi32>], vector<16xf32>,
        } {sc.loop_unroll_factor = 8 : i64, sc.parallel_access}
        %while3A_190 = arith.constant 0 : i32
        scf.yield %while3A_190 : i32
      }
      %while3A_146 = arith.constant 1 : i32
      %while3A_147 = scf.for %while3A_165 = %while3A_143 to %while3A_139 step %while3A_146 iter_args(%while3A_166 = %while3A_145) -> (i32)  : i32 {
        %mul3A_167 = arith.constant 16 : i32
        %mul3A_168 = arith.muli %while3A_165, %mul3A_167 : i32
        %get3A = arith.index_cast %mul3A_168 : i32 to index
        %get3A_169 = tpu.vector_load %arg7[%get3A] {strides = array<i32>} : memref<256xi32, #tpu.memory_space<vmem>>, vector<16xi32>,
        %mul3A_170 = arith.constant 16 : i32
        %mul3A_171 = arith.muli %while3A_165, %mul3A_170 : i32
        %get3A_172 = arith.index_cast %mul3A_171 : i32 to index
        %get3A_173 = tpu.vector_load %arg8[%get3A_172] {strides = array<i32>} : memref<256xi32, #tpu.memory_space<vmem>>, vector<16xi32>,
        %and3A = arith.constant 1 : i32
        %and3A_174 = vector.broadcast %and3A : i32 to vector<16xi32>
        %and3A_175 = arith.andi %get3A_173, %and3A_174 : vector<16xi32>
        %xor3A = arith.constant 1 : i32
        %xor3A_176 = vector.broadcast %xor3A : i32 to vector<16xi32>
        %xor3A_177 = arith.xori %and3A_175, %xor3A_176 : vector<16xi32>
        %shift_left3A = arith.constant 31 : i32
        %shift_left3A_178 = vector.broadcast %shift_left3A : i32 to vector<16xi32>
        %shift_left3A_179 = arith.shli %xor3A_177, %shift_left3A_178 : vector<16xi32>
        %xor3A_180 = arith.constant -2147483648 : i32
        %xor3A_181 = vector.broadcast %xor3A_180 : i32 to vector<16xi32>
        %xor3A_182 = arith.xori %shift_left3A_179, %xor3A_181 : vector<16xi32>
        %mul3A_183 = arith.constant 16 : i32
        %mul3A_184 = arith.muli %while3A_165, %mul3A_183 : i32
        %add3A_185 = vector.broadcast %mul3A_184 : i32 to vector<16xi32>
        %add3A_186 = arith.addi %iota3A, %add3A_185 : vector<16xi32>
        %parallel_loop3A_187 = arith.constant 0 : i32
        %parallel_loop3A_188 = arith.constant 64 : i32
        %parallel_loop3A_189 = arith.constant 1 : i32
        scf.for %parallel_loop3A_191 = %parallel_loop3A_187 to %parallel_loop3A_188 step %parallel_loop3A_189  : i32 {
          %parallel_loop3A_192 = arith.index_cast %parallel_loop3A_191 : i32 to index
          %parallel_loop3A_193 = memref.load %arg9[%parallel_loop3A_192] : memref<64xi32, #tpu.memory_space<smem>>
          %parallel_loop3A_194 = arith.index_cast %parallel_loop3A_191 : i32 to index
          %parallel_loop3A_195 = memref.load %arg10[%parallel_loop3A_194] : memref<64xi32, #tpu.memory_space<smem>>
          %parallel_loop3A_196 = vector.broadcast %parallel_loop3A_191 : i32 to vector<16xi32>
          %parallel_loop3A_197 = arith.addi %get3A_169, %parallel_loop3A_196 : vector<16xi32>
          %parallel_loop3A_198 = tpu.vector_load_idx %arg5[%parallel_loop3A_197] : memref<64064xf32, #tpu.memory_space<vmem>>[vector<16xi32>], vector<16xf32>,
          %parallel_loop3A_199 = vector.broadcast %parallel_loop3A_193 : i32 to vector<16xi32>
          %parallel_loop3A_200 = arith.cmpi sgt, %get3A_173, %parallel_loop3A_199 : vector<16xi32>
          %parallel_loop3A_201 = arith.select %parallel_loop3A_200, %xor3A_182, %shift_left3A_179 : vector<16xi1>, vector<16xi32>
          %parallel_loop3A_202 = vector.bitcast %parallel_loop3A_198 : vector<16xf32> to vector<16xi32>
          %parallel_loop3A_203 = arith.xori %parallel_loop3A_202, %parallel_loop3A_201 : vector<16xi32>
          %parallel_loop3A_204 = vector.broadcast %parallel_loop3A_195 : i32 to vector<16xi32>
          %parallel_loop3A_205 = arith.xori %parallel_loop3A_203, %parallel_loop3A_204 : vector<16xi32>
          %parallel_loop3A_206 = vector.broadcast %parallel_loop3A_191 : i32 to vector<16xi32>
          %parallel_loop3A_207 = vector.bitcast %parallel_loop3A_205 : vector<16xi32> to vector<16xf32>
          tpu.vector_store_idx %arg12[%add3A_186, %parallel_loop3A_206], %parallel_loop3A_207 : memref<256x65xf32, #tpu.memory_space<vmem>>[vector<16xi32>, vector<16xi32>], vector<16xf32>,
        } {sc.loop_unroll_factor = 8 : i64, sc.parallel_access}
        %while3A_190 = arith.constant 0 : i32
        scf.yield %while3A_190 : i32
      }
      %add3A_148 = arith.constant 1 : i32
      %add3A_149 = arith.addi %mul3A_92, %add3A_148 : i32
      %mul3A_150 = arith.constant 3328 : i32
      %mul3A_151 = arith.muli %add3A, %mul3A_150 : i32
      %mul3A_152 = arith.constant 256 : i32
      %mul3A_153 = arith.muli %add3A_149, %mul3A_152 : i32
      %add3A_154 = arith.addi %mul3A_151, %mul3A_153 : i32
      %dma_start3A_155 = arith.constant 0 : i32
      %dma_start3A_156 = arith.constant 0 : i32
      %dma_start3A_157 = tpu.memref_slice %arg12[%dma_start3A_156, %dma_start3A_155] : memref<256x65xf32, #tpu.memory_space<vmem>> -> memref<256x64xf32, #tpu.memory_space<vmem>>
      %dma_start3A_158 = arith.constant 0 : i32
      %dma_start3A_159 = tpu.memref_slice %arg4[%add3A_154, %dma_start3A_158] : memref<106496x64xf32, #tpu.memory_space<hbm>> -> memref<256x64xf32, #tpu.memory_space<hbm>>
      %dma_start3A_160 = arith.constant 0 : i32
      %dma_start3A_161 = tpu.memref_slice %arg4[%add3A_154, %dma_start3A_160] : memref<106496x64xf32, #tpu.memory_space<hbm>> -> memref<256x64xf32, #tpu.memory_space<hbm>>
      %dma_start3A_162 = arith.constant 0 : i32
      %dma_start3A_163 = tpu.memref_slice %arg12[%dma_start3A_162, %dma_start3A_155] : memref<256x65xf32, #tpu.memory_space<vmem>> -> memref<256x64xf32, #tpu.memory_space<vmem>>
      tpu.enqueue_dma source(%dma_start3A_163 : memref<256x64xf32, #tpu.memory_space<vmem>>) target(%dma_start3A_161 : memref<256x64xf32, #tpu.memory_space<hbm>>) target_semaphore(%arg14 : memref<!tpu.dma_semaphore, #tpu.memory_space<semaphore_mem>>)
      %while3A_164 = arith.constant 0 : i32
      scf.yield %while3A_164 : i32
    }
    %while3A_28 = arith.constant 1 : i32
    %while3A_29 = scf.for %while3A_89 = %while3A_25 to %while3A_21 step %while3A_28 iter_args(%while3A_90 = %while3A_27) -> (i32)  : i32 {
      %mul3A_91 = arith.constant 2 : i32
      %mul3A_92 = arith.muli %while3A_89, %mul3A_91 : i32
      %gt3A = arith.constant 0 : i32
      %gt3A_93 = arith.cmpi sgt, %while3A_89, %gt3A : i32
      %convert_element_type3A = arith.extui %gt3A_93 : i1 to i32
      %cond3A = arith.constant 0 : i32
      %cond3A_94 = arith.cmpi ne, %convert_element_type3A, %cond3A : i32
      scf.if %cond3A_94 {
        %dma_wait3A_165 = arith.constant 0 : i32
        %dma_wait3A_166 = arith.constant 0 : i32
        %dma_wait3A_167 = arith.constant 0 : i32
        %dma_wait3A_168 = tpu.memref_slice %arg11[%dma_wait3A_167, %dma_wait3A_165] : memref<256x65xf32, #tpu.memory_space<vmem>> -> memref<256x64xf32, #tpu.memory_space<vmem>>
        %dma_wait3A_169 = arith.constant 0 : i32
        %dma_wait3A_170 = tpu.memref_slice %arg4[%dma_wait3A_166, %dma_wait3A_169] : memref<106496x64xf32, #tpu.memory_space<hbm>> -> memref<256x64xf32, #tpu.memory_space<hbm>>
        %dma_wait3A_171 = arith.constant 0 : i32
        %dma_wait3A_172 = tpu.memref_slice %arg4[%dma_wait3A_166, %dma_wait3A_171] : memref<106496x64xf32, #tpu.memory_space<hbm>> -> memref<256x64xf32, #tpu.memory_space<hbm>>
        %dma_wait3A_173 = arith.constant 0 : i32
        %dma_wait3A_174 = tpu.memref_slice %arg11[%dma_wait3A_173, %dma_wait3A_165] : memref<256x65xf32, #tpu.memory_space<vmem>> -> memref<256x64xf32, #tpu.memory_space<vmem>>
        tpu.wait_dma2 semaphore(%arg13 : memref<!tpu.dma_semaphore, #tpu.memory_space<semaphore_mem>>) src(%dma_wait3A_174 : memref<256x64xf32, #tpu.memory_space<vmem>>) dst(%dma_wait3A_172 : memref<256x64xf32, #tpu.memory_space<hbm>>)
      } else {
      }
      %parallel_loop3A_95 = arith.constant 0 : i32
      %parallel_loop3A_96 = arith.constant 16 : i32
      %parallel_loop3A_97 = arith.constant 1 : i32
      scf.for %parallel_loop3A_165 = %parallel_loop3A_95 to %parallel_loop3A_96 step %parallel_loop3A_97  : i32 {
        %parallel_loop3A_166 = arith.constant 256 : i32
        %parallel_loop3A_167 = arith.muli %mul3A_92, %parallel_loop3A_166 : i32
        %parallel_loop3A_168 = arith.constant 16 : i32
        %parallel_loop3A_169 = arith.muli %parallel_loop3A_165, %parallel_loop3A_168 : i32
        %parallel_loop3A_170 = arith.addi %parallel_loop3A_167, %parallel_loop3A_169 : i32
        %parallel_loop3A_171 = arith.index_cast %parallel_loop3A_170 : i32 to index
        %parallel_loop3A_172 = tpu.vector_load %arg6[%parallel_loop3A_171] {strides = array<i32>} : memref<3328xi32, #tpu.memory_space<vmem>>, vector<16xi32>,
        %parallel_loop3A_173 = arith.constant 16 : i32
        %parallel_loop3A_174 = vector.broadcast %parallel_loop3A_173 : i32 to vector<16xi32>
        %parallel_loop3A_175 = arith.shrsi %parallel_loop3A_172, %parallel_loop3A_174 : vector<16xi32>
        %parallel_loop3A_176 = arith.constant 65535 : i32
        %parallel_loop3A_177 = vector.broadcast %parallel_loop3A_176 : i32 to vector<16xi32>
        %parallel_loop3A_178 = arith.andi %parallel_loop3A_172, %parallel_loop3A_177 : vector<16xi32>
        %parallel_loop3A_179 = arith.constant 1664525 : i32
        %parallel_loop3A_180 = vector.broadcast %parallel_loop3A_179 : i32 to vector<16xi32>
        %parallel_loop3A_181 = arith.muli %parallel_loop3A_180, %parallel_loop3A_175 : vector<16xi32>
        %parallel_loop3A_182 = arith.constant 32767 : i32
        %parallel_loop3A_183 = vector.broadcast %parallel_loop3A_182 : i32 to vector<16xi32>
        %parallel_loop3A_184 = arith.andi %parallel_loop3A_181, %parallel_loop3A_183 : vector<16xi32>
        %parallel_loop3A_185 = arith.constant 16 : i32
        %parallel_loop3A_186 = vector.broadcast %parallel_loop3A_185 : i32 to vector<16xi32>
        %parallel_loop3A_187 = arith.shli %parallel_loop3A_184, %parallel_loop3A_186 : vector<16xi32>
        %parallel_loop3A_188 = arith.constant 15 : i32
        %parallel_loop3A_189 = vector.broadcast %parallel_loop3A_188 : i32 to vector<16xi32>
        %parallel_loop3A_190 = arith.shrsi %parallel_loop3A_181, %parallel_loop3A_189 : vector<16xi32>
        %parallel_loop3A_191 = arith.addi %parallel_loop3A_187, %parallel_loop3A_190 : vector<16xi32>
        %parallel_loop3A_192 = arith.constant 6502 : i32
        %parallel_loop3A_193 = vector.broadcast %parallel_loop3A_192 : i32 to vector<16xi32>
        %parallel_loop3A_194 = arith.muli %parallel_loop3A_193, %parallel_loop3A_178 : vector<16xi32>
        %parallel_loop3A_195 = arith.constant 8388607 : i32
        %parallel_loop3A_196 = vector.broadcast %parallel_loop3A_195 : i32 to vector<16xi32>
        %parallel_loop3A_197 = arith.andi %parallel_loop3A_194, %parallel_loop3A_196 : vector<16xi32>
        %parallel_loop3A_198 = arith.constant 8 : i32
        %parallel_loop3A_199 = vector.broadcast %parallel_loop3A_198 : i32 to vector<16xi32>
        %parallel_loop3A_200 = arith.shli %parallel_loop3A_197, %parallel_loop3A_199 : vector<16xi32>
        %parallel_loop3A_201 = arith.constant 23 : i32
        %parallel_loop3A_202 = vector.broadcast %parallel_loop3A_201 : i32 to vector<16xi32>
        %parallel_loop3A_203 = arith.shrsi %parallel_loop3A_194, %parallel_loop3A_202 : vector<16xi32>
        %parallel_loop3A_204 = arith.addi %parallel_loop3A_200, %parallel_loop3A_203 : vector<16xi32>
        %parallel_loop3A_205 = arith.constant 13 : i32
        %parallel_loop3A_206 = vector.broadcast %parallel_loop3A_205 : i32 to vector<16xi32>
        %parallel_loop3A_207 = arith.muli %parallel_loop3A_206, %parallel_loop3A_178 : vector<16xi32>
        %parallel_loop3A_208 = arith.constant 2147483647 : i32
        %parallel_loop3A_209 = vector.broadcast %parallel_loop3A_208 : i32 to vector<16xi32>
        %parallel_loop3A_210 = arith.subi %parallel_loop3A_209, %parallel_loop3A_204 : vector<16xi32>
        %parallel_loop3A_211 = arith.subi %parallel_loop3A_191, %parallel_loop3A_210 : vector<16xi32>
        %parallel_loop3A_212 = arith.constant 0 : i32
        %parallel_loop3A_213 = vector.broadcast %parallel_loop3A_212 : i32 to vector<16xi32>
        %parallel_loop3A_214 = arith.cmpi slt, %parallel_loop3A_211, %parallel_loop3A_213 : vector<16xi32>
        %parallel_loop3A_215 = arith.addi %parallel_loop3A_191, %parallel_loop3A_204 : vector<16xi32>
        %parallel_loop3A_216 = arith.select %parallel_loop3A_214, %parallel_loop3A_215, %parallel_loop3A_211 : vector<16xi1>, vector<16xi32>
        %parallel_loop3A_217 = arith.constant 2147483647 : i32
        %parallel_loop3A_218 = arith.constant 1013904223 : i32
        %parallel_loop3A_219 = arith.subi %parallel_loop3A_217, %parallel_loop3A_218 : i32
        %parallel_loop3A_220 = vector.broadcast %parallel_loop3A_219 : i32 to vector<16xi32>
        %parallel_loop3A_221 = arith.subi %parallel_loop3A_207, %parallel_loop3A_220 : vector<16xi32>
        %parallel_loop3A_222 = arith.constant 0 : i32
        %parallel_loop3A_223 = vector.broadcast %parallel_loop3A_222 : i32 to vector<16xi32>
        %parallel_loop3A_224 = arith.cmpi slt, %parallel_loop3A_221, %parallel_loop3A_223 : vector<16xi32>
        %parallel_loop3A_225 = arith.constant 1013904223 : i32
        %parallel_loop3A_226 = vector.broadcast %parallel_loop3A_225 : i32 to vector<16xi32>
        %parallel_loop3A_227 = arith.addi %parallel_loop3A_207, %parallel_loop3A_226 : vector<16xi32>
        %parallel_loop3A_228 = arith.select %parallel_loop3A_224, %parallel_loop3A_227, %parallel_loop3A_221 : vector<16xi1>, vector<16xi32>
        %parallel_loop3A_229 = arith.constant 2147483647 : i32
        %parallel_loop3A_230 = vector.broadcast %parallel_loop3A_229 : i32 to vector<16xi32>
        %parallel_loop3A_231 = arith.subi %parallel_loop3A_230, %parallel_loop3A_228 : vector<16xi32>
        %parallel_loop3A_232 = arith.subi %parallel_loop3A_216, %parallel_loop3A_231 : vector<16xi32>
        %parallel_loop3A_233 = arith.constant 0 : i32
        %parallel_loop3A_234 = vector.broadcast %parallel_loop3A_233 : i32 to vector<16xi32>
        %parallel_loop3A_235 = arith.cmpi slt, %parallel_loop3A_232, %parallel_loop3A_234 : vector<16xi32>
        %parallel_loop3A_236 = arith.addi %parallel_loop3A_216, %parallel_loop3A_228 : vector<16xi32>
        %parallel_loop3A_237 = arith.select %parallel_loop3A_235, %parallel_loop3A_236, %parallel_loop3A_232 : vector<16xi1>, vector<16xi32>
        %parallel_loop3A_238 = arith.constant 16 : i32
        %parallel_loop3A_239 = vector.broadcast %parallel_loop3A_238 : i32 to vector<16xi32>
        %parallel_loop3A_240 = arith.shrsi %parallel_loop3A_237, %parallel_loop3A_239 : vector<16xi32>
        %parallel_loop3A_241 = arith.constant 1536 : i32
        %parallel_loop3A_242 = vector.broadcast %parallel_loop3A_241 : i32 to vector<16xi32>
        %parallel_loop3A_243 = arith.muli %parallel_loop3A_240, %parallel_loop3A_242 : vector<16xi32>
        %parallel_loop3A_244 = arith.constant 65535 : i32
        %parallel_loop3A_245 = vector.broadcast %parallel_loop3A_244 : i32 to vector<16xi32>
        %parallel_loop3A_246 = arith.andi %parallel_loop3A_237, %parallel_loop3A_245 : vector<16xi32>
        %parallel_loop3A_247 = arith.addi %parallel_loop3A_243, %parallel_loop3A_246 : vector<16xi32>
        %parallel_loop3A_248 = arith.constant 16 : i32
        %parallel_loop3A_249 = vector.broadcast %parallel_loop3A_248 : i32 to vector<16xi32>
        %parallel_loop3A_250 = arith.shrsi %parallel_loop3A_247, %parallel_loop3A_249 : vector<16xi32>
        %parallel_loop3A_251 = arith.constant 1536 : i32
        %parallel_loop3A_252 = vector.broadcast %parallel_loop3A_251 : i32 to vector<16xi32>
        %parallel_loop3A_253 = arith.muli %parallel_loop3A_250, %parallel_loop3A_252 : vector<16xi32>
        %parallel_loop3A_254 = arith.constant 65535 : i32
        %parallel_loop3A_255 = vector.broadcast %parallel_loop3A_254 : i32 to vector<16xi32>
        %parallel_loop3A_256 = arith.andi %parallel_loop3A_247, %parallel_loop3A_255 : vector<16xi32>
        %parallel_loop3A_257 = arith.addi %parallel_loop3A_253, %parallel_loop3A_256 : vector<16xi32>
        %parallel_loop3A_258 = arith.constant 16 : i32
        %parallel_loop3A_259 = vector.broadcast %parallel_loop3A_258 : i32 to vector<16xi32>
        %parallel_loop3A_260 = arith.shrsi %parallel_loop3A_257, %parallel_loop3A_259 : vector<16xi32>
        %parallel_loop3A_261 = arith.constant 1536 : i32
        %parallel_loop3A_262 = vector.broadcast %parallel_loop3A_261 : i32 to vector<16xi32>
        %parallel_loop3A_263 = arith.muli %parallel_loop3A_260, %parallel_loop3A_262 : vector<16xi32>
        %parallel_loop3A_264 = arith.constant 65535 : i32
        %parallel_loop3A_265 = vector.broadcast %parallel_loop3A_264 : i32 to vector<16xi32>
        %parallel_loop3A_266 = arith.andi %parallel_loop3A_257, %parallel_loop3A_265 : vector<16xi32>
        %parallel_loop3A_267 = arith.addi %parallel_loop3A_263, %parallel_loop3A_266 : vector<16xi32>
        %parallel_loop3A_268 = arith.constant 64000 : i32
        %parallel_loop3A_269 = vector.broadcast %parallel_loop3A_268 : i32 to vector<16xi32>
        %parallel_loop3A_270 = arith.subi %parallel_loop3A_267, %parallel_loop3A_269 : vector<16xi32>
        %parallel_loop3A_271 = arith.constant 0 : i32
        %parallel_loop3A_272 = vector.broadcast %parallel_loop3A_271 : i32 to vector<16xi32>
        %parallel_loop3A_273 = arith.cmpi slt, %parallel_loop3A_270, %parallel_loop3A_272 : vector<16xi32>
        %parallel_loop3A_274 = arith.select %parallel_loop3A_273, %parallel_loop3A_267, %parallel_loop3A_270 : vector<16xi1>, vector<16xi32>
        %parallel_loop3A_275 = arith.constant 22695477 : i32
        %parallel_loop3A_276 = vector.broadcast %parallel_loop3A_275 : i32 to vector<16xi32>
        %parallel_loop3A_277 = arith.muli %parallel_loop3A_276, %parallel_loop3A_175 : vector<16xi32>
        %parallel_loop3A_278 = arith.constant 32767 : i32
        %parallel_loop3A_279 = vector.broadcast %parallel_loop3A_278 : i32 to vector<16xi32>
        %parallel_loop3A_280 = arith.andi %parallel_loop3A_277, %parallel_loop3A_279 : vector<16xi32>
        %parallel_loop3A_281 = arith.constant 16 : i32
        %parallel_loop3A_282 = vector.broadcast %parallel_loop3A_281 : i32 to vector<16xi32>
        %parallel_loop3A_283 = arith.shli %parallel_loop3A_280, %parallel_loop3A_282 : vector<16xi32>
        %parallel_loop3A_284 = arith.constant 15 : i32
        %parallel_loop3A_285 = vector.broadcast %parallel_loop3A_284 : i32 to vector<16xi32>
        %parallel_loop3A_286 = arith.shrsi %parallel_loop3A_277, %parallel_loop3A_285 : vector<16xi32>
        %parallel_loop3A_287 = arith.addi %parallel_loop3A_283, %parallel_loop3A_286 : vector<16xi32>
        %parallel_loop3A_288 = arith.constant 5540 : i32
        %parallel_loop3A_289 = vector.broadcast %parallel_loop3A_288 : i32 to vector<16xi32>
        %parallel_loop3A_290 = arith.muli %parallel_loop3A_289, %parallel_loop3A_178 : vector<16xi32>
        %parallel_loop3A_291 = arith.constant 524287 : i32
        %parallel_loop3A_292 = vector.broadcast %parallel_loop3A_291 : i32 to vector<16xi32>
        %parallel_loop3A_293 = arith.andi %parallel_loop3A_290, %parallel_loop3A_292 : vector<16xi32>
        %parallel_loop3A_294 = arith.constant 12 : i32
        %parallel_loop3A_295 = vector.broadcast %parallel_loop3A_294 : i32 to vector<16xi32>
        %parallel_loop3A_296 = arith.shli %parallel_loop3A_293, %parallel_loop3A_295 : vector<16xi32>
        %parallel_loop3A_297 = arith.constant 19 : i32
        %parallel_loop3A_298 = vector.broadcast %parallel_loop3A_297 : i32 to vector<16xi32>
        %parallel_loop3A_299 = arith.shrsi %parallel_loop3A_290, %parallel_loop3A_298 : vector<16xi32>
        %parallel_loop3A_300 = arith.addi %parallel_loop3A_296, %parallel_loop3A_299 : vector<16xi32>
        %parallel_loop3A_301 = arith.constant 3637 : i32
        %parallel_loop3A_302 = vector.broadcast %parallel_loop3A_301 : i32 to vector<16xi32>
        %parallel_loop3A_303 = arith.muli %parallel_loop3A_302, %parallel_loop3A_178 : vector<16xi32>
        %parallel_loop3A_304 = arith.constant 2147483647 : i32
        %parallel_loop3A_305 = vector.broadcast %parallel_loop3A_304 : i32 to vector<16xi32>
        %parallel_loop3A_306 = arith.subi %parallel_loop3A_305, %parallel_loop3A_300 : vector<16xi32>
        %parallel_loop3A_307 = arith.subi %parallel_loop3A_287, %parallel_loop3A_306 : vector<16xi32>
        %parallel_loop3A_308 = arith.constant 0 : i32
        %parallel_loop3A_309 = vector.broadcast %parallel_loop3A_308 : i32 to vector<16xi32>
        %parallel_loop3A_310 = arith.cmpi slt, %parallel_loop3A_307, %parallel_loop3A_309 : vector<16xi32>
        %parallel_loop3A_311 = arith.addi %parallel_loop3A_287, %parallel_loop3A_300 : vector<16xi32>
        %parallel_loop3A_312 = arith.select %parallel_loop3A_310, %parallel_loop3A_311, %parallel_loop3A_307 : vector<16xi1>, vector<16xi32>
        %parallel_loop3A_313 = arith.constant 2147483647 : i32
        %parallel_loop3A_314 = vector.broadcast %parallel_loop3A_313 : i32 to vector<16xi32>
        %parallel_loop3A_315 = arith.subi %parallel_loop3A_314, %parallel_loop3A_303 : vector<16xi32>
        %parallel_loop3A_316 = arith.subi %parallel_loop3A_312, %parallel_loop3A_315 : vector<16xi32>
        %parallel_loop3A_317 = arith.constant 0 : i32
        %parallel_loop3A_318 = vector.broadcast %parallel_loop3A_317 : i32 to vector<16xi32>
        %parallel_loop3A_319 = arith.cmpi slt, %parallel_loop3A_316, %parallel_loop3A_318 : vector<16xi32>
        %parallel_loop3A_320 = arith.addi %parallel_loop3A_312, %parallel_loop3A_303 : vector<16xi32>
        %parallel_loop3A_321 = arith.select %parallel_loop3A_319, %parallel_loop3A_320, %parallel_loop3A_316 : vector<16xi1>, vector<16xi32>
        %parallel_loop3A_322 = arith.constant 16 : i32
        %parallel_loop3A_323 = arith.muli %parallel_loop3A_165, %parallel_loop3A_322 : i32
        %parallel_loop3A_324 = arith.index_cast %parallel_loop3A_323 : i32 to index
        %parallel_loop3A_325 = tpu.vector_load %arg7[%parallel_loop3A_324] {strides = array<i32>} : memref<256xi32, #tpu.memory_space<vmem>>, vector<16xi32>,
        tpu.vector_store %arg7[%parallel_loop3A_324], %parallel_loop3A_274 {strides = array<i32>} : memref<256xi32, #tpu.memory_space<vmem>>, vector<16xi32>,
        %parallel_loop3A_326 = arith.constant 16 : i32
        %parallel_loop3A_327 = arith.muli %parallel_loop3A_165, %parallel_loop3A_326 : i32
        %parallel_loop3A_328 = arith.index_cast %parallel_loop3A_327 : i32 to index
        %parallel_loop3A_329 = tpu.vector_load %arg8[%parallel_loop3A_328] {strides = array<i32>} : memref<256xi32, #tpu.memory_space<vmem>>, vector<16xi32>,
        tpu.vector_store %arg8[%parallel_loop3A_328], %parallel_loop3A_321 {strides = array<i32>} : memref<256xi32, #tpu.memory_space<vmem>>, vector<16xi32>,
      } {sc.loop_unroll_factor = 2 : i64, sc.parallel_access}
      %while3A_98 = arith.constant 0 : i32
      %while3A_99 = arith.constant 16 : i32
      %while3A_100 = arith.constant 0 : i32
      %while3A_101 = arith.subi %while3A_99, %while3A_98 : i32
      %while3A_102 = arith.addi %while3A_98, %while3A_101 : i32
      %while3A_103 = arith.constant 1 : i32
      %while3A_104 = arith.divsi %while3A_101, %while3A_103 : i32
      %while3A_105 = arith.muli %while3A_104, %while3A_103 : i32
      %while3A_106 = arith.addi %while3A_98, %while3A_105 : i32
      %while3A_107 = arith.constant 1 : i32
      %while3A_108 = scf.for %while3A_165 = %while3A_98 to %while3A_106 step %while3A_107 iter_args(%while3A_166 = %while3A_100) -> (i32)  : i32 {
        %mul3A_167 = arith.constant 16 : i32
        %mul3A_168 = arith.muli %while3A_165, %mul3A_167 : i32
        %get3A = arith.index_cast %mul3A_168 : i32 to index
        %get3A_169 = tpu.vector_load %arg7[%get3A] {strides = array<i32>} : memref<256xi32, #tpu.memory_space<vmem>>, vector<16xi32>,
        %mul3A_170 = arith.constant 16 : i32
        %mul3A_171 = arith.muli %while3A_165, %mul3A_170 : i32
        %get3A_172 = arith.index_cast %mul3A_171 : i32 to index
        %get3A_173 = tpu.vector_load %arg8[%get3A_172] {strides = array<i32>} : memref<256xi32, #tpu.memory_space<vmem>>, vector<16xi32>,
        %and3A = arith.constant 1 : i32
        %and3A_174 = vector.broadcast %and3A : i32 to vector<16xi32>
        %and3A_175 = arith.andi %get3A_173, %and3A_174 : vector<16xi32>
        %xor3A = arith.constant 1 : i32
        %xor3A_176 = vector.broadcast %xor3A : i32 to vector<16xi32>
        %xor3A_177 = arith.xori %and3A_175, %xor3A_176 : vector<16xi32>
        %shift_left3A = arith.constant 31 : i32
        %shift_left3A_178 = vector.broadcast %shift_left3A : i32 to vector<16xi32>
        %shift_left3A_179 = arith.shli %xor3A_177, %shift_left3A_178 : vector<16xi32>
        %xor3A_180 = arith.constant -2147483648 : i32
        %xor3A_181 = vector.broadcast %xor3A_180 : i32 to vector<16xi32>
        %xor3A_182 = arith.xori %shift_left3A_179, %xor3A_181 : vector<16xi32>
        %mul3A_183 = arith.constant 16 : i32
        %mul3A_184 = arith.muli %while3A_165, %mul3A_183 : i32
        %add3A_185 = vector.broadcast %mul3A_184 : i32 to vector<16xi32>
        %add3A_186 = arith.addi %iota3A, %add3A_185 : vector<16xi32>
        %parallel_loop3A_187 = arith.constant 0 : i32
        %parallel_loop3A_188 = arith.constant 64 : i32
        %parallel_loop3A_189 = arith.constant 1 : i32
        scf.for %parallel_loop3A_191 = %parallel_loop3A_187 to %parallel_loop3A_188 step %parallel_loop3A_189  : i32 {
          %parallel_loop3A_192 = arith.index_cast %parallel_loop3A_191 : i32 to index
          %parallel_loop3A_193 = memref.load %arg9[%parallel_loop3A_192] : memref<64xi32, #tpu.memory_space<smem>>
          %parallel_loop3A_194 = arith.index_cast %parallel_loop3A_191 : i32 to index
          %parallel_loop3A_195 = memref.load %arg10[%parallel_loop3A_194] : memref<64xi32, #tpu.memory_space<smem>>
          %parallel_loop3A_196 = vector.broadcast %parallel_loop3A_191 : i32 to vector<16xi32>
          %parallel_loop3A_197 = arith.addi %get3A_169, %parallel_loop3A_196 : vector<16xi32>
          %parallel_loop3A_198 = tpu.vector_load_idx %arg5[%parallel_loop3A_197] : memref<64064xf32, #tpu.memory_space<vmem>>[vector<16xi32>], vector<16xf32>,
          %parallel_loop3A_199 = vector.broadcast %parallel_loop3A_193 : i32 to vector<16xi32>
          %parallel_loop3A_200 = arith.cmpi sgt, %get3A_173, %parallel_loop3A_199 : vector<16xi32>
          %parallel_loop3A_201 = arith.select %parallel_loop3A_200, %xor3A_182, %shift_left3A_179 : vector<16xi1>, vector<16xi32>
          %parallel_loop3A_202 = vector.bitcast %parallel_loop3A_198 : vector<16xf32> to vector<16xi32>
          %parallel_loop3A_203 = arith.xori %parallel_loop3A_202, %parallel_loop3A_201 : vector<16xi32>
          %parallel_loop3A_204 = vector.broadcast %parallel_loop3A_195 : i32 to vector<16xi32>
          %parallel_loop3A_205 = arith.xori %parallel_loop3A_203, %parallel_loop3A_204 : vector<16xi32>
          %parallel_loop3A_206 = vector.broadcast %parallel_loop3A_191 : i32 to vector<16xi32>
          %parallel_loop3A_207 = vector.bitcast %parallel_loop3A_205 : vector<16xi32> to vector<16xf32>
          tpu.vector_store_idx %arg11[%add3A_186, %parallel_loop3A_206], %parallel_loop3A_207 : memref<256x65xf32, #tpu.memory_space<vmem>>[vector<16xi32>, vector<16xi32>], vector<16xf32>,
        } {sc.loop_unroll_factor = 8 : i64, sc.parallel_access}
        %while3A_190 = arith.constant 0 : i32
        scf.yield %while3A_190 : i32
      }
      %while3A_109 = arith.constant 1 : i32
      %while3A_110 = scf.for %while3A_165 = %while3A_106 to %while3A_102 step %while3A_109 iter_args(%while3A_166 = %while3A_108) -> (i32)  : i32 {
        %mul3A_167 = arith.constant 16 : i32
        %mul3A_168 = arith.muli %while3A_165, %mul3A_167 : i32
        %get3A = arith.index_cast %mul3A_168 : i32 to index
        %get3A_169 = tpu.vector_load %arg7[%get3A] {strides = array<i32>} : memref<256xi32, #tpu.memory_space<vmem>>, vector<16xi32>,
        %mul3A_170 = arith.constant 16 : i32
        %mul3A_171 = arith.muli %while3A_165, %mul3A_170 : i32
        %get3A_172 = arith.index_cast %mul3A_171 : i32 to index
        %get3A_173 = tpu.vector_load %arg8[%get3A_172] {strides = array<i32>} : memref<256xi32, #tpu.memory_space<vmem>>, vector<16xi32>,
        %and3A = arith.constant 1 : i32
        %and3A_174 = vector.broadcast %and3A : i32 to vector<16xi32>
        %and3A_175 = arith.andi %get3A_173, %and3A_174 : vector<16xi32>
        %xor3A = arith.constant 1 : i32
        %xor3A_176 = vector.broadcast %xor3A : i32 to vector<16xi32>
        %xor3A_177 = arith.xori %and3A_175, %xor3A_176 : vector<16xi32>
        %shift_left3A = arith.constant 31 : i32
        %shift_left3A_178 = vector.broadcast %shift_left3A : i32 to vector<16xi32>
        %shift_left3A_179 = arith.shli %xor3A_177, %shift_left3A_178 : vector<16xi32>
        %xor3A_180 = arith.constant -2147483648 : i32
        %xor3A_181 = vector.broadcast %xor3A_180 : i32 to vector<16xi32>
        %xor3A_182 = arith.xori %shift_left3A_179, %xor3A_181 : vector<16xi32>
        %mul3A_183 = arith.constant 16 : i32
        %mul3A_184 = arith.muli %while3A_165, %mul3A_183 : i32
        %add3A_185 = vector.broadcast %mul3A_184 : i32 to vector<16xi32>
        %add3A_186 = arith.addi %iota3A, %add3A_185 : vector<16xi32>
        %parallel_loop3A_187 = arith.constant 0 : i32
        %parallel_loop3A_188 = arith.constant 64 : i32
        %parallel_loop3A_189 = arith.constant 1 : i32
        scf.for %parallel_loop3A_191 = %parallel_loop3A_187 to %parallel_loop3A_188 step %parallel_loop3A_189  : i32 {
          %parallel_loop3A_192 = arith.index_cast %parallel_loop3A_191 : i32 to index
          %parallel_loop3A_193 = memref.load %arg9[%parallel_loop3A_192] : memref<64xi32, #tpu.memory_space<smem>>
          %parallel_loop3A_194 = arith.index_cast %parallel_loop3A_191 : i32 to index
          %parallel_loop3A_195 = memref.load %arg10[%parallel_loop3A_194] : memref<64xi32, #tpu.memory_space<smem>>
          %parallel_loop3A_196 = vector.broadcast %parallel_loop3A_191 : i32 to vector<16xi32>
          %parallel_loop3A_197 = arith.addi %get3A_169, %parallel_loop3A_196 : vector<16xi32>
          %parallel_loop3A_198 = tpu.vector_load_idx %arg5[%parallel_loop3A_197] : memref<64064xf32, #tpu.memory_space<vmem>>[vector<16xi32>], vector<16xf32>,
          %parallel_loop3A_199 = vector.broadcast %parallel_loop3A_193 : i32 to vector<16xi32>
          %parallel_loop3A_200 = arith.cmpi sgt, %get3A_173, %parallel_loop3A_199 : vector<16xi32>
          %parallel_loop3A_201 = arith.select %parallel_loop3A_200, %xor3A_182, %shift_left3A_179 : vector<16xi1>, vector<16xi32>
          %parallel_loop3A_202 = vector.bitcast %parallel_loop3A_198 : vector<16xf32> to vector<16xi32>
          %parallel_loop3A_203 = arith.xori %parallel_loop3A_202, %parallel_loop3A_201 : vector<16xi32>
          %parallel_loop3A_204 = vector.broadcast %parallel_loop3A_195 : i32 to vector<16xi32>
          %parallel_loop3A_205 = arith.xori %parallel_loop3A_203, %parallel_loop3A_204 : vector<16xi32>
          %parallel_loop3A_206 = vector.broadcast %parallel_loop3A_191 : i32 to vector<16xi32>
          %parallel_loop3A_207 = vector.bitcast %parallel_loop3A_205 : vector<16xi32> to vector<16xf32>
          tpu.vector_store_idx %arg11[%add3A_186, %parallel_loop3A_206], %parallel_loop3A_207 : memref<256x65xf32, #tpu.memory_space<vmem>>[vector<16xi32>, vector<16xi32>], vector<16xf32>,
        } {sc.loop_unroll_factor = 8 : i64, sc.parallel_access}
        %while3A_190 = arith.constant 0 : i32
        scf.yield %while3A_190 : i32
      }
      %mul3A_111 = arith.constant 3328 : i32
      %mul3A_112 = arith.muli %add3A, %mul3A_111 : i32
      %mul3A_113 = arith.constant 256 : i32
      %mul3A_114 = arith.muli %mul3A_92, %mul3A_113 : i32
      %add3A_115 = arith.addi %mul3A_112, %mul3A_114 : i32
      %dma_start3A_116 = arith.constant 0 : i32
      %dma_start3A_117 = arith.constant 0 : i32
      %dma_start3A_118 = tpu.memref_slice %arg11[%dma_start3A_117, %dma_start3A_116] : memref<256x65xf32, #tpu.memory_space<vmem>> -> memref<256x64xf32, #tpu.memory_space<vmem>>
      %dma_start3A_119 = arith.constant 0 : i32
      %dma_start3A_120 = tpu.memref_slice %arg4[%add3A_115, %dma_start3A_119] : memref<106496x64xf32, #tpu.memory_space<hbm>> -> memref<256x64xf32, #tpu.memory_space<hbm>>
      %dma_start3A_121 = arith.constant 0 : i32
      %dma_start3A_122 = tpu.memref_slice %arg4[%add3A_115, %dma_start3A_121] : memref<106496x64xf32, #tpu.memory_space<hbm>> -> memref<256x64xf32, #tpu.memory_space<hbm>>
      %dma_start3A_123 = arith.constant 0 : i32
      %dma_start3A_124 = tpu.memref_slice %arg11[%dma_start3A_123, %dma_start3A_116] : memref<256x65xf32, #tpu.memory_space<vmem>> -> memref<256x64xf32, #tpu.memory_space<vmem>>
      tpu.enqueue_dma source(%dma_start3A_124 : memref<256x64xf32, #tpu.memory_space<vmem>>) target(%dma_start3A_122 : memref<256x64xf32, #tpu.memory_space<hbm>>) target_semaphore(%arg13 : memref<!tpu.dma_semaphore, #tpu.memory_space<semaphore_mem>>)
      %gt3A_125 = arith.constant 0 : i32
      %gt3A_126 = arith.cmpi sgt, %while3A_89, %gt3A_125 : i32
      %convert_element_type3A_127 = arith.extui %gt3A_126 : i1 to i32
      %cond3A_128 = arith.constant 0 : i32
      %cond3A_129 = arith.cmpi ne, %convert_element_type3A_127, %cond3A_128 : i32
      scf.if %cond3A_129 {
        %dma_wait3A_165 = arith.constant 0 : i32
        %dma_wait3A_166 = arith.constant 0 : i32
        %dma_wait3A_167 = arith.constant 0 : i32
        %dma_wait3A_168 = tpu.memref_slice %arg12[%dma_wait3A_167, %dma_wait3A_165] : memref<256x65xf32, #tpu.memory_space<vmem>> -> memref<256x64xf32, #tpu.memory_space<vmem>>
        %dma_wait3A_169 = arith.constant 0 : i32
        %dma_wait3A_170 = tpu.memref_slice %arg4[%dma_wait3A_166, %dma_wait3A_169] : memref<106496x64xf32, #tpu.memory_space<hbm>> -> memref<256x64xf32, #tpu.memory_space<hbm>>
        %dma_wait3A_171 = arith.constant 0 : i32
        %dma_wait3A_172 = tpu.memref_slice %arg4[%dma_wait3A_166, %dma_wait3A_171] : memref<106496x64xf32, #tpu.memory_space<hbm>> -> memref<256x64xf32, #tpu.memory_space<hbm>>
        %dma_wait3A_173 = arith.constant 0 : i32
        %dma_wait3A_174 = tpu.memref_slice %arg12[%dma_wait3A_173, %dma_wait3A_165] : memref<256x65xf32, #tpu.memory_space<vmem>> -> memref<256x64xf32, #tpu.memory_space<vmem>>
        tpu.wait_dma2 semaphore(%arg14 : memref<!tpu.dma_semaphore, #tpu.memory_space<semaphore_mem>>) src(%dma_wait3A_174 : memref<256x64xf32, #tpu.memory_space<vmem>>) dst(%dma_wait3A_172 : memref<256x64xf32, #tpu.memory_space<hbm>>)
      } else {
      }
      %add3A_130 = arith.constant 1 : i32
      %add3A_131 = arith.addi %mul3A_92, %add3A_130 : i32
      %parallel_loop3A_132 = arith.constant 0 : i32
      %parallel_loop3A_133 = arith.constant 16 : i32
      %parallel_loop3A_134 = arith.constant 1 : i32
      scf.for %parallel_loop3A_165 = %parallel_loop3A_132 to %parallel_loop3A_133 step %parallel_loop3A_134  : i32 {
        %parallel_loop3A_166 = arith.constant 256 : i32
        %parallel_loop3A_167 = arith.muli %add3A_131, %parallel_loop3A_166 : i32
        %parallel_loop3A_168 = arith.constant 16 : i32
        %parallel_loop3A_169 = arith.muli %parallel_loop3A_165, %parallel_loop3A_168 : i32
        %parallel_loop3A_170 = arith.addi %parallel_loop3A_167, %parallel_loop3A_169 : i32
        %parallel_loop3A_171 = arith.index_cast %parallel_loop3A_170 : i32 to index
        %parallel_loop3A_172 = tpu.vector_load %arg6[%parallel_loop3A_171] {strides = array<i32>} : memref<3328xi32, #tpu.memory_space<vmem>>, vector<16xi32>,
        %parallel_loop3A_173 = arith.constant 16 : i32
        %parallel_loop3A_174 = vector.broadcast %parallel_loop3A_173 : i32 to vector<16xi32>
        %parallel_loop3A_175 = arith.shrsi %parallel_loop3A_172, %parallel_loop3A_174 : vector<16xi32>
        %parallel_loop3A_176 = arith.constant 65535 : i32
        %parallel_loop3A_177 = vector.broadcast %parallel_loop3A_176 : i32 to vector<16xi32>
        %parallel_loop3A_178 = arith.andi %parallel_loop3A_172, %parallel_loop3A_177 : vector<16xi32>
        %parallel_loop3A_179 = arith.constant 1664525 : i32
        %parallel_loop3A_180 = vector.broadcast %parallel_loop3A_179 : i32 to vector<16xi32>
        %parallel_loop3A_181 = arith.muli %parallel_loop3A_180, %parallel_loop3A_175 : vector<16xi32>
        %parallel_loop3A_182 = arith.constant 32767 : i32
        %parallel_loop3A_183 = vector.broadcast %parallel_loop3A_182 : i32 to vector<16xi32>
        %parallel_loop3A_184 = arith.andi %parallel_loop3A_181, %parallel_loop3A_183 : vector<16xi32>
        %parallel_loop3A_185 = arith.constant 16 : i32
        %parallel_loop3A_186 = vector.broadcast %parallel_loop3A_185 : i32 to vector<16xi32>
        %parallel_loop3A_187 = arith.shli %parallel_loop3A_184, %parallel_loop3A_186 : vector<16xi32>
        %parallel_loop3A_188 = arith.constant 15 : i32
        %parallel_loop3A_189 = vector.broadcast %parallel_loop3A_188 : i32 to vector<16xi32>
        %parallel_loop3A_190 = arith.shrsi %parallel_loop3A_181, %parallel_loop3A_189 : vector<16xi32>
        %parallel_loop3A_191 = arith.addi %parallel_loop3A_187, %parallel_loop3A_190 : vector<16xi32>
        %parallel_loop3A_192 = arith.constant 6502 : i32
        %parallel_loop3A_193 = vector.broadcast %parallel_loop3A_192 : i32 to vector<16xi32>
        %parallel_loop3A_194 = arith.muli %parallel_loop3A_193, %parallel_loop3A_178 : vector<16xi32>
        %parallel_loop3A_195 = arith.constant 8388607 : i32
        %parallel_loop3A_196 = vector.broadcast %parallel_loop3A_195 : i32 to vector<16xi32>
        %parallel_loop3A_197 = arith.andi %parallel_loop3A_194, %parallel_loop3A_196 : vector<16xi32>
        %parallel_loop3A_198 = arith.constant 8 : i32
        %parallel_loop3A_199 = vector.broadcast %parallel_loop3A_198 : i32 to vector<16xi32>
        %parallel_loop3A_200 = arith.shli %parallel_loop3A_197, %parallel_loop3A_199 : vector<16xi32>
        %parallel_loop3A_201 = arith.constant 23 : i32
        %parallel_loop3A_202 = vector.broadcast %parallel_loop3A_201 : i32 to vector<16xi32>
        %parallel_loop3A_203 = arith.shrsi %parallel_loop3A_194, %parallel_loop3A_202 : vector<16xi32>
        %parallel_loop3A_204 = arith.addi %parallel_loop3A_200, %parallel_loop3A_203 : vector<16xi32>
        %parallel_loop3A_205 = arith.constant 13 : i32
        %parallel_loop3A_206 = vector.broadcast %parallel_loop3A_205 : i32 to vector<16xi32>
        %parallel_loop3A_207 = arith.muli %parallel_loop3A_206, %parallel_loop3A_178 : vector<16xi32>
        %parallel_loop3A_208 = arith.constant 2147483647 : i32
        %parallel_loop3A_209 = vector.broadcast %parallel_loop3A_208 : i32 to vector<16xi32>
        %parallel_loop3A_210 = arith.subi %parallel_loop3A_209, %parallel_loop3A_204 : vector<16xi32>
        %parallel_loop3A_211 = arith.subi %parallel_loop3A_191, %parallel_loop3A_210 : vector<16xi32>
        %parallel_loop3A_212 = arith.constant 0 : i32
        %parallel_loop3A_213 = vector.broadcast %parallel_loop3A_212 : i32 to vector<16xi32>
        %parallel_loop3A_214 = arith.cmpi slt, %parallel_loop3A_211, %parallel_loop3A_213 : vector<16xi32>
        %parallel_loop3A_215 = arith.addi %parallel_loop3A_191, %parallel_loop3A_204 : vector<16xi32>
        %parallel_loop3A_216 = arith.select %parallel_loop3A_214, %parallel_loop3A_215, %parallel_loop3A_211 : vector<16xi1>, vector<16xi32>
        %parallel_loop3A_217 = arith.constant 2147483647 : i32
        %parallel_loop3A_218 = arith.constant 1013904223 : i32
        %parallel_loop3A_219 = arith.subi %parallel_loop3A_217, %parallel_loop3A_218 : i32
        %parallel_loop3A_220 = vector.broadcast %parallel_loop3A_219 : i32 to vector<16xi32>
        %parallel_loop3A_221 = arith.subi %parallel_loop3A_207, %parallel_loop3A_220 : vector<16xi32>
        %parallel_loop3A_222 = arith.constant 0 : i32
        %parallel_loop3A_223 = vector.broadcast %parallel_loop3A_222 : i32 to vector<16xi32>
        %parallel_loop3A_224 = arith.cmpi slt, %parallel_loop3A_221, %parallel_loop3A_223 : vector<16xi32>
        %parallel_loop3A_225 = arith.constant 1013904223 : i32
        %parallel_loop3A_226 = vector.broadcast %parallel_loop3A_225 : i32 to vector<16xi32>
        %parallel_loop3A_227 = arith.addi %parallel_loop3A_207, %parallel_loop3A_226 : vector<16xi32>
        %parallel_loop3A_228 = arith.select %parallel_loop3A_224, %parallel_loop3A_227, %parallel_loop3A_221 : vector<16xi1>, vector<16xi32>
        %parallel_loop3A_229 = arith.constant 2147483647 : i32
        %parallel_loop3A_230 = vector.broadcast %parallel_loop3A_229 : i32 to vector<16xi32>
        %parallel_loop3A_231 = arith.subi %parallel_loop3A_230, %parallel_loop3A_228 : vector<16xi32>
        %parallel_loop3A_232 = arith.subi %parallel_loop3A_216, %parallel_loop3A_231 : vector<16xi32>
        %parallel_loop3A_233 = arith.constant 0 : i32
        %parallel_loop3A_234 = vector.broadcast %parallel_loop3A_233 : i32 to vector<16xi32>
        %parallel_loop3A_235 = arith.cmpi slt, %parallel_loop3A_232, %parallel_loop3A_234 : vector<16xi32>
        %parallel_loop3A_236 = arith.addi %parallel_loop3A_216, %parallel_loop3A_228 : vector<16xi32>
        %parallel_loop3A_237 = arith.select %parallel_loop3A_235, %parallel_loop3A_236, %parallel_loop3A_232 : vector<16xi1>, vector<16xi32>
        %parallel_loop3A_238 = arith.constant 16 : i32
        %parallel_loop3A_239 = vector.broadcast %parallel_loop3A_238 : i32 to vector<16xi32>
        %parallel_loop3A_240 = arith.shrsi %parallel_loop3A_237, %parallel_loop3A_239 : vector<16xi32>
        %parallel_loop3A_241 = arith.constant 1536 : i32
        %parallel_loop3A_242 = vector.broadcast %parallel_loop3A_241 : i32 to vector<16xi32>
        %parallel_loop3A_243 = arith.muli %parallel_loop3A_240, %parallel_loop3A_242 : vector<16xi32>
        %parallel_loop3A_244 = arith.constant 65535 : i32
        %parallel_loop3A_245 = vector.broadcast %parallel_loop3A_244 : i32 to vector<16xi32>
        %parallel_loop3A_246 = arith.andi %parallel_loop3A_237, %parallel_loop3A_245 : vector<16xi32>
        %parallel_loop3A_247 = arith.addi %parallel_loop3A_243, %parallel_loop3A_246 : vector<16xi32>
        %parallel_loop3A_248 = arith.constant 16 : i32
        %parallel_loop3A_249 = vector.broadcast %parallel_loop3A_248 : i32 to vector<16xi32>
        %parallel_loop3A_250 = arith.shrsi %parallel_loop3A_247, %parallel_loop3A_249 : vector<16xi32>
        %parallel_loop3A_251 = arith.constant 1536 : i32
        %parallel_loop3A_252 = vector.broadcast %parallel_loop3A_251 : i32 to vector<16xi32>
        %parallel_loop3A_253 = arith.muli %parallel_loop3A_250, %parallel_loop3A_252 : vector<16xi32>
        %parallel_loop3A_254 = arith.constant 65535 : i32
        %parallel_loop3A_255 = vector.broadcast %parallel_loop3A_254 : i32 to vector<16xi32>
        %parallel_loop3A_256 = arith.andi %parallel_loop3A_247, %parallel_loop3A_255 : vector<16xi32>
        %parallel_loop3A_257 = arith.addi %parallel_loop3A_253, %parallel_loop3A_256 : vector<16xi32>
        %parallel_loop3A_258 = arith.constant 16 : i32
        %parallel_loop3A_259 = vector.broadcast %parallel_loop3A_258 : i32 to vector<16xi32>
        %parallel_loop3A_260 = arith.shrsi %parallel_loop3A_257, %parallel_loop3A_259 : vector<16xi32>
        %parallel_loop3A_261 = arith.constant 1536 : i32
        %parallel_loop3A_262 = vector.broadcast %parallel_loop3A_261 : i32 to vector<16xi32>
        %parallel_loop3A_263 = arith.muli %parallel_loop3A_260, %parallel_loop3A_262 : vector<16xi32>
        %parallel_loop3A_264 = arith.constant 65535 : i32
        %parallel_loop3A_265 = vector.broadcast %parallel_loop3A_264 : i32 to vector<16xi32>
        %parallel_loop3A_266 = arith.andi %parallel_loop3A_257, %parallel_loop3A_265 : vector<16xi32>
        %parallel_loop3A_267 = arith.addi %parallel_loop3A_263, %parallel_loop3A_266 : vector<16xi32>
        %parallel_loop3A_268 = arith.constant 64000 : i32
        %parallel_loop3A_269 = vector.broadcast %parallel_loop3A_268 : i32 to vector<16xi32>
        %parallel_loop3A_270 = arith.subi %parallel_loop3A_267, %parallel_loop3A_269 : vector<16xi32>
        %parallel_loop3A_271 = arith.constant 0 : i32
        %parallel_loop3A_272 = vector.broadcast %parallel_loop3A_271 : i32 to vector<16xi32>
        %parallel_loop3A_273 = arith.cmpi slt, %parallel_loop3A_270, %parallel_loop3A_272 : vector<16xi32>
        %parallel_loop3A_274 = arith.select %parallel_loop3A_273, %parallel_loop3A_267, %parallel_loop3A_270 : vector<16xi1>, vector<16xi32>
        %parallel_loop3A_275 = arith.constant 22695477 : i32
        %parallel_loop3A_276 = vector.broadcast %parallel_loop3A_275 : i32 to vector<16xi32>
        %parallel_loop3A_277 = arith.muli %parallel_loop3A_276, %parallel_loop3A_175 : vector<16xi32>
        %parallel_loop3A_278 = arith.constant 32767 : i32
        %parallel_loop3A_279 = vector.broadcast %parallel_loop3A_278 : i32 to vector<16xi32>
        %parallel_loop3A_280 = arith.andi %parallel_loop3A_277, %parallel_loop3A_279 : vector<16xi32>
        %parallel_loop3A_281 = arith.constant 16 : i32
        %parallel_loop3A_282 = vector.broadcast %parallel_loop3A_281 : i32 to vector<16xi32>
        %parallel_loop3A_283 = arith.shli %parallel_loop3A_280, %parallel_loop3A_282 : vector<16xi32>
        %parallel_loop3A_284 = arith.constant 15 : i32
        %parallel_loop3A_285 = vector.broadcast %parallel_loop3A_284 : i32 to vector<16xi32>
        %parallel_loop3A_286 = arith.shrsi %parallel_loop3A_277, %parallel_loop3A_285 : vector<16xi32>
        %parallel_loop3A_287 = arith.addi %parallel_loop3A_283, %parallel_loop3A_286 : vector<16xi32>
        %parallel_loop3A_288 = arith.constant 5540 : i32
        %parallel_loop3A_289 = vector.broadcast %parallel_loop3A_288 : i32 to vector<16xi32>
        %parallel_loop3A_290 = arith.muli %parallel_loop3A_289, %parallel_loop3A_178 : vector<16xi32>
        %parallel_loop3A_291 = arith.constant 524287 : i32
        %parallel_loop3A_292 = vector.broadcast %parallel_loop3A_291 : i32 to vector<16xi32>
        %parallel_loop3A_293 = arith.andi %parallel_loop3A_290, %parallel_loop3A_292 : vector<16xi32>
        %parallel_loop3A_294 = arith.constant 12 : i32
        %parallel_loop3A_295 = vector.broadcast %parallel_loop3A_294 : i32 to vector<16xi32>
        %parallel_loop3A_296 = arith.shli %parallel_loop3A_293, %parallel_loop3A_295 : vector<16xi32>
        %parallel_loop3A_297 = arith.constant 19 : i32
        %parallel_loop3A_298 = vector.broadcast %parallel_loop3A_297 : i32 to vector<16xi32>
        %parallel_loop3A_299 = arith.shrsi %parallel_loop3A_290, %parallel_loop3A_298 : vector<16xi32>
        %parallel_loop3A_300 = arith.addi %parallel_loop3A_296, %parallel_loop3A_299 : vector<16xi32>
        %parallel_loop3A_301 = arith.constant 3637 : i32
        %parallel_loop3A_302 = vector.broadcast %parallel_loop3A_301 : i32 to vector<16xi32>
        %parallel_loop3A_303 = arith.muli %parallel_loop3A_302, %parallel_loop3A_178 : vector<16xi32>
        %parallel_loop3A_304 = arith.constant 2147483647 : i32
        %parallel_loop3A_305 = vector.broadcast %parallel_loop3A_304 : i32 to vector<16xi32>
        %parallel_loop3A_306 = arith.subi %parallel_loop3A_305, %parallel_loop3A_300 : vector<16xi32>
        %parallel_loop3A_307 = arith.subi %parallel_loop3A_287, %parallel_loop3A_306 : vector<16xi32>
        %parallel_loop3A_308 = arith.constant 0 : i32
        %parallel_loop3A_309 = vector.broadcast %parallel_loop3A_308 : i32 to vector<16xi32>
        %parallel_loop3A_310 = arith.cmpi slt, %parallel_loop3A_307, %parallel_loop3A_309 : vector<16xi32>
        %parallel_loop3A_311 = arith.addi %parallel_loop3A_287, %parallel_loop3A_300 : vector<16xi32>
        %parallel_loop3A_312 = arith.select %parallel_loop3A_310, %parallel_loop3A_311, %parallel_loop3A_307 : vector<16xi1>, vector<16xi32>
        %parallel_loop3A_313 = arith.constant 2147483647 : i32
        %parallel_loop3A_314 = vector.broadcast %parallel_loop3A_313 : i32 to vector<16xi32>
        %parallel_loop3A_315 = arith.subi %parallel_loop3A_314, %parallel_loop3A_303 : vector<16xi32>
        %parallel_loop3A_316 = arith.subi %parallel_loop3A_312, %parallel_loop3A_315 : vector<16xi32>
        %parallel_loop3A_317 = arith.constant 0 : i32
        %parallel_loop3A_318 = vector.broadcast %parallel_loop3A_317 : i32 to vector<16xi32>
        %parallel_loop3A_319 = arith.cmpi slt, %parallel_loop3A_316, %parallel_loop3A_318 : vector<16xi32>
        %parallel_loop3A_320 = arith.addi %parallel_loop3A_312, %parallel_loop3A_303 : vector<16xi32>
        %parallel_loop3A_321 = arith.select %parallel_loop3A_319, %parallel_loop3A_320, %parallel_loop3A_316 : vector<16xi1>, vector<16xi32>
        %parallel_loop3A_322 = arith.constant 16 : i32
        %parallel_loop3A_323 = arith.muli %parallel_loop3A_165, %parallel_loop3A_322 : i32
        %parallel_loop3A_324 = arith.index_cast %parallel_loop3A_323 : i32 to index
        %parallel_loop3A_325 = tpu.vector_load %arg7[%parallel_loop3A_324] {strides = array<i32>} : memref<256xi32, #tpu.memory_space<vmem>>, vector<16xi32>,
        tpu.vector_store %arg7[%parallel_loop3A_324], %parallel_loop3A_274 {strides = array<i32>} : memref<256xi32, #tpu.memory_space<vmem>>, vector<16xi32>,
        %parallel_loop3A_326 = arith.constant 16 : i32
        %parallel_loop3A_327 = arith.muli %parallel_loop3A_165, %parallel_loop3A_326 : i32
        %parallel_loop3A_328 = arith.index_cast %parallel_loop3A_327 : i32 to index
        %parallel_loop3A_329 = tpu.vector_load %arg8[%parallel_loop3A_328] {strides = array<i32>} : memref<256xi32, #tpu.memory_space<vmem>>, vector<16xi32>,
        tpu.vector_store %arg8[%parallel_loop3A_328], %parallel_loop3A_321 {strides = array<i32>} : memref<256xi32, #tpu.memory_space<vmem>>, vector<16xi32>,
      } {sc.loop_unroll_factor = 2 : i64, sc.parallel_access}
      %while3A_135 = arith.constant 0 : i32
      %while3A_136 = arith.constant 16 : i32
      %while3A_137 = arith.constant 0 : i32
      %while3A_138 = arith.subi %while3A_136, %while3A_135 : i32
      %while3A_139 = arith.addi %while3A_135, %while3A_138 : i32
      %while3A_140 = arith.constant 1 : i32
      %while3A_141 = arith.divsi %while3A_138, %while3A_140 : i32
      %while3A_142 = arith.muli %while3A_141, %while3A_140 : i32
      %while3A_143 = arith.addi %while3A_135, %while3A_142 : i32
      %while3A_144 = arith.constant 1 : i32
      %while3A_145 = scf.for %while3A_165 = %while3A_135 to %while3A_143 step %while3A_144 iter_args(%while3A_166 = %while3A_137) -> (i32)  : i32 {
        %mul3A_167 = arith.constant 16 : i32
        %mul3A_168 = arith.muli %while3A_165, %mul3A_167 : i32
        %get3A = arith.index_cast %mul3A_168 : i32 to index
        %get3A_169 = tpu.vector_load %arg7[%get3A] {strides = array<i32>} : memref<256xi32, #tpu.memory_space<vmem>>, vector<16xi32>,
        %mul3A_170 = arith.constant 16 : i32
        %mul3A_171 = arith.muli %while3A_165, %mul3A_170 : i32
        %get3A_172 = arith.index_cast %mul3A_171 : i32 to index
        %get3A_173 = tpu.vector_load %arg8[%get3A_172] {strides = array<i32>} : memref<256xi32, #tpu.memory_space<vmem>>, vector<16xi32>,
        %and3A = arith.constant 1 : i32
        %and3A_174 = vector.broadcast %and3A : i32 to vector<16xi32>
        %and3A_175 = arith.andi %get3A_173, %and3A_174 : vector<16xi32>
        %xor3A = arith.constant 1 : i32
        %xor3A_176 = vector.broadcast %xor3A : i32 to vector<16xi32>
        %xor3A_177 = arith.xori %and3A_175, %xor3A_176 : vector<16xi32>
        %shift_left3A = arith.constant 31 : i32
        %shift_left3A_178 = vector.broadcast %shift_left3A : i32 to vector<16xi32>
        %shift_left3A_179 = arith.shli %xor3A_177, %shift_left3A_178 : vector<16xi32>
        %xor3A_180 = arith.constant -2147483648 : i32
        %xor3A_181 = vector.broadcast %xor3A_180 : i32 to vector<16xi32>
        %xor3A_182 = arith.xori %shift_left3A_179, %xor3A_181 : vector<16xi32>
        %mul3A_183 = arith.constant 16 : i32
        %mul3A_184 = arith.muli %while3A_165, %mul3A_183 : i32
        %add3A_185 = vector.broadcast %mul3A_184 : i32 to vector<16xi32>
        %add3A_186 = arith.addi %iota3A, %add3A_185 : vector<16xi32>
        %parallel_loop3A_187 = arith.constant 0 : i32
        %parallel_loop3A_188 = arith.constant 64 : i32
        %parallel_loop3A_189 = arith.constant 1 : i32
        scf.for %parallel_loop3A_191 = %parallel_loop3A_187 to %parallel_loop3A_188 step %parallel_loop3A_189  : i32 {
          %parallel_loop3A_192 = arith.index_cast %parallel_loop3A_191 : i32 to index
          %parallel_loop3A_193 = memref.load %arg9[%parallel_loop3A_192] : memref<64xi32, #tpu.memory_space<smem>>
          %parallel_loop3A_194 = arith.index_cast %parallel_loop3A_191 : i32 to index
          %parallel_loop3A_195 = memref.load %arg10[%parallel_loop3A_194] : memref<64xi32, #tpu.memory_space<smem>>
          %parallel_loop3A_196 = vector.broadcast %parallel_loop3A_191 : i32 to vector<16xi32>
          %parallel_loop3A_197 = arith.addi %get3A_169, %parallel_loop3A_196 : vector<16xi32>
          %parallel_loop3A_198 = tpu.vector_load_idx %arg5[%parallel_loop3A_197] : memref<64064xf32, #tpu.memory_space<vmem>>[vector<16xi32>], vector<16xf32>,
          %parallel_loop3A_199 = vector.broadcast %parallel_loop3A_193 : i32 to vector<16xi32>
          %parallel_loop3A_200 = arith.cmpi sgt, %get3A_173, %parallel_loop3A_199 : vector<16xi32>
          %parallel_loop3A_201 = arith.select %parallel_loop3A_200, %xor3A_182, %shift_left3A_179 : vector<16xi1>, vector<16xi32>
          %parallel_loop3A_202 = vector.bitcast %parallel_loop3A_198 : vector<16xf32> to vector<16xi32>
          %parallel_loop3A_203 = arith.xori %parallel_loop3A_202, %parallel_loop3A_201 : vector<16xi32>
          %parallel_loop3A_204 = vector.broadcast %parallel_loop3A_195 : i32 to vector<16xi32>
          %parallel_loop3A_205 = arith.xori %parallel_loop3A_203, %parallel_loop3A_204 : vector<16xi32>
          %parallel_loop3A_206 = vector.broadcast %parallel_loop3A_191 : i32 to vector<16xi32>
          %parallel_loop3A_207 = vector.bitcast %parallel_loop3A_205 : vector<16xi32> to vector<16xf32>
          tpu.vector_store_idx %arg12[%add3A_186, %parallel_loop3A_206], %parallel_loop3A_207 : memref<256x65xf32, #tpu.memory_space<vmem>>[vector<16xi32>, vector<16xi32>], vector<16xf32>,
        } {sc.loop_unroll_factor = 8 : i64, sc.parallel_access}
        %while3A_190 = arith.constant 0 : i32
        scf.yield %while3A_190 : i32
      }
      %while3A_146 = arith.constant 1 : i32
      %while3A_147 = scf.for %while3A_165 = %while3A_143 to %while3A_139 step %while3A_146 iter_args(%while3A_166 = %while3A_145) -> (i32)  : i32 {
        %mul3A_167 = arith.constant 16 : i32
        %mul3A_168 = arith.muli %while3A_165, %mul3A_167 : i32
        %get3A = arith.index_cast %mul3A_168 : i32 to index
        %get3A_169 = tpu.vector_load %arg7[%get3A] {strides = array<i32>} : memref<256xi32, #tpu.memory_space<vmem>>, vector<16xi32>,
        %mul3A_170 = arith.constant 16 : i32
        %mul3A_171 = arith.muli %while3A_165, %mul3A_170 : i32
        %get3A_172 = arith.index_cast %mul3A_171 : i32 to index
        %get3A_173 = tpu.vector_load %arg8[%get3A_172] {strides = array<i32>} : memref<256xi32, #tpu.memory_space<vmem>>, vector<16xi32>,
        %and3A = arith.constant 1 : i32
        %and3A_174 = vector.broadcast %and3A : i32 to vector<16xi32>
        %and3A_175 = arith.andi %get3A_173, %and3A_174 : vector<16xi32>
        %xor3A = arith.constant 1 : i32
        %xor3A_176 = vector.broadcast %xor3A : i32 to vector<16xi32>
        %xor3A_177 = arith.xori %and3A_175, %xor3A_176 : vector<16xi32>
        %shift_left3A = arith.constant 31 : i32
        %shift_left3A_178 = vector.broadcast %shift_left3A : i32 to vector<16xi32>
        %shift_left3A_179 = arith.shli %xor3A_177, %shift_left3A_178 : vector<16xi32>
        %xor3A_180 = arith.constant -2147483648 : i32
        %xor3A_181 = vector.broadcast %xor3A_180 : i32 to vector<16xi32>
        %xor3A_182 = arith.xori %shift_left3A_179, %xor3A_181 : vector<16xi32>
        %mul3A_183 = arith.constant 16 : i32
        %mul3A_184 = arith.muli %while3A_165, %mul3A_183 : i32
        %add3A_185 = vector.broadcast %mul3A_184 : i32 to vector<16xi32>
        %add3A_186 = arith.addi %iota3A, %add3A_185 : vector<16xi32>
        %parallel_loop3A_187 = arith.constant 0 : i32
        %parallel_loop3A_188 = arith.constant 64 : i32
        %parallel_loop3A_189 = arith.constant 1 : i32
        scf.for %parallel_loop3A_191 = %parallel_loop3A_187 to %parallel_loop3A_188 step %parallel_loop3A_189  : i32 {
          %parallel_loop3A_192 = arith.index_cast %parallel_loop3A_191 : i32 to index
          %parallel_loop3A_193 = memref.load %arg9[%parallel_loop3A_192] : memref<64xi32, #tpu.memory_space<smem>>
          %parallel_loop3A_194 = arith.index_cast %parallel_loop3A_191 : i32 to index
          %parallel_loop3A_195 = memref.load %arg10[%parallel_loop3A_194] : memref<64xi32, #tpu.memory_space<smem>>
          %parallel_loop3A_196 = vector.broadcast %parallel_loop3A_191 : i32 to vector<16xi32>
          %parallel_loop3A_197 = arith.addi %get3A_169, %parallel_loop3A_196 : vector<16xi32>
          %parallel_loop3A_198 = tpu.vector_load_idx %arg5[%parallel_loop3A_197] : memref<64064xf32, #tpu.memory_space<vmem>>[vector<16xi32>], vector<16xf32>,
          %parallel_loop3A_199 = vector.broadcast %parallel_loop3A_193 : i32 to vector<16xi32>
          %parallel_loop3A_200 = arith.cmpi sgt, %get3A_173, %parallel_loop3A_199 : vector<16xi32>
          %parallel_loop3A_201 = arith.select %parallel_loop3A_200, %xor3A_182, %shift_left3A_179 : vector<16xi1>, vector<16xi32>
          %parallel_loop3A_202 = vector.bitcast %parallel_loop3A_198 : vector<16xf32> to vector<16xi32>
          %parallel_loop3A_203 = arith.xori %parallel_loop3A_202, %parallel_loop3A_201 : vector<16xi32>
          %parallel_loop3A_204 = vector.broadcast %parallel_loop3A_195 : i32 to vector<16xi32>
          %parallel_loop3A_205 = arith.xori %parallel_loop3A_203, %parallel_loop3A_204 : vector<16xi32>
          %parallel_loop3A_206 = vector.broadcast %parallel_loop3A_191 : i32 to vector<16xi32>
          %parallel_loop3A_207 = vector.bitcast %parallel_loop3A_205 : vector<16xi32> to vector<16xf32>
          tpu.vector_store_idx %arg12[%add3A_186, %parallel_loop3A_206], %parallel_loop3A_207 : memref<256x65xf32, #tpu.memory_space<vmem>>[vector<16xi32>, vector<16xi32>], vector<16xf32>,
        } {sc.loop_unroll_factor = 8 : i64, sc.parallel_access}
        %while3A_190 = arith.constant 0 : i32
        scf.yield %while3A_190 : i32
      }
      %add3A_148 = arith.constant 1 : i32
      %add3A_149 = arith.addi %mul3A_92, %add3A_148 : i32
      %mul3A_150 = arith.constant 3328 : i32
      %mul3A_151 = arith.muli %add3A, %mul3A_150 : i32
      %mul3A_152 = arith.constant 256 : i32
      %mul3A_153 = arith.muli %add3A_149, %mul3A_152 : i32
      %add3A_154 = arith.addi %mul3A_151, %mul3A_153 : i32
      %dma_start3A_155 = arith.constant 0 : i32
      %dma_start3A_156 = arith.constant 0 : i32
      %dma_start3A_157 = tpu.memref_slice %arg12[%dma_start3A_156, %dma_start3A_155] : memref<256x65xf32, #tpu.memory_space<vmem>> -> memref<256x64xf32, #tpu.memory_space<vmem>>
      %dma_start3A_158 = arith.constant 0 : i32
      %dma_start3A_159 = tpu.memref_slice %arg4[%add3A_154, %dma_start3A_158] : memref<106496x64xf32, #tpu.memory_space<hbm>> -> memref<256x64xf32, #tpu.memory_space<hbm>>
      %dma_start3A_160 = arith.constant 0 : i32
      %dma_start3A_161 = tpu.memref_slice %arg4[%add3A_154, %dma_start3A_160] : memref<106496x64xf32, #tpu.memory_space<hbm>> -> memref<256x64xf32, #tpu.memory_space<hbm>>
      %dma_start3A_162 = arith.constant 0 : i32
      %dma_start3A_163 = tpu.memref_slice %arg12[%dma_start3A_162, %dma_start3A_155] : memref<256x65xf32, #tpu.memory_space<vmem>> -> memref<256x64xf32, #tpu.memory_space<vmem>>
      tpu.enqueue_dma source(%dma_start3A_163 : memref<256x64xf32, #tpu.memory_space<vmem>>) target(%dma_start3A_161 : memref<256x64xf32, #tpu.memory_space<hbm>>) target_semaphore(%arg14 : memref<!tpu.dma_semaphore, #tpu.memory_space<semaphore_mem>>)
      %while3A_164 = arith.constant 0 : i32
      scf.yield %while3A_164 : i32
    }
    %dma_wait3A = arith.constant 0 : i32
    %dma_wait3A_30 = arith.constant 0 : i32
    %dma_wait3A_31 = arith.constant 0 : i32
    %dma_wait3A_32 = tpu.memref_slice %arg11[%dma_wait3A_31, %dma_wait3A] : memref<256x65xf32, #tpu.memory_space<vmem>> -> memref<256x64xf32, #tpu.memory_space<vmem>>
    %dma_wait3A_33 = arith.constant 0 : i32
    %dma_wait3A_34 = tpu.memref_slice %arg4[%dma_wait3A_30, %dma_wait3A_33] : memref<106496x64xf32, #tpu.memory_space<hbm>> -> memref<256x64xf32, #tpu.memory_space<hbm>>
    %dma_wait3A_35 = arith.constant 0 : i32
    %dma_wait3A_36 = tpu.memref_slice %arg4[%dma_wait3A_30, %dma_wait3A_35] : memref<106496x64xf32, #tpu.memory_space<hbm>> -> memref<256x64xf32, #tpu.memory_space<hbm>>
    %dma_wait3A_37 = arith.constant 0 : i32
    %dma_wait3A_38 = tpu.memref_slice %arg11[%dma_wait3A_37, %dma_wait3A] : memref<256x65xf32, #tpu.memory_space<vmem>> -> memref<256x64xf32, #tpu.memory_space<vmem>>
    tpu.wait_dma2 semaphore(%arg13 : memref<!tpu.dma_semaphore, #tpu.memory_space<semaphore_mem>>) src(%dma_wait3A_38 : memref<256x64xf32, #tpu.memory_space<vmem>>) dst(%dma_wait3A_36 : memref<256x64xf32, #tpu.memory_space<hbm>>)
    %parallel_loop3A = arith.constant 0 : i32
    %parallel_loop3A_39 = arith.constant 16 : i32
    %parallel_loop3A_40 = arith.constant 1 : i32
    %parallel_loop3A_41 = arith.constant 12 : i32
    scf.for %parallel_loop3A_89 = %parallel_loop3A to %parallel_loop3A_39 step %parallel_loop3A_40  : i32 {
      %parallel_loop3A_90 = arith.constant 256 : i32
      %parallel_loop3A_91 = arith.muli %parallel_loop3A_41, %parallel_loop3A_90 : i32
      %parallel_loop3A_92 = arith.constant 16 : i32
      %parallel_loop3A_93 = arith.muli %parallel_loop3A_89, %parallel_loop3A_92 : i32
      %parallel_loop3A_94 = arith.addi %parallel_loop3A_91, %parallel_loop3A_93 : i32
      %parallel_loop3A_95 = arith.index_cast %parallel_loop3A_94 : i32 to index
      %parallel_loop3A_96 = tpu.vector_load %arg6[%parallel_loop3A_95] {strides = array<i32>} : memref<3328xi32, #tpu.memory_space<vmem>>, vector<16xi32>,
      %parallel_loop3A_97 = arith.constant 16 : i32
      %parallel_loop3A_98 = vector.broadcast %parallel_loop3A_97 : i32 to vector<16xi32>
      %parallel_loop3A_99 = arith.shrsi %parallel_loop3A_96, %parallel_loop3A_98 : vector<16xi32>
      %parallel_loop3A_100 = arith.constant 65535 : i32
      %parallel_loop3A_101 = vector.broadcast %parallel_loop3A_100 : i32 to vector<16xi32>
      %parallel_loop3A_102 = arith.andi %parallel_loop3A_96, %parallel_loop3A_101 : vector<16xi32>
      %parallel_loop3A_103 = arith.constant 1664525 : i32
      %parallel_loop3A_104 = vector.broadcast %parallel_loop3A_103 : i32 to vector<16xi32>
      %parallel_loop3A_105 = arith.muli %parallel_loop3A_104, %parallel_loop3A_99 : vector<16xi32>
      %parallel_loop3A_106 = arith.constant 32767 : i32
      %parallel_loop3A_107 = vector.broadcast %parallel_loop3A_106 : i32 to vector<16xi32>
      %parallel_loop3A_108 = arith.andi %parallel_loop3A_105, %parallel_loop3A_107 : vector<16xi32>
      %parallel_loop3A_109 = arith.constant 16 : i32
      %parallel_loop3A_110 = vector.broadcast %parallel_loop3A_109 : i32 to vector<16xi32>
      %parallel_loop3A_111 = arith.shli %parallel_loop3A_108, %parallel_loop3A_110 : vector<16xi32>
      %parallel_loop3A_112 = arith.constant 15 : i32
      %parallel_loop3A_113 = vector.broadcast %parallel_loop3A_112 : i32 to vector<16xi32>
      %parallel_loop3A_114 = arith.shrsi %parallel_loop3A_105, %parallel_loop3A_113 : vector<16xi32>
      %parallel_loop3A_115 = arith.addi %parallel_loop3A_111, %parallel_loop3A_114 : vector<16xi32>
      %parallel_loop3A_116 = arith.constant 6502 : i32
      %parallel_loop3A_117 = vector.broadcast %parallel_loop3A_116 : i32 to vector<16xi32>
      %parallel_loop3A_118 = arith.muli %parallel_loop3A_117, %parallel_loop3A_102 : vector<16xi32>
      %parallel_loop3A_119 = arith.constant 8388607 : i32
      %parallel_loop3A_120 = vector.broadcast %parallel_loop3A_119 : i32 to vector<16xi32>
      %parallel_loop3A_121 = arith.andi %parallel_loop3A_118, %parallel_loop3A_120 : vector<16xi32>
      %parallel_loop3A_122 = arith.constant 8 : i32
      %parallel_loop3A_123 = vector.broadcast %parallel_loop3A_122 : i32 to vector<16xi32>
      %parallel_loop3A_124 = arith.shli %parallel_loop3A_121, %parallel_loop3A_123 : vector<16xi32>
      %parallel_loop3A_125 = arith.constant 23 : i32
      %parallel_loop3A_126 = vector.broadcast %parallel_loop3A_125 : i32 to vector<16xi32>
      %parallel_loop3A_127 = arith.shrsi %parallel_loop3A_118, %parallel_loop3A_126 : vector<16xi32>
      %parallel_loop3A_128 = arith.addi %parallel_loop3A_124, %parallel_loop3A_127 : vector<16xi32>
      %parallel_loop3A_129 = arith.constant 13 : i32
      %parallel_loop3A_130 = vector.broadcast %parallel_loop3A_129 : i32 to vector<16xi32>
      %parallel_loop3A_131 = arith.muli %parallel_loop3A_130, %parallel_loop3A_102 : vector<16xi32>
      %parallel_loop3A_132 = arith.constant 2147483647 : i32
      %parallel_loop3A_133 = vector.broadcast %parallel_loop3A_132 : i32 to vector<16xi32>
      %parallel_loop3A_134 = arith.subi %parallel_loop3A_133, %parallel_loop3A_128 : vector<16xi32>
      %parallel_loop3A_135 = arith.subi %parallel_loop3A_115, %parallel_loop3A_134 : vector<16xi32>
      %parallel_loop3A_136 = arith.constant 0 : i32
      %parallel_loop3A_137 = vector.broadcast %parallel_loop3A_136 : i32 to vector<16xi32>
      %parallel_loop3A_138 = arith.cmpi slt, %parallel_loop3A_135, %parallel_loop3A_137 : vector<16xi32>
      %parallel_loop3A_139 = arith.addi %parallel_loop3A_115, %parallel_loop3A_128 : vector<16xi32>
      %parallel_loop3A_140 = arith.select %parallel_loop3A_138, %parallel_loop3A_139, %parallel_loop3A_135 : vector<16xi1>, vector<16xi32>
      %parallel_loop3A_141 = arith.constant 2147483647 : i32
      %parallel_loop3A_142 = arith.constant 1013904223 : i32
      %parallel_loop3A_143 = arith.subi %parallel_loop3A_141, %parallel_loop3A_142 : i32
      %parallel_loop3A_144 = vector.broadcast %parallel_loop3A_143 : i32 to vector<16xi32>
      %parallel_loop3A_145 = arith.subi %parallel_loop3A_131, %parallel_loop3A_144 : vector<16xi32>
      %parallel_loop3A_146 = arith.constant 0 : i32
      %parallel_loop3A_147 = vector.broadcast %parallel_loop3A_146 : i32 to vector<16xi32>
      %parallel_loop3A_148 = arith.cmpi slt, %parallel_loop3A_145, %parallel_loop3A_147 : vector<16xi32>
      %parallel_loop3A_149 = arith.constant 1013904223 : i32
      %parallel_loop3A_150 = vector.broadcast %parallel_loop3A_149 : i32 to vector<16xi32>
      %parallel_loop3A_151 = arith.addi %parallel_loop3A_131, %parallel_loop3A_150 : vector<16xi32>
      %parallel_loop3A_152 = arith.select %parallel_loop3A_148, %parallel_loop3A_151, %parallel_loop3A_145 : vector<16xi1>, vector<16xi32>
      %parallel_loop3A_153 = arith.constant 2147483647 : i32
      %parallel_loop3A_154 = vector.broadcast %parallel_loop3A_153 : i32 to vector<16xi32>
      %parallel_loop3A_155 = arith.subi %parallel_loop3A_154, %parallel_loop3A_152 : vector<16xi32>
      %parallel_loop3A_156 = arith.subi %parallel_loop3A_140, %parallel_loop3A_155 : vector<16xi32>
      %parallel_loop3A_157 = arith.constant 0 : i32
      %parallel_loop3A_158 = vector.broadcast %parallel_loop3A_157 : i32 to vector<16xi32>
      %parallel_loop3A_159 = arith.cmpi slt, %parallel_loop3A_156, %parallel_loop3A_158 : vector<16xi32>
      %parallel_loop3A_160 = arith.addi %parallel_loop3A_140, %parallel_loop3A_152 : vector<16xi32>
      %parallel_loop3A_161 = arith.select %parallel_loop3A_159, %parallel_loop3A_160, %parallel_loop3A_156 : vector<16xi1>, vector<16xi32>
      %parallel_loop3A_162 = arith.constant 16 : i32
      %parallel_loop3A_163 = vector.broadcast %parallel_loop3A_162 : i32 to vector<16xi32>
      %parallel_loop3A_164 = arith.shrsi %parallel_loop3A_161, %parallel_loop3A_163 : vector<16xi32>
      %parallel_loop3A_165 = arith.constant 1536 : i32
      %parallel_loop3A_166 = vector.broadcast %parallel_loop3A_165 : i32 to vector<16xi32>
      %parallel_loop3A_167 = arith.muli %parallel_loop3A_164, %parallel_loop3A_166 : vector<16xi32>
      %parallel_loop3A_168 = arith.constant 65535 : i32
      %parallel_loop3A_169 = vector.broadcast %parallel_loop3A_168 : i32 to vector<16xi32>
      %parallel_loop3A_170 = arith.andi %parallel_loop3A_161, %parallel_loop3A_169 : vector<16xi32>
      %parallel_loop3A_171 = arith.addi %parallel_loop3A_167, %parallel_loop3A_170 : vector<16xi32>
      %parallel_loop3A_172 = arith.constant 16 : i32
      %parallel_loop3A_173 = vector.broadcast %parallel_loop3A_172 : i32 to vector<16xi32>
      %parallel_loop3A_174 = arith.shrsi %parallel_loop3A_171, %parallel_loop3A_173 : vector<16xi32>
      %parallel_loop3A_175 = arith.constant 1536 : i32
      %parallel_loop3A_176 = vector.broadcast %parallel_loop3A_175 : i32 to vector<16xi32>
      %parallel_loop3A_177 = arith.muli %parallel_loop3A_174, %parallel_loop3A_176 : vector<16xi32>
      %parallel_loop3A_178 = arith.constant 65535 : i32
      %parallel_loop3A_179 = vector.broadcast %parallel_loop3A_178 : i32 to vector<16xi32>
      %parallel_loop3A_180 = arith.andi %parallel_loop3A_171, %parallel_loop3A_179 : vector<16xi32>
      %parallel_loop3A_181 = arith.addi %parallel_loop3A_177, %parallel_loop3A_180 : vector<16xi32>
      %parallel_loop3A_182 = arith.constant 16 : i32
      %parallel_loop3A_183 = vector.broadcast %parallel_loop3A_182 : i32 to vector<16xi32>
      %parallel_loop3A_184 = arith.shrsi %parallel_loop3A_181, %parallel_loop3A_183 : vector<16xi32>
      %parallel_loop3A_185 = arith.constant 1536 : i32
      %parallel_loop3A_186 = vector.broadcast %parallel_loop3A_185 : i32 to vector<16xi32>
      %parallel_loop3A_187 = arith.muli %parallel_loop3A_184, %parallel_loop3A_186 : vector<16xi32>
      %parallel_loop3A_188 = arith.constant 65535 : i32
      %parallel_loop3A_189 = vector.broadcast %parallel_loop3A_188 : i32 to vector<16xi32>
      %parallel_loop3A_190 = arith.andi %parallel_loop3A_181, %parallel_loop3A_189 : vector<16xi32>
      %parallel_loop3A_191 = arith.addi %parallel_loop3A_187, %parallel_loop3A_190 : vector<16xi32>
      %parallel_loop3A_192 = arith.constant 64000 : i32
      %parallel_loop3A_193 = vector.broadcast %parallel_loop3A_192 : i32 to vector<16xi32>
      %parallel_loop3A_194 = arith.subi %parallel_loop3A_191, %parallel_loop3A_193 : vector<16xi32>
      %parallel_loop3A_195 = arith.constant 0 : i32
      %parallel_loop3A_196 = vector.broadcast %parallel_loop3A_195 : i32 to vector<16xi32>
      %parallel_loop3A_197 = arith.cmpi slt, %parallel_loop3A_194, %parallel_loop3A_196 : vector<16xi32>
      %parallel_loop3A_198 = arith.select %parallel_loop3A_197, %parallel_loop3A_191, %parallel_loop3A_194 : vector<16xi1>, vector<16xi32>
      %parallel_loop3A_199 = arith.constant 22695477 : i32
      %parallel_loop3A_200 = vector.broadcast %parallel_loop3A_199 : i32 to vector<16xi32>
      %parallel_loop3A_201 = arith.muli %parallel_loop3A_200, %parallel_loop3A_99 : vector<16xi32>
      %parallel_loop3A_202 = arith.constant 32767 : i32
      %parallel_loop3A_203 = vector.broadcast %parallel_loop3A_202 : i32 to vector<16xi32>
      %parallel_loop3A_204 = arith.andi %parallel_loop3A_201, %parallel_loop3A_203 : vector<16xi32>
      %parallel_loop3A_205 = arith.constant 16 : i32
      %parallel_loop3A_206 = vector.broadcast %parallel_loop3A_205 : i32 to vector<16xi32>
      %parallel_loop3A_207 = arith.shli %parallel_loop3A_204, %parallel_loop3A_206 : vector<16xi32>
      %parallel_loop3A_208 = arith.constant 15 : i32
      %parallel_loop3A_209 = vector.broadcast %parallel_loop3A_208 : i32 to vector<16xi32>
      %parallel_loop3A_210 = arith.shrsi %parallel_loop3A_201, %parallel_loop3A_209 : vector<16xi32>
      %parallel_loop3A_211 = arith.addi %parallel_loop3A_207, %parallel_loop3A_210 : vector<16xi32>
      %parallel_loop3A_212 = arith.constant 5540 : i32
      %parallel_loop3A_213 = vector.broadcast %parallel_loop3A_212 : i32 to vector<16xi32>
      %parallel_loop3A_214 = arith.muli %parallel_loop3A_213, %parallel_loop3A_102 : vector<16xi32>
      %parallel_loop3A_215 = arith.constant 524287 : i32
      %parallel_loop3A_216 = vector.broadcast %parallel_loop3A_215 : i32 to vector<16xi32>
      %parallel_loop3A_217 = arith.andi %parallel_loop3A_214, %parallel_loop3A_216 : vector<16xi32>
      %parallel_loop3A_218 = arith.constant 12 : i32
      %parallel_loop3A_219 = vector.broadcast %parallel_loop3A_218 : i32 to vector<16xi32>
      %parallel_loop3A_220 = arith.shli %parallel_loop3A_217, %parallel_loop3A_219 : vector<16xi32>
      %parallel_loop3A_221 = arith.constant 19 : i32
      %parallel_loop3A_222 = vector.broadcast %parallel_loop3A_221 : i32 to vector<16xi32>
      %parallel_loop3A_223 = arith.shrsi %parallel_loop3A_214, %parallel_loop3A_222 : vector<16xi32>
      %parallel_loop3A_224 = arith.addi %parallel_loop3A_220, %parallel_loop3A_223 : vector<16xi32>
      %parallel_loop3A_225 = arith.constant 3637 : i32
      %parallel_loop3A_226 = vector.broadcast %parallel_loop3A_225 : i32 to vector<16xi32>
      %parallel_loop3A_227 = arith.muli %parallel_loop3A_226, %parallel_loop3A_102 : vector<16xi32>
      %parallel_loop3A_228 = arith.constant 2147483647 : i32
      %parallel_loop3A_229 = vector.broadcast %parallel_loop3A_228 : i32 to vector<16xi32>
      %parallel_loop3A_230 = arith.subi %parallel_loop3A_229, %parallel_loop3A_224 : vector<16xi32>
      %parallel_loop3A_231 = arith.subi %parallel_loop3A_211, %parallel_loop3A_230 : vector<16xi32>
      %parallel_loop3A_232 = arith.constant 0 : i32
      %parallel_loop3A_233 = vector.broadcast %parallel_loop3A_232 : i32 to vector<16xi32>
      %parallel_loop3A_234 = arith.cmpi slt, %parallel_loop3A_231, %parallel_loop3A_233 : vector<16xi32>
      %parallel_loop3A_235 = arith.addi %parallel_loop3A_211, %parallel_loop3A_224 : vector<16xi32>
      %parallel_loop3A_236 = arith.select %parallel_loop3A_234, %parallel_loop3A_235, %parallel_loop3A_231 : vector<16xi1>, vector<16xi32>
      %parallel_loop3A_237 = arith.constant 2147483647 : i32
      %parallel_loop3A_238 = vector.broadcast %parallel_loop3A_237 : i32 to vector<16xi32>
      %parallel_loop3A_239 = arith.subi %parallel_loop3A_238, %parallel_loop3A_227 : vector<16xi32>
      %parallel_loop3A_240 = arith.subi %parallel_loop3A_236, %parallel_loop3A_239 : vector<16xi32>
      %parallel_loop3A_241 = arith.constant 0 : i32
      %parallel_loop3A_242 = vector.broadcast %parallel_loop3A_241 : i32 to vector<16xi32>
      %parallel_loop3A_243 = arith.cmpi slt, %parallel_loop3A_240, %parallel_loop3A_242 : vector<16xi32>
      %parallel_loop3A_244 = arith.addi %parallel_loop3A_236, %parallel_loop3A_227 : vector<16xi32>
      %parallel_loop3A_245 = arith.select %parallel_loop3A_243, %parallel_loop3A_244, %parallel_loop3A_240 : vector<16xi1>, vector<16xi32>
      %parallel_loop3A_246 = arith.constant 16 : i32
      %parallel_loop3A_247 = arith.muli %parallel_loop3A_89, %parallel_loop3A_246 : i32
      %parallel_loop3A_248 = arith.index_cast %parallel_loop3A_247 : i32 to index
      %parallel_loop3A_249 = tpu.vector_load %arg7[%parallel_loop3A_248] {strides = array<i32>} : memref<256xi32, #tpu.memory_space<vmem>>, vector<16xi32>,
      tpu.vector_store %arg7[%parallel_loop3A_248], %parallel_loop3A_198 {strides = array<i32>} : memref<256xi32, #tpu.memory_space<vmem>>, vector<16xi32>,
      %parallel_loop3A_250 = arith.constant 16 : i32
      %parallel_loop3A_251 = arith.muli %parallel_loop3A_89, %parallel_loop3A_250 : i32
      %parallel_loop3A_252 = arith.index_cast %parallel_loop3A_251 : i32 to index
      %parallel_loop3A_253 = tpu.vector_load %arg8[%parallel_loop3A_252] {strides = array<i32>} : memref<256xi32, #tpu.memory_space<vmem>>, vector<16xi32>,
      tpu.vector_store %arg8[%parallel_loop3A_252], %parallel_loop3A_245 {strides = array<i32>} : memref<256xi32, #tpu.memory_space<vmem>>, vector<16xi32>,
    } {sc.loop_unroll_factor = 2 : i64, sc.parallel_access}
    %while3A_42 = arith.constant 0 : i32
    %while3A_43 = arith.constant 16 : i32
    %while3A_44 = arith.constant 0 : i32
    %while3A_45 = arith.subi %while3A_43, %while3A_42 : i32
    %while3A_46 = arith.addi %while3A_42, %while3A_45 : i32
    %while3A_47 = arith.constant 1 : i32
    %while3A_48 = arith.divsi %while3A_45, %while3A_47 : i32
    %while3A_49 = arith.muli %while3A_48, %while3A_47 : i32
    %while3A_50 = arith.addi %while3A_42, %while3A_49 : i32
    %while3A_51 = arith.constant 1 : i32
    %while3A_52 = scf.for %while3A_89 = %while3A_42 to %while3A_50 step %while3A_51 iter_args(%while3A_90 = %while3A_44) -> (i32)  : i32 {
      %mul3A_91 = arith.constant 16 : i32
      %mul3A_92 = arith.muli %while3A_89, %mul3A_91 : i32
      %get3A = arith.index_cast %mul3A_92 : i32 to index
      %get3A_93 = tpu.vector_load %arg7[%get3A] {strides = array<i32>} : memref<256xi32, #tpu.memory_space<vmem>>, vector<16xi32>,
      %mul3A_94 = arith.constant 16 : i32
      %mul3A_95 = arith.muli %while3A_89, %mul3A_94 : i32
      %get3A_96 = arith.index_cast %mul3A_95 : i32 to index
      %get3A_97 = tpu.vector_load %arg8[%get3A_96] {strides = array<i32>} : memref<256xi32, #tpu.memory_space<vmem>>, vector<16xi32>,
      %and3A = arith.constant 1 : i32
      %and3A_98 = vector.broadcast %and3A : i32 to vector<16xi32>
      %and3A_99 = arith.andi %get3A_97, %and3A_98 : vector<16xi32>
      %xor3A = arith.constant 1 : i32
      %xor3A_100 = vector.broadcast %xor3A : i32 to vector<16xi32>
      %xor3A_101 = arith.xori %and3A_99, %xor3A_100 : vector<16xi32>
      %shift_left3A = arith.constant 31 : i32
      %shift_left3A_102 = vector.broadcast %shift_left3A : i32 to vector<16xi32>
      %shift_left3A_103 = arith.shli %xor3A_101, %shift_left3A_102 : vector<16xi32>
      %xor3A_104 = arith.constant -2147483648 : i32
      %xor3A_105 = vector.broadcast %xor3A_104 : i32 to vector<16xi32>
      %xor3A_106 = arith.xori %shift_left3A_103, %xor3A_105 : vector<16xi32>
      %mul3A_107 = arith.constant 16 : i32
      %mul3A_108 = arith.muli %while3A_89, %mul3A_107 : i32
      %add3A_109 = vector.broadcast %mul3A_108 : i32 to vector<16xi32>
      %add3A_110 = arith.addi %iota3A, %add3A_109 : vector<16xi32>
      %parallel_loop3A_111 = arith.constant 0 : i32
      %parallel_loop3A_112 = arith.constant 64 : i32
      %parallel_loop3A_113 = arith.constant 1 : i32
      scf.for %parallel_loop3A_115 = %parallel_loop3A_111 to %parallel_loop3A_112 step %parallel_loop3A_113  : i32 {
        %parallel_loop3A_116 = arith.index_cast %parallel_loop3A_115 : i32 to index
        %parallel_loop3A_117 = memref.load %arg9[%parallel_loop3A_116] : memref<64xi32, #tpu.memory_space<smem>>
        %parallel_loop3A_118 = arith.index_cast %parallel_loop3A_115 : i32 to index
        %parallel_loop3A_119 = memref.load %arg10[%parallel_loop3A_118] : memref<64xi32, #tpu.memory_space<smem>>
        %parallel_loop3A_120 = vector.broadcast %parallel_loop3A_115 : i32 to vector<16xi32>
        %parallel_loop3A_121 = arith.addi %get3A_93, %parallel_loop3A_120 : vector<16xi32>
        %parallel_loop3A_122 = tpu.vector_load_idx %arg5[%parallel_loop3A_121] : memref<64064xf32, #tpu.memory_space<vmem>>[vector<16xi32>], vector<16xf32>,
        %parallel_loop3A_123 = vector.broadcast %parallel_loop3A_117 : i32 to vector<16xi32>
        %parallel_loop3A_124 = arith.cmpi sgt, %get3A_97, %parallel_loop3A_123 : vector<16xi32>
        %parallel_loop3A_125 = arith.select %parallel_loop3A_124, %xor3A_106, %shift_left3A_103 : vector<16xi1>, vector<16xi32>
        %parallel_loop3A_126 = vector.bitcast %parallel_loop3A_122 : vector<16xf32> to vector<16xi32>
        %parallel_loop3A_127 = arith.xori %parallel_loop3A_126, %parallel_loop3A_125 : vector<16xi32>
        %parallel_loop3A_128 = vector.broadcast %parallel_loop3A_119 : i32 to vector<16xi32>
        %parallel_loop3A_129 = arith.xori %parallel_loop3A_127, %parallel_loop3A_128 : vector<16xi32>
        %parallel_loop3A_130 = vector.broadcast %parallel_loop3A_115 : i32 to vector<16xi32>
        %parallel_loop3A_131 = vector.bitcast %parallel_loop3A_129 : vector<16xi32> to vector<16xf32>
        tpu.vector_store_idx %arg11[%add3A_110, %parallel_loop3A_130], %parallel_loop3A_131 : memref<256x65xf32, #tpu.memory_space<vmem>>[vector<16xi32>, vector<16xi32>], vector<16xf32>,
      } {sc.loop_unroll_factor = 8 : i64, sc.parallel_access}
      %while3A_114 = arith.constant 0 : i32
      scf.yield %while3A_114 : i32
    }
    %while3A_53 = arith.constant 1 : i32
    %while3A_54 = scf.for %while3A_89 = %while3A_50 to %while3A_46 step %while3A_53 iter_args(%while3A_90 = %while3A_52) -> (i32)  : i32 {
      %mul3A_91 = arith.constant 16 : i32
      %mul3A_92 = arith.muli %while3A_89, %mul3A_91 : i32
      %get3A = arith.index_cast %mul3A_92 : i32 to index
      %get3A_93 = tpu.vector_load %arg7[%get3A] {strides = array<i32>} : memref<256xi32, #tpu.memory_space<vmem>>, vector<16xi32>,
      %mul3A_94 = arith.constant 16 : i32
      %mul3A_95 = arith.muli %while3A_89, %mul3A_94 : i32
      %get3A_96 = arith.index_cast %mul3A_95 : i32 to index
      %get3A_97 = tpu.vector_load %arg8[%get3A_96] {strides = array<i32>} : memref<256xi32, #tpu.memory_space<vmem>>, vector<16xi32>,
      %and3A = arith.constant 1 : i32
      %and3A_98 = vector.broadcast %and3A : i32 to vector<16xi32>
      %and3A_99 = arith.andi %get3A_97, %and3A_98 : vector<16xi32>
      %xor3A = arith.constant 1 : i32
      %xor3A_100 = vector.broadcast %xor3A : i32 to vector<16xi32>
      %xor3A_101 = arith.xori %and3A_99, %xor3A_100 : vector<16xi32>
      %shift_left3A = arith.constant 31 : i32
      %shift_left3A_102 = vector.broadcast %shift_left3A : i32 to vector<16xi32>
      %shift_left3A_103 = arith.shli %xor3A_101, %shift_left3A_102 : vector<16xi32>
      %xor3A_104 = arith.constant -2147483648 : i32
      %xor3A_105 = vector.broadcast %xor3A_104 : i32 to vector<16xi32>
      %xor3A_106 = arith.xori %shift_left3A_103, %xor3A_105 : vector<16xi32>
      %mul3A_107 = arith.constant 16 : i32
      %mul3A_108 = arith.muli %while3A_89, %mul3A_107 : i32
      %add3A_109 = vector.broadcast %mul3A_108 : i32 to vector<16xi32>
      %add3A_110 = arith.addi %iota3A, %add3A_109 : vector<16xi32>
      %parallel_loop3A_111 = arith.constant 0 : i32
      %parallel_loop3A_112 = arith.constant 64 : i32
      %parallel_loop3A_113 = arith.constant 1 : i32
      scf.for %parallel_loop3A_115 = %parallel_loop3A_111 to %parallel_loop3A_112 step %parallel_loop3A_113  : i32 {
        %parallel_loop3A_116 = arith.index_cast %parallel_loop3A_115 : i32 to index
        %parallel_loop3A_117 = memref.load %arg9[%parallel_loop3A_116] : memref<64xi32, #tpu.memory_space<smem>>
        %parallel_loop3A_118 = arith.index_cast %parallel_loop3A_115 : i32 to index
        %parallel_loop3A_119 = memref.load %arg10[%parallel_loop3A_118] : memref<64xi32, #tpu.memory_space<smem>>
        %parallel_loop3A_120 = vector.broadcast %parallel_loop3A_115 : i32 to vector<16xi32>
        %parallel_loop3A_121 = arith.addi %get3A_93, %parallel_loop3A_120 : vector<16xi32>
        %parallel_loop3A_122 = tpu.vector_load_idx %arg5[%parallel_loop3A_121] : memref<64064xf32, #tpu.memory_space<vmem>>[vector<16xi32>], vector<16xf32>,
        %parallel_loop3A_123 = vector.broadcast %parallel_loop3A_117 : i32 to vector<16xi32>
        %parallel_loop3A_124 = arith.cmpi sgt, %get3A_97, %parallel_loop3A_123 : vector<16xi32>
        %parallel_loop3A_125 = arith.select %parallel_loop3A_124, %xor3A_106, %shift_left3A_103 : vector<16xi1>, vector<16xi32>
        %parallel_loop3A_126 = vector.bitcast %parallel_loop3A_122 : vector<16xf32> to vector<16xi32>
        %parallel_loop3A_127 = arith.xori %parallel_loop3A_126, %parallel_loop3A_125 : vector<16xi32>
        %parallel_loop3A_128 = vector.broadcast %parallel_loop3A_119 : i32 to vector<16xi32>
        %parallel_loop3A_129 = arith.xori %parallel_loop3A_127, %parallel_loop3A_128 : vector<16xi32>
        %parallel_loop3A_130 = vector.broadcast %parallel_loop3A_115 : i32 to vector<16xi32>
        %parallel_loop3A_131 = vector.bitcast %parallel_loop3A_129 : vector<16xi32> to vector<16xf32>
        tpu.vector_store_idx %arg11[%add3A_110, %parallel_loop3A_130], %parallel_loop3A_131 : memref<256x65xf32, #tpu.memory_space<vmem>>[vector<16xi32>, vector<16xi32>], vector<16xf32>,
      } {sc.loop_unroll_factor = 8 : i64, sc.parallel_access}
      %while3A_114 = arith.constant 0 : i32
      scf.yield %while3A_114 : i32
    }
    %mul3A_55 = arith.constant 3328 : i32
    %mul3A_56 = arith.muli %add3A, %mul3A_55 : i32
    %mul3A_57 = arith.constant 12 : i32
    %mul3A_58 = arith.constant 256 : i32
    %mul3A_59 = arith.muli %mul3A_57, %mul3A_58 : i32
    %add3A_60 = arith.addi %mul3A_56, %mul3A_59 : i32
    %dma_start3A = arith.constant 0 : i32
    %dma_start3A_61 = arith.constant 0 : i32
    %dma_start3A_62 = tpu.memref_slice %arg11[%dma_start3A_61, %dma_start3A] : memref<256x65xf32, #tpu.memory_space<vmem>> -> memref<256x64xf32, #tpu.memory_space<vmem>>
    %dma_start3A_63 = arith.constant 0 : i32
    %dma_start3A_64 = tpu.memref_slice %arg4[%add3A_60, %dma_start3A_63] : memref<106496x64xf32, #tpu.memory_space<hbm>> -> memref<256x64xf32, #tpu.memory_space<hbm>>
    %dma_start3A_65 = arith.constant 0 : i32
    %dma_start3A_66 = tpu.memref_slice %arg4[%add3A_60, %dma_start3A_65] : memref<106496x64xf32, #tpu.memory_space<hbm>> -> memref<256x64xf32, #tpu.memory_space<hbm>>
    %dma_start3A_67 = arith.constant 0 : i32
    %dma_start3A_68 = tpu.memref_slice %arg11[%dma_start3A_67, %dma_start3A] : memref<256x65xf32, #tpu.memory_space<vmem>> -> memref<256x64xf32, #tpu.memory_space<vmem>>
    tpu.enqueue_dma source(%dma_start3A_68 : memref<256x64xf32, #tpu.memory_space<vmem>>) target(%dma_start3A_66 : memref<256x64xf32, #tpu.memory_space<hbm>>) target_semaphore(%arg13 : memref<!tpu.dma_semaphore, #tpu.memory_space<semaphore_mem>>)
    %dma_wait3A_69 = arith.constant 0 : i32
    %dma_wait3A_70 = arith.constant 0 : i32
    %dma_wait3A_71 = arith.constant 0 : i32
    %dma_wait3A_72 = tpu.memref_slice %arg11[%dma_wait3A_71, %dma_wait3A_69] : memref<256x65xf32, #tpu.memory_space<vmem>> -> memref<256x64xf32, #tpu.memory_space<vmem>>
    %dma_wait3A_73 = arith.constant 0 : i32
    %dma_wait3A_74 = tpu.memref_slice %arg4[%dma_wait3A_70, %dma_wait3A_73] : memref<106496x64xf32, #tpu.memory_space<hbm>> -> memref<256x64xf32, #tpu.memory_space<hbm>>
    %dma_wait3A_75 = arith.constant 0 : i32
    %dma_wait3A_76 = tpu.memref_slice %arg4[%dma_wait3A_70, %dma_wait3A_75] : memref<106496x64xf32, #tpu.memory_space<hbm>> -> memref<256x64xf32, #tpu.memory_space<hbm>>
    %dma_wait3A_77 = arith.constant 0 : i32
    %dma_wait3A_78 = tpu.memref_slice %arg11[%dma_wait3A_77, %dma_wait3A_69] : memref<256x65xf32, #tpu.memory_space<vmem>> -> memref<256x64xf32, #tpu.memory_space<vmem>>
    tpu.wait_dma2 semaphore(%arg13 : memref<!tpu.dma_semaphore, #tpu.memory_space<semaphore_mem>>) src(%dma_wait3A_78 : memref<256x64xf32, #tpu.memory_space<vmem>>) dst(%dma_wait3A_76 : memref<256x64xf32, #tpu.memory_space<hbm>>)
    %dma_wait3A_79 = arith.constant 0 : i32
    %dma_wait3A_80 = arith.constant 0 : i32
    %dma_wait3A_81 = arith.constant 0 : i32
    %dma_wait3A_82 = tpu.memref_slice %arg12[%dma_wait3A_81, %dma_wait3A_79] : memref<256x65xf32, #tpu.memory_space<vmem>> -> memref<256x64xf32, #tpu.memory_space<vmem>>
    %dma_wait3A_83 = arith.constant 0 : i32
    %dma_wait3A_84 = tpu.memref_slice %arg4[%dma_wait3A_80, %dma_wait3A_83] : memref<106496x64xf32, #tpu.memory_space<hbm>> -> memref<256x64xf32, #tpu.memory_space<hbm>>
    %dma_wait3A_85 = arith.constant 0 : i32
    %dma_wait3A_86 = tpu.memref_slice %arg4[%dma_wait3A_80, %dma_wait3A_85] : memref<106496x64xf32, #tpu.memory_space<hbm>> -> memref<256x64xf32, #tpu.memory_space<hbm>>
    %dma_wait3A_87 = arith.constant 0 : i32
    %dma_wait3A_88 = tpu.memref_slice %arg12[%dma_wait3A_87, %dma_wait3A_79] : memref<256x65xf32, #tpu.memory_space<vmem>> -> memref<256x64xf32, #tpu.memory_space<vmem>>
    tpu.wait_dma2 semaphore(%arg14 : memref<!tpu.dma_semaphore, #tpu.memory_space<semaphore_mem>>) src(%dma_wait3A_88 : memref<256x64xf32, #tpu.memory_space<vmem>>) dst(%dma_wait3A_86 : memref<256x64xf32, #tpu.memory_space<hbm>>)
    return
  }
}

</mosaic_0001>

<sc_bundles>
// kernel: kernel.3.cloned.1.call-start
scs
__scs_entry_jumppad:
0x0: {  	(pc) =	sbr.rel $0x88, $3  }
0x1: {  	(tag) =	ssettag $0x0;
	lr =	simm.s32 $0x1  }
0x2: {  	[smem:$0x3F9F] =	sst lr;
	_ =	strace $0xD0000000  }
0x3: {  	_ = 	snop  }
0x4: {  	_ = 	snop  }
0x5: {  	_ = 	snop  }
0x6: {  	_ = 	snop  }
0x7: {  	_ = 	snop  }
__scs_overlays_trampoline_lowered:
0x8: {  	[smem:$0x3FAE] =	sst s0  }
0x9: {  	[smem:$0x3FAF] =	sst s1  }
0xa: {  	[smem:$0x3FB0] =	sst s2  }
0xb: {  	[smem:$0x3FB1] =	sst s3  }
0xc: {  	[smem:$0x3FB2] =	sst s4  }
0xd: {  	[smem:$0x3FB3] =	sst s5  }
0xe: {  	[smem:$0x3FB4] =	sst s6  }
0xf: {  	[smem:$0x3FB5] =	sst s7  }
0x10: {  	[smem:$0x3FB6] =	sst s8  }
0x11: {  	[smem:$0x3FB7] =	sst s9;
	s0 =	simm.s32 @!p0 $0x0  }
0x12: {  	s1 =	sld [smem:$0x3F9D];
	s0 =	simm.s32 @p0 $0x1  }
0x13: {  	[smem:$0x3FB8] =	sst s0;
	s0 =	simm.s32 @!p1 $0x0  }
0x14: {  	s2 =	sld [smem:$0x3F9C];
	s0 =	simm.s32 @p1 $0x1  }
0x15: {  	[smem:$0x3FB9] =	sst s0;
	s0 =	simm.s32 @!p2 $0x0  }
0x16: {  	s3 =	sld [smem:$0x3FDB];
	s0 =	simm.s32 @p2 $0x1  }
0x17: {  	s4 =	simm.s32 $0x1BF5;
	[smem:$0x3FBB] =	sst s0  }
0x18: {  	s0 =	sld [smem:$0x3F9E];
	_ =	swait.ge [sflag:s4], $0x0  }
0x19: {  	s7 =	sld [smem:$0x3F9F]  }
0x1a: {  	s8 =	sadd.s32 $0xFFFFE003, lr  }
0x1b: {  	s9 =	sadd.s32 $0xFFFFFEF7, lr;
	s5 =	simm.s32 $0xFFFFFFFF;
	p2 =	slt.u32 s8, $0xFFFFF086  }
0x1c: {  	p1 =	slt.u32 s9, $0xF7A;
	s5 =	simm.s32 @!p2 $0x0  }
0x1d: {  	s5 =	simm.s32 @p1 $0x1;
	p0 =	seq.s32 s7, s2  }
0x1e: {  	s7 =	smul.u32 @!p0 $0xF7A, s2;
	p2 =	seq.s32 @!p0 s5, $0x0  }
0x1f: {  	s9 =	smul.u32 $0xF7A, s1;
	s8 =	simm.s32 @!p0 $0x1BF5;
	p2 =	por !p2, p0  }
0x20: {  	[sflag:s8] =	ssyncset.s32 @!p0 $0xFFFFF086;
	s6 =	sadd.s32 @!p0 s3, s7;
	s7 =	simm.s32 @!p0 $0x108  }
0x21: {  	s3 =	sadd.s32 s3, s9;
	s6 =	sadd.s32 @!p0 $0x88, s6;
	s7 =	simm.s32 @p2 $0x1082  }
0x22: {  	[simem:s7], [sflag:s8] =	dma.local @!p0 [hbm:s6], $0xF7A  }
0x23: {  	s9 =	sor.u32 $0xD0000000, s2;
	s6 =	simm.s32 $0x108;
	_ =	swait.ge @!p0 [sflag:s8], $0x0  }
0x24: {  	s3 =	sadd.s32 $0x88, s3;
	s6 =	simm.s32 @!p1 $0x1082;
	[sflag:s4] =	ssyncset.s32 $0xFFFFF086  }
0x25: {  	[simem:s6], [sflag:s4] =	dma.local [hbm:s3], $0xF7A  }
0x26: {  	[smem:$0x3F9F] =	sst s1;
	(tag) =	ssettag s2;
	_ =	strace s9  }
0x27: {  	s1 =	sld [smem:$0x3FAF]  }
0x28: {  	s2 =	sld [smem:$0x3FB0]  }
0x29: {  	s4 =	sld [smem:$0x3FB2]  }
0x2a: {  	p0 =	seq.s32 s5, $0x0;
	s5 =	sld [smem:$0x3FB3]  }
0x2b: {  	s6 =	sld [smem:$0x3FB4]  }
0x2c: {  	s7 =	sld [smem:$0x3FB5]  }
0x2d: {  	s3 =	simm.s32 $0x108;
	s8 =	sld [smem:$0x3FB6]  }
0x2e: {  	s3 =	simm.s32 @!p0 $0x1082;
	s9 =	sld [smem:$0x3FB7]  }
0x2f: {  	lr =	sadd.s32 s0, s3;
	s0 =	sld [smem:$0x3FAE]  }
0x30: {  	s3 =	sld [smem:$0x3FB1]  }
0x31: {  	[smem:$0x3FBA] =	sst s10  }
0x32: {  	s10 =	sld [smem:$0x3FB8];
	_ =	sdelay $0x3  }
0x33: {  	p0 =	seq.s32 s10, $0x1;
	s10 =	sld [smem:$0x3FBA];
	_ =	sdelay $0x3  }
0x34: {  	[smem:$0x3FBA] =	sst s10  }
0x35: {  	s10 =	sld [smem:$0x3FB9];
	_ =	sdelay $0x3  }
0x36: {  	p1 =	seq.s32 s10, $0x1;
	s10 =	sld [smem:$0x3FBA];
	_ =	sdelay $0x3  }
0x37: {  	[smem:$0x3FBA] =	sst s10  }
0x38: {  	s10 =	sld [smem:$0x3FBB]  }
0x39: {  	_ = 	snop;
	(pc) =	sbr.ind lr, $3  }
0x3a: {  	_ = 	snop  }
0x3b: {  	_ = 	snop  }
0x3c: {  	p2 =	seq.s32 s10, $0x1;
	s10 =	sld [smem:$0x3FBA]  }
0x3d: {  	_ =	shalt  }
0x3e: {  	_ =	shalt  }
0x3f: {  	_ =	shalt  }
0x40: {  	_ =	shalt  }
0x41: {  	_ =	shalt  }
0x42: {  	_ =	shalt  }
0x43: {  	_ =	shalt  }
0x44: {  	_ =	shalt  }
0x45: {  	_ =	shalt  }
0x46: {  	_ =	shalt  }
0x47: {  	_ =	shalt  }
0x48: {  	_ =	shalt  }
0x49: {  	_ =	shalt  }
0x4a: {  	_ =	shalt  }
0x4b: {  	_ =	shalt  }
0x4c: {  	_ =	shalt  }
0x4d: {  	_ =	shalt  }
0x4e: {  	_ =	shalt  }
0x4f: {  	_ =	shalt  }
0x50: {  	_ =	shalt  }
0x51: {  	_ =	shalt  }
0x52: {  	_ =	shalt  }
0x53: {  	_ =	shalt  }
0x54: {  	_ =	shalt  }
0x55: {  	_ =	shalt  }
0x56: {  	_ =	shalt  }
0x57: {  	_ =	shalt  }
0x58: {  	_ =	shalt  }
0x59: {  	_ =	shalt  }
0x5a: {  	_ =	shalt  }
0x5b: {  	_ =	shalt  }
0x5c: {  	_ =	shalt  }
0x5d: {  	_ =	shalt  }
0x5e: {  	_ =	shalt  }
0x5f: {  	_ =	shalt  }
0x60: {  	_ =	shalt  }
0x61: {  	_ =	shalt  }
0x62: {  	_ =	shalt  }
0x63: {  	_ =	shalt  }
0x64: {  	_ =	shalt  }
0x65: {  	_ =	shalt  }
0x66: {  	_ =	shalt  }
0x67: {  	_ =	shalt  }
0x68: {  	_ =	shalt  }
0x69: {  	_ =	shalt  }
0x6a: {  	_ =	shalt  }
0x6b: {  	_ =	shalt  }
0x6c: {  	_ =	shalt  }
0x6d: {  	_ =	shalt  }
0x6e: {  	_ =	shalt  }
0x6f: {  	_ =	shalt  }
0x70: {  	_ =	shalt  }
0x71: {  	_ =	shalt  }
0x72: {  	_ =	shalt  }
0x73: {  	_ =	shalt  }
0x74: {  	_ =	shalt  }
0x75: {  	_ =	shalt  }
0x76: {  	_ =	shalt  }
0x77: {  	_ =	shalt  }
0x78: {  	_ =	shalt  }
0x79: {  	_ =	shalt  }
0x7a: {  	_ =	shalt  }
0x7b: {  	_ =	shalt  }
0x7c: {  	_ =	shalt  }
0x7d: {  	_ =	shalt  }
0x7e: {  	_ =	shalt  }
0x7f: {  	_ =	shalt  }
0x80: {  	_ =	shalt  }
0x81: {  	_ =	shalt  }
0x82: {  	_ =	shalt  }
0x83: {  	_ =	shalt  }
0x84: {  	_ =	shalt  }
0x85: {  	_ =	shalt  }
0x86: {  	_ =	shalt  }
0x87: {  	_ =	shalt  }
.Lfunc_end0:
.L_simem_size_0:
called_computation_lowered:
.L_overlay_start_0:
0x88: {  	s2 =	sld [smem:$0x3FD9]  }
0x89: {  	s3 =	sld [smem:$0x3FFE];
	_ =	sdelay $0x1  }
0x8a: {  	s1 =	srdreg.scid  }
0x8b: {  	s0 =	sand.u32 $0x1, s1  }
0x8c: {  	s17 =	sshll.u32 s0, $0xA;
	s2 =	sadd.s32 s3, s2  }
0x8d: {  	s2 =	sadd.s32 s2, s17  }
0x8e: {  	[smem:$0x3FC6] =	sst s2  }
0x8f: {  	_ = 	snop  }
0x90: {  	s2 =	sld [smem:$0x3FC9]  }
0x91: {  	s18 =	sld [smem:$0x3FD0];
	(tm) =	ssettm $0x1  }
0x92: {  	s4 =	sld [smem:$0x3FFB];
	_ =	sdelay $0x3  }
0x93: {  	_ =	strace s4  }
0x94: {  	s4 =	sld [smem:$0x3FFC];
	_ =	sdelay $0x3  }
0x95: {  	_ =	strace s4  }
0x96: {  	s4 =	sld [smem:$0x3FFD];
	_ =	sdelay $0x3  }
0x97: {  	_ =	strace s4  }
0x98: {  	_ =	strace $0x8FFFFFFF  }
0x99: {  	s19 =	sld [smem:$0x3FDB];
	_ =	sdelay $0x1  }
0x9a: {  	s5 =	simm.s32 $_scs_section_size  }
0x9b: {  	s6 =	simm.s32 $_size__tile_overlayer_lowered;
	s7 =	simm.s32 $_tile_overlayer_lowered  }
0x9c: {  	s22 =	simm.s32 $0x1BFF;
	s21 =	sshll.u32 s7, $0x1;
	s4 =	sadd.s32 s5, s19  }
0x9d: {  	s8 =	simm.s32 $0x0;
	s20 =	sshll.u32 s6, $0x1;
	s6 =	sadd.s32 s21, s4  }
0x9e: {  	[timem:s8], [sflag:s22] =	dma.local [hbm:s6], s20  }
0x9f: {  	_ =	swait.ge [sflag:s22], s20  }
0xa0: {  	s5 =	ssub.s32 $0x0, s20;
	[sflag:s22] =	ssyncset.done $0x0  }
0xa1: {  	[sflag:s22] =	ssyncadd.s32 s5;
	_ =	sdelay $0x1  }
0xa2: {  	s23 =	simm.s32 $0x1B8B  }
0xa3: {  	_ =	swait.ge [sflag:s23], $0x1  }
0xa4: {  	[sflag:s23] =	ssyncset.done $0x0  }
0xa5: {  	s25 =	simm.s32 $0x1B8E;
	s24 =	sld [smem:$0x3FFE];
	[sflag:s23] =	ssyncadd.s32 $0xFFFFFFFF  }
0xa6: {  	s26 =	simm.s32 $execute0_lowered;
	[smem:$0x3FD2] =	sst s25  }
0xa7: {  	s6 =	sshll.u32 s26, $0x1;
	_ =	strace $0x80000046;
	[dreg:$0x1] =	wrdreg $0xFFFFFFFF  }
0xa8: {  	s28 =	simm.s32 $_size_execute0_lowered;
	s4 =	sadd.s32 s4, s6;
	[dreg:$0x0] =	wrdreg $0x0  }
0xa9: {  	s6 =	sshll.u32 s28, $0x1;
	[dreg:$0x2] =	wrdreg s4  }
0xaa: {  	[dreg:$0x3] =	wrdreg s6  }
0xab: {  	[dreg:$0x4] =	wrdreg $0xC0  }
0xac: {  	_ =	task [dreg:s8], $0x5FFFF  }
0xad: {  	[dreg:$0x1] =	wrdreg $0xFFFFFFFF  }
0xae: {  	[dreg:$0x0] =	wrdreg $0x60  }
0xaf: {  	[dreg:$0x2] =	wrdreg s2  }
0xb0: {  	[dreg:$0x3] =	wrdreg s24  }
0xb1: {  	[dreg:$0x4] =	wrdreg s18  }
0xb2: {  	[dreg:$0x5] =	wrdreg $0x9  }
0xb3: {  	_ =	task.clear_ibuf [dreg:s8], $0x6FFFF;
	_ =	strace $0x90000046  }
0xb4: {  	s29 =	simm.s32 $0x9;
	_ =	strace $0x80000048  }
0xb5: {  	_ =	swait.ge [sflag:s29], $0x1  }
0xb6: {  	[sflag:s29] =	ssyncadd.s32 $0xFFFFFFFF  }
0xb7: {  	_ =	strace $0x90000048  }
0xb8: {  	_ =	sfence  }
0xb9: {  	s30 =	sld [smem:$0x0];
	_ =	sdelay $0x2  }
0xba: {  	s31 =	sshll.u32 s1, $0xD;
	s1 =	sshrl.u32 s1, $0x2  }
0xbb: {  	s3 =	sand.u32 $0x4000, s31;
	s1 =	sadd.s32 s1, s30  }
0xbc: {  	s0 =	sor.u32 s3, s0;
	s1 =	sshll.u32 s1, $0x11  }
0xbd: {  	s0 =	sor.u32 s1, s0  }
0xbe: {  	s0 =	sadd.s32 $0x8F2B, s0  }
0xbf: {  	[sflag:s0] =	ssyncadd.remote.s32 $0x1  }
0xc0: {  	_ =	sfence.sel $0xFFFF  }
0xc1: {  	[dreg:$0x0] =	wrdreg $0xFFFFFFFF;
	(pc) =	sbr.abs _section_cstart, $3  }
0xc2: {  	[dreg:$0x1] =	wrdreg $0xFFFFFFFF  }
0xc3: {  	_ =	task.clear_ibuf [dreg:s8], $0x2FFFF;
	_ =	strace $0x9FFFFFFF  }
0xc4: {  	(tm) =	ssettm $0x7FFFFFFF  }
0xc5: {  	_ =	shalt  }
tec
execute0_lowered:
.L_overlay_start_1:
0x0: {  	(tag) =	ssettag $0x1  }
0x1: {  	s1 =	rddreg [dreg:$0x0]  }
0x2: {  	s2 =	srdreg.scid;
	s6 =	rddreg [dreg:$0x1]  }
0x3: {  	s0 =	stileid.u32;
	s3 =	rddreg [dreg:$0x2]  }
0x4: {  	s4 =	simm.s32 $0x0;
	s7 =	sand.u32 $0x1, s2;
	s30 =	sshll.u32 s0, $0x1  }
0x5: {  	s11 =	simm.s32 $0xFA40;
	s12 =	simm.s32 $0x10940;
	s8 =	sor.u32 s7, s30  }
0x6: {  	v0 =	vlaneseq.u32;
	s13 =	simm.s32 $0x15140;
	s14 =	simm.s32 $0x1;
	s5 =	smul.u32 $0x34000, s8  }
0x7: {  	s15 =	simm.s32 $0x2;
	[smem:$0x7FF] =	sst s4;
	v0 =	vmul.u32 $0x48, v0;
	s8 =	smul.u32 $0x1A0, s8  }
0x8: {  	s16 =	simm.s32 $0x0;
	_ =	strace $0x80000047;
	s7 =	ssub.s32 $0x2, s7  }
0x9: {  	s31 =	sshrl.u32 s7, $0x1;
	v1 =	vor.u32 $0x1, v0;
	s9 =	sshrl.u32 s5, $0x3;
	s6 =	sadd.s32 s8, s6  }
0xa: {  	v2 =	vor.u32 $0x2, v0;
	v3 =	vor.u32 $0x3, v0;
	v4 =	vor.u32 $0x4, v0;
	s8 =	ssub.s32 s7, s31;
	s9 =	sadd.s32 s3, s9;
	s6 =	sadd.s32 $0x400, s6  }
0xb: {  	v5 =	vor.u32 $0x5, v0;
	v6 =	vor.u32 $0x6, v0;
	v7 =	vor.u32 $0x7, v0;
	s8 =	smax.u32 s8, $0x1;
	s7 =	sadd.s32 $0x6000, s9;
	s9 =	simm.s32 $0x3  }
.LBB2_1:
0xc: {  	[tilespmem:s4], [sflag:$0x3] =	stream.linear.gather [hbm4b:s1+s4], $0xFA00, $0x38;
	[tilespmem:$0x19940] =	vst v63  }
0xd: {  	_ =	swait.ge [sflag:s9], $0xFA00  }
0xe: {  	[sflag:s9] =	ssyncset.done $0x0  }
0xf: {  	s0 =	simm.s32 $0xFA00;
	[sflag:s9] =	ssyncadd.s32 $0xFFFF0600  }
0x10: {  	[tilespmem:s0], [sflag:$0x3] =	stream.linear.gather [hbm4b:s1+s4], $0x40, $0x38;
	[tilespmem:$0x19940] =	vst v63  }
0x11: {  	_ =	swait.ge [sflag:s9], $0x40  }
0x12: {  	[sflag:s9] =	ssyncset.done $0x0  }
0x13: {  	[sflag:s9] =	ssyncadd.s32 $0xFFFFFFC0  }
0x14: {  	[tilespmem:s11], [sflag:$0x3] =	stream.linear.gather [hbm4b:s6+s4], $0xD00, $0x38;
	[tilespmem:$0x19940] =	vst v63  }
0x15: {  	_ =	swait.ge [sflag:s9], $0xD00  }
0x16: {  	[sflag:s9] =	ssyncset.done $0x0  }
0x17: {  	s18 =	simm.s32 $0x3039;
	s17 =	simm.s32 $0x0;
	[sflag:s9] =	ssyncadd.s32 $0xFFFFF300  }
.LBB2_2:
0x18: {  	s19 =	ssub.s32 $0x7FFFFFFE, s18;
	s20 =	sshra.s32 s17, $0x2;
	s21 =	sadd.s32 $0xC1C64E6E, s18  }
0x19: {  	[smem:s20] =	sst s19;
	p0 =	slt.s32 s21, $0x0;
	s19 =	sadd.s32 $0x41C64E6D, s18  }
0x1a: {  	s21 =	smov.u32 @p0 s19;
	p0 =	sne.s32 s17, $0xFC  }
.Ltmp0:
0x1b: {  	_ = 	snop;
	(pc) =	sbr.rel @p0 .LBB2_2-.Ltmp0, $3  }
0x1c: {  	_ =	sdelay $0x1  }
0x1d: {  	s31 =	sshll.u32 s18, $0x1F  }
0x1e: {  	[smem:s20+$0x40] =	sst s31;
	s17 =	sadd.s32 $0x4, s17;
	s18 =	smov.u32 s21  }
0x1f: {  	s17 =	simm.s32 $0x0;
	s18 =	simm.s32 $0xFA50;
	s19 =	simm.s32 $0xFB50  }
.LBB2_4:
0x20: {  	p0 =	seq.s32 s17, $0x0  }
0x21: {  	s20 =	simm.s32 @!p0 $0x1  }
0x22: {  	_ =	swait.ge @!p0 [sflag:s20], $0x4000  }
0x23: {  	[sflag:s20] =	ssyncset.done @!p0 $0x0  }
0x24: {  	[sflag:s20] =	ssyncadd.s32 @!p0 $0xFFFFC000  }
0x25: {  	v8 =	vld [tilespmem:s18+$0x0];
	_ =	sdelay $0x1  }
0x26: {  	v9 =	vld [tilespmem:s18+$0xFFFFFFF0];
	_ =	sdelay $0x2  }
0x27: {  	v10 =	vand.u32 $0xFFFF, v8  }
0x28: {  	v8 =	vshra.s32 v8, $0x10;
	v11 =	vmul.u32 $0x1966, v10;
	v12 =	vmul.u32 $0x196600, v10  }
0x29: {  	v13 =	vand.u32 $0xFFFF, v9;
	v14 =	vmul.u32 $0x19660D, v8;
	v15 =	vmul.u32 $0x660D0000, v8  }
0x2a: {  	v9 =	vshra.s32 v9, $0x10;
	v12 =	vand.u32 $0x7FFFFE00, v12;
	v11 =	vshrl.u32 v11, $0x17  }
0x2b: {  	v15 =	vand.u32 $0x7FFF0000, v15;
	v14 =	vshra.s32 v14, $0xF;
	v11 =	vor.u32 v11, v12  }
0x2c: {  	v16 =	vmul.u32 $0x1966, v13;
	v14 =	vadd.s32 v14, v15;
	v15 =	vxor.u32 $0x7FFFFFFF, v11  }
0x2d: {  	v17 =	vmul.u32 $0xD, v10;
	v18 =	vmul.u32 $0x660D0000, v9;
	v15 =	vsub.s32 v14, v15  }
0x2e: {  	v12 =	vmul.u32 $0x196600, v13;
	v11 =	vadd.s32 v11, v14;
	vm0 =	vlt.s32 v15, $0x0  }
0x2f: {  	v41 =	vmul.u32 $0x15A4, v10;
	v14 =	vmul.u32 $0x19660D, v9;
	v11 =	vsel vm0, v11, v15  }
0x30: {  	v16 =	vshrl.u32 v16, $0x17;
	v12 =	vand.u32 $0x7FFFFE00, v12;
	v11 =	vadd.s32 v17, v11  }
0x31: {  	v12 =	vor.u32 v16, v12;
	v14 =	vshra.s32 v14, $0xF;
	v16 =	vadd.s32 $0xBC6EF360, v11  }
0x32: {  	v17 =	vand.u32 $0x7FFF0000, v18;
	v11 =	vadd.s32 $0x3C6EF35F, v11;
	vm0 =	vlt.s32 v16, $0x0  }
0x33: {  	v14 =	vadd.s32 v14, v17;
	v17 =	vxor.u32 $0x7FFFFFFF, v12;
	v11 =	vsel vm0, v11, v16  }
0x34: {  	v12 =	vadd.s32 v12, v14;
	v16 =	vsub.s32 v14, v17;
	v14 =	vshra.s32 v11, $0x10  }
0x35: {  	v19 =	vmul.u32 $0x15A4000, v10;
	v10 =	vmul.u32 $0xE35, v10;
	v14 =	vmul.u32 $0x600, v14  }
0x36: {  	v15 =	vmul.u32 $0xD, v13;
	vm0 =	vlt.s32 v16, $0x0;
	v11 =	vand.u32 $0xFFFF, v11  }
0x37: {  	v19 =	vand.u32 $0x7FFFC000, v19;
	v12 =	vsel vm0, v12, v16;
	v11 =	vadd.s32 v11, v14  }
0x38: {  	v12 =	vadd.s32 v15, v12;
	v14 =	vmul.u32 $0x4E350000, v8;
	v15 =	vshra.s32 v11, $0x10  }
0x39: {  	v18 =	vshrl.u32 v41, $0x13;
	v8 =	vmul.u32 $0x15A4E35, v8;
	v15 =	vmul.u32 $0x600, v15  }
0x3a: {  	v17 =	vmul.u32 $0x15A4, v13;
	v11 =	vand.u32 $0xFFFF, v11;
	v14 =	vand.u32 $0x7FFF0000, v14  }
0x3b: {  	v8 =	vshra.s32 v8, $0xF;
	v11 =	vadd.s32 v11, v15;
	v15 =	vor.u32 v18, v19  }
0x3c: {  	v8 =	vadd.s32 v8, v14;
	v42 =	vshra.s32 v11, $0x10;
	v14 =	vxor.u32 $0x7FFFFFFF, v15  }
0x3d: {  	v16 =	vmul.u32 $0x15A4000, v13;
	v18 =	vmul.u32 $0x600, v42;
	v14 =	vsub.s32 v8, v14  }
0x3e: {  	v11 =	vand.u32 $0xFFFF, v11;
	v8 =	vadd.s32 v15, v8;
	vm0 =	vlt.s32 v14, $0x0  }
0x3f: {  	s21 =	sadd.s32 $0x20, s18;
	v11 =	vadd.s32 v11, v18;
	v8 =	vsel vm0, v8, v14;
	v14 =	vxor.u32 $0x7FFFFFFF, v10  }
0x40: {  	v21 =	vld [tilespmem:s21+$0xFFFFFFF0];
	v15 =	vadd.s32 $0xFFFF0600, v11;
	vm0 =	vlt.s32 v11, $0xFA00;
	v14 =	vsub.s32 v8, v14  }
0x41: {  	v8 =	vadd.s32 v10, v8;
	v11 =	vsel vm0, v11, v15;
	vm0 =	vlt.s32 v14, $0x0  }
0x42: {  	v10 =	vadd.s32 $0xBC6EF360, v12;
	v15 =	vadd.s32 $0x3C6EF35F, v12;
	v12 =	vsel vm0, v8, v14  }
0x43: {  	vm0 =	vlt.s32 v10, $0x0;
	v8 =	vmul.u32 $0x15A4E35, v9;
	v9 =	vmul.u32 $0x4E350000, v9  }
0x44: {  	v14 =	vand.u32 $0x7FFFC000, v16;
	v10 =	vsel vm0, v15, v10;
	v15 =	vshrl.u32 v17, $0x13  }
0x45: {  	v46 =	vshra.s32 v21, $0x10;
	v16 =	vshra.s32 v10, $0x10;
	v14 =	vor.u32 v15, v14  }
0x46: {  	v15 =	vld [tilespmem:s21+$0x0];
	v9 =	vand.u32 $0x7FFF0000, v9;
	v8 =	vshra.s32 v8, $0xF;
	v16 =	vmul.u32 $0x600, v16  }
0x47: {  	v8 =	vadd.s32 v8, v9;
	v9 =	vmul.u32 $0xE35, v13;
	v13 =	vxor.u32 $0x7FFFFFFF, v14  }
0x48: {  	v10 =	vand.u32 $0xFFFF, v10;
	v13 =	vsub.s32 v8, v13;
	v8 =	vadd.s32 v14, v8  }
0x49: {  	v10 =	vadd.s32 v10, v16;
	vm0 =	vlt.s32 v13, $0x0;
	v43 =	vxor.u32 $0x7FFFFFFF, v9  }
0x4a: {  	v14 =	vshra.s32 v10, $0x10;
	v10 =	vand.u32 $0xFFFF, v10;
	v8 =	vsel vm0, v8, v13  }
0x4b: {  	v14 =	vmul.u32 $0x600, v14;
	v13 =	vand.u32 $0xFFFF, v15;
	v15 =	vshra.s32 v15, $0x10  }
0x4c: {  	v18 =	vsub.s32 v8, v43;
	v8 =	vadd.s32 v9, v8;
	v16 =	vmul.u32 $0x1966, v13  }
0x4d: {  	v17 =	vmul.u32 $0x196600, v13;
	v44 =	vmul.u32 $0x19660D, v15;
	v20 =	vmul.u32 $0x660D0000, v15  }
0x4e: {  	v50 =	vmul.u32 $0x4E350000, v15;
	v51 =	vmul.u32 $0x15A4, v13;
	v52 =	vmul.u32 $0x15A4000, v13  }
0x4f: {  	v15 =	vmul.u32 $0x15A4E35, v15;
	v10 =	vadd.s32 v10, v14;
	v17 =	vand.u32 $0x7FFFFE00, v17  }
0x50: {  	v16 =	vshrl.u32 v16, $0x17;
	v20 =	vand.u32 $0x7FFF0000, v20;
	v19 =	vshra.s32 v44, $0xF  }
0x51: {  	v45 =	vshra.s32 v10, $0x10;
	v15 =	vshra.s32 v15, $0xF;
	v16 =	vor.u32 v16, v17  }
0x52: {  	v14 =	vadd.s32 v19, v20;
	v19 =	vand.u32 $0x7FFF0000, v50;
	v17 =	vxor.u32 $0x7FFFFFFF, v16  }
0x53: {  	v15 =	vadd.s32 v15, v19;
	v9 =	vsub.s32 v14, v17;
	v17 =	vmul.u32 $0xD, v13  }
0x54: {  	v14 =	vadd.s32 v16, v14;
	v13 =	vmul.u32 $0xE35, v13;
	vm0 =	vlt.s32 v9, $0x0  }
0x55: {  	v9 =	vsel vm0, v14, v9;
	vm0 =	vlt.s32 v18, $0x0;
	v14 =	vand.u32 $0xFFFF, v21  }
0x56: {  	v21 =	vmul.u32 $0x660D0000, v46;
	v58 =	vxor.u32 $0x7FFFFFFF, v13;
	v8 =	vsel vm0, v8, v18  }
0x57: {  	v16 =	vmul.u32 $0x1966, v14;
	v9 =	vadd.s32 v17, v9;
	v17 =	vmul.u32 $0x196600, v14  }
0x58: {  	v57 =	vmul.u32 $0xD, v14;
	v59 =	vmul.u32 $0x15A4, v14;
	v47 =	vadd.s32 $0xBC6EF360, v9  }
0x59: {  	v22 =	vadd.s32 $0x3C6EF35F, v9;
	v9 =	vand.u32 $0xFFFF, v10;
	vm0 =	vlt.s32 v47, $0x0  }
0x5a: {  	v16 =	vshrl.u32 v16, $0x17;
	v17 =	vand.u32 $0x7FFFFE00, v17;
	v20 =	vsel vm0, v22, v47  }
0x5b: {  	v10 =	vmul.u32 $0x19660D, v46;
	v16 =	vor.u32 v16, v17;
	v17 =	vshra.s32 v20, $0x10  }
0x5c: {  	v60 =	vmul.u32 $0x15A4000, v14;
	v18 =	vmul.u32 $0x4E350000, v46;
	v17 =	vmul.u32 $0x600, v17  }
0x5d: {  	v21 =	vand.u32 $0x7FFF0000, v21;
	v10 =	vshra.s32 v10, $0xF;
	v20 =	vand.u32 $0xFFFF, v20  }
0x5e: {  	v21 =	vadd.s32 v10, v21;
	v48 =	vxor.u32 $0x7FFFFFFF, v16;
	v17 =	vadd.s32 v20, v17  }
0x5f: {  	v22 =	vand.u32 $0x7FFFC000, v52;
	v49 =	vsub.s32 v21, v48;
	v20 =	vshra.s32 v17, $0x10  }
0x60: {  	s22 =	simm.s32 $0x10750;
	v16 =	vadd.s32 v16, v21;
	v21 =	vshrl.u32 v51, $0x13;
	v20 =	vmul.u32 $0x600, v20  }
0x61: {  	[tilespmem:s22+$0x0] =	vst v11;
	v11 =	vand.u32 $0x7FFF0000, v18;
	v53 =	vor.u32 v21, v22;
	v17 =	vand.u32 $0xFFFF, v17  }
0x62: {  	vm0 =	vlt.s32 v49, $0x0;
	v55 =	vxor.u32 $0x7FFFFFFF, v53;
	v17 =	vadd.s32 v17, v20  }
0x63: {  	v16 =	vsel vm0, v16, v49;
	v19 =	vsub.s32 v15, v55;
	v54 =	vshra.s32 v17, $0x10  }
0x64: {  	v15 =	vadd.s32 v53, v15;
	vm0 =	vlt.s32 v19, $0x0;
	v21 =	vmul.u32 $0x600, v54  }
0x65: {  	v10 =	vmul.u32 $0x600, v45;
	v15 =	vsel vm0, v15, v19;
	v17 =	vand.u32 $0xFFFF, v17  }
0x66: {  	v16 =	vadd.s32 v57, v16;
	v13 =	vadd.s32 v13, v15;
	v17 =	vadd.s32 v17, v21  }
0x67: {  	v21 =	vsub.s32 v15, v58;
	v56 =	vadd.s32 $0xFFFF0600, v17;
	vm0 =	vlt.s32 v17, $0xFA00  }
0x68: {  	v15 =	vadd.s32 $0xBC6EF360, v16;
	v17 =	vsel vm0, v17, v56;
	vm0 =	vlt.s32 v21, $0x0  }
0x69: {  	v16 =	vadd.s32 $0x3C6EF35F, v16;
	v61 =	vsel vm0, v13, v21;
	vm0 =	vlt.s32 v15, $0x0  }
0x6a: {  	v19 =	vshrl.u32 v59, $0x13;
	v13 =	vmul.u32 $0x15A4E35, v46;
	v15 =	vsel vm0, v16, v15  }
0x6b: {  	v16 =	vand.u32 $0x7FFFC000, v60;
	v62 =	vshra.s32 v15, $0x10;
	v15 =	vand.u32 $0xFFFF, v15  }
0x6c: {  	s23 =	simm.s32 $0x10850;
	v16 =	vor.u32 v19, v16;
	v13 =	vshra.s32 v13, $0xF;
	v63 =	vmul.u32 $0x600, v62  }
0x6d: {  	s24 =	simm.s32 $0x10770;
	[tilespmem:s23+$0x0] =	vst v12;
	v13 =	vadd.s32 v13, v11;
	v11 =	vmul.u32 $0xE35, v14;
	v12 =	vxor.u32 $0x7FFFFFFF, v16  }
0x6e: {  	s25 =	simm.s32 $0x10870;
	[tilespmem:s24+$0x0] =	vst v17;
	v12 =	vsub.s32 v13, v12;
	v13 =	vadd.s32 v16, v13;
	v14 =	vadd.s32 v15, v63  }
0x6f: {  	s26 =	simm.s32 $0x2;
	s28 =	sadd.s32 $0x20, s21;
	s20 =	sshll.u32 s17, $0x1;
	[tilespmem:s25+$0x0] =	vst v61;
	vm0 =	vlt.s32 v12, $0x0;
	v15 =	vshra.s32 v14, $0x10;
	v14 =	vand.u32 $0xFFFF, v14  }
.LBB2_5:
0x70: {  	v16 =	vld [tilespmem:s28+$0x0];
	v15 =	vmul.u32 $0x600, v15;
	v12 =	vsel vm0, v13, v12;
	v13 =	vxor.u32 $0x7FFFFFFF, v11  }
0x71: {  	s26 =	sadd.s32 $0x2, s26;
	v17 =	vld [tilespmem:s28+$0xFFFFFFF0];
	v13 =	vsub.s32 v12, v13;
	v11 =	vadd.s32 v11, v12;
	v12 =	vadd.s32 v9, v10  }
0x72: {  	p1 =	slt.u32 s26, $0xE;
	v9 =	vadd.s32 v14, v15;
	v14 =	vadd.s32 $0xFFFF0600, v12;
	vm0 =	vlt.s32 v12, $0xFA00  }
0x73: {  	vm1 =	vlt.s32 v13, $0x0;
	v10 =	vshra.s32 v9, $0x10;
	v9 =	vand.u32 $0xFFFF, v9  }
0x74: {  	v11 =	vsel vm1, v11, v13;
	v12 =	vsel vm0, v12, v14;
	v10 =	vmul.u32 $0x600, v10  }
0x75: {  	v13 =	vand.u32 $0xFFFF, v16;
	[tilespmem:s22+$0xFFFFFFF0] =	vst v12;
	s22 =	smov.u32 s24  }
0x76: {  	v12 =	vshra.s32 v16, $0x10;
	v14 =	vmul.u32 $0x1966, v13;
	v15 =	vmul.u32 $0x196600, v13;
	[tilespmem:s23+$0xFFFFFFF0] =	vst v8;
	v8 =	vmovc v11;
	s23 =	smov.u32 s25  }
0x77: {  	v11 =	vand.u32 $0xFFFF, v17;
	v16 =	vmul.u32 $0x19660D, v12;
	v18 =	vmul.u32 $0x660D0000, v12  }
0x78: {  	v19 =	vmul.u32 $0x1966, v11;
	v15 =	vand.u32 $0x7FFFFE00, v15;
	v14 =	vshrl.u32 v14, $0x17  }
0x79: {  	v18 =	vand.u32 $0x7FFF0000, v18;
	v16 =	vshra.s32 v16, $0xF;
	v14 =	vor.u32 v14, v15  }
0x7a: {  	v15 =	vmul.u32 $0x196600, v11;
	v16 =	vadd.s32 v16, v18;
	v18 =	vxor.u32 $0x7FFFFFFF, v14  }
0x7b: {  	v17 =	vshra.s32 v17, $0x10;
	v19 =	vshrl.u32 v19, $0x17;
	v18 =	vsub.s32 v16, v18  }
0x7c: {  	v20 =	vmul.u32 $0xD, v13;
	v14 =	vadd.s32 v14, v16;
	vm0 =	vlt.s32 v18, $0x0  }
0x7d: {  	v21 =	vmul.u32 $0x660D0000, v17;
	v16 =	vmul.u32 $0x19660D, v17;
	v14 =	vsel vm0, v14, v18  }
0x7e: {  	v15 =	vand.u32 $0x7FFFFE00, v15;
	v18 =	vmul.u32 $0xD, v11;
	v14 =	vadd.s32 v20, v14  }
0x7f: {  	v15 =	vor.u32 v19, v15;
	v20 =	vand.u32 $0x7FFF0000, v21;
	v19 =	vadd.s32 $0xBC6EF360, v14  }
0x80: {  	v16 =	vshra.s32 v16, $0xF;
	v14 =	vadd.s32 $0x3C6EF35F, v14;
	vm0 =	vlt.s32 v19, $0x0  }
0x81: {  	v16 =	vadd.s32 v16, v20;
	v20 =	vxor.u32 $0x7FFFFFFF, v15;
	v14 =	vsel vm0, v14, v19  }
0x82: {  	v15 =	vadd.s32 v15, v16;
	v19 =	vsub.s32 v16, v20;
	v16 =	vshra.s32 v14, $0x10  }
0x83: {  	v20 =	vmul.u32 $0x15A4, v11;
	vm0 =	vlt.s32 v19, $0x0;
	v16 =	vmul.u32 $0x600, v16  }
0x84: {  	v14 =	vand.u32 $0xFFFF, v14;
	v15 =	vsel vm0, v15, v19;
	v19 =	vmul.u32 $0x15A4000, v11  }
0x85: {  	v15 =	vadd.s32 v18, v15;
	v14 =	vadd.s32 v14, v16;
	v16 =	vmul.u32 $0x4E350000, v12  }
0x86: {  	v22 =	vmul.u32 $0x15A4000, v13;
	v21 =	vmul.u32 $0x15A4, v13;
	v18 =	vshra.s32 v14, $0x10  }
0x87: {  	v12 =	vmul.u32 $0x15A4E35, v12;
	v18 =	vmul.u32 $0x600, v18;
	v16 =	vand.u32 $0x7FFF0000, v16  }
0x88: {  	v22 =	vand.u32 $0x7FFFC000, v22;
	v21 =	vshrl.u32 v21, $0x13;
	v14 =	vand.u32 $0xFFFF, v14  }
0x89: {  	v12 =	vshra.s32 v12, $0xF;
	v14 =	vadd.s32 v14, v18;
	v18 =	vor.u32 v21, v22  }
0x8a: {  	v12 =	vadd.s32 v12, v16;
	v21 =	vshra.s32 v14, $0x10;
	v16 =	vxor.u32 $0x7FFFFFFF, v18  }
0x8b: {  	v13 =	vmul.u32 $0xE35, v13;
	v21 =	vmul.u32 $0x600, v21;
	v16 =	vsub.s32 v12, v16  }
0x8c: {  	v14 =	vand.u32 $0xFFFF, v14;
	v12 =	vadd.s32 v18, v12;
	vm0 =	vlt.s32 v16, $0x0  }
0x8d: {  	v14 =	vadd.s32 v14, v21;
	v12 =	vsel vm0, v12, v16;
	v16 =	vxor.u32 $0x7FFFFFFF, v13  }
0x8e: {  	v18 =	vadd.s32 $0xFFFF0600, v14;
	vm0 =	vlt.s32 v14, $0xFA00;
	v16 =	vsub.s32 v12, v16  }
0x8f: {  	s24 =	sadd.s32 $0x20, s24;
	v12 =	vadd.s32 v13, v12;
	v14 =	vsel vm0, v14, v18;
	vm0 =	vlt.s32 v16, $0x0  }
0x90: {  	s25 =	sadd.s32 $0x20, s25;
	v13 =	vadd.s32 $0xBC6EF360, v15;
	v15 =	vadd.s32 $0x3C6EF35F, v15;
	v12 =	vsel vm0, v12, v16;
	[tilespmem:s24+$0x0] =	vst v14  }
0x91: {  	s21 =	simm.s32 $0x0;
	vm0 =	vlt.s32 v13, $0x0;
	v14 =	vmul.u32 $0x15A4E35, v17;
	v16 =	vmul.u32 $0x4E350000, v17;
	[tilespmem:s25+$0x0] =	vst v12  }
0x92: {  	v12 =	vsel vm0, v15, v13;
	v13 =	vand.u32 $0x7FFFC000, v19;
	v15 =	vshrl.u32 v20, $0x13  }
.Ltmp1:
0x93: {  	v17 =	vshra.s32 v12, $0x10;
	v12 =	vand.u32 $0xFFFF, v12;
	v13 =	vor.u32 v15, v13;
	(pc) =	sbr.rel @p1 .LBB2_5-.Ltmp1, $4  }
0x94: {  	v16 =	vand.u32 $0x7FFF0000, v16;
	v14 =	vshra.s32 v14, $0xF;
	v15 =	vmul.u32 $0x600, v17  }
0x95: {  	v11 =	vmul.u32 $0xE35, v11;
	v14 =	vadd.s32 v14, v16;
	v16 =	vxor.u32 $0x7FFFFFFF, v13  }
0x96: {  	v13 =	vadd.s32 v13, v14;
	v17 =	vadd.s32 v12, v15;
	v12 =	vsub.s32 v14, v16  }
0x97: {  	s28 =	sadd.s32 $0x20, s28;
	v15 =	vshra.s32 v17, $0x10;
	v14 =	vand.u32 $0xFFFF, v17;
	vm0 =	vlt.s32 v12, $0x0  }
0x98: {  	v15 =	vmul.u32 $0x600, v15;
	_ =	sdelay $0x1  }
0x99: {  	v14 =	vadd.s32 v14, v15  }
0x9a: {  	v15 =	vshra.s32 v14, $0x10  }
0x9b: {  	v12 =	vsel vm0, v13, v12;
	v9 =	vadd.s32 v9, v10;
	v57 =	vmul.u32 $0x600, v15  }
0x9c: {  	v58 =	vadd.s32 $0xFFFF0600, v9;
	vm14 =	vlt.s32 v9, $0xFA00;
	v14 =	vand.u32 $0xFFFF, v14  }
0x9d: {  	v59 =	vxor.u32 $0x7FFFFFFF, v11;
	v9 =	vsel vm14, v9, v58;
	v10 =	vadd.s32 v14, v57  }
0x9e: {  	v60 =	vsub.s32 v12, v59;
	[tilespmem:s22+$0xFFFFFFF0] =	vst v9;
	v61 =	vadd.s32 $0xFFFF0600, v10;
	vm15 =	vlt.s32 v10, $0xFA00  }
0x9f: {  	v62 =	vadd.s32 v11, v12;
	vm1 =	vlt.s32 v60, $0x0;
	[tilespmem:s23+$0xFFFFFFF0] =	vst v8;
	v8 =	vsel vm15, v10, v61  }
0xa0: {  	v63 =	vsel vm1, v62, v60;
	[tilespmem:s24+$0xFFFFFFF0] =	vst v8  }
0xa1: {  	s22 =	simm.s32 $0x0;
	[tilespmem:s25+$0xFFFFFFF0] =	vst v63  }
.LBB2_7:
0xa2: {  	s23 =	sshll.u32 s22, $0x4  }
0xa3: {  	v16 =	vld [tilespmem:s23+$0x10740];
	_ =	sdelay $0x3  }
0xa4: {  	s24 =	simm.s32 $0x7;
	v10 =	vmov s23  }
0xa5: {  	v10 =	vmul.u32 $0x48, v10;
	v9 =	vadd.s32 s24, v16  }
0xa6: {  	v8 =	vld [tilespmem:s23+$0x10840]  }
0xa7: {  	v21 =	vbroadcast v10, $0x0;
	v10 =	vmov s24  }
0xa8: {  	s25 =	simm.s32 $0x1;
	v11 =	vand.u32 $0x38, v10;
	v13 =	vadd.s32 s21, v16  }
0xa9: {  	v19 =	vadd.s32 v7, v21;
	v22 =	vadd.s32 s25, v16;
	v18 =	vadd.s32 v0, v21  }
0xaa: {  	s30 =	simm.s32 $0x2;
	s2 =	simm.s32 $0x3;
	v17 =	vadd.s32 v1, v21;
	v15 =	vadd.s32 v2, v21;
	v14 =	vadd.s32 v3, v21;
	v12 =	vld.idx.msk [tilespmem:v9+s4+$0x0], $0xffff;
	s10 =	sld [smem:$0x7]  }
0xab: {  	v24 =	vadd.s32 s30, v16;
	v26 =	vadd.s32 s2, v16;
	v9 =	vxor.u32 $0xFFFFFFFF, v8;
	s0 =	sld [smem:$0x47]  }
0xac: {  	v23 =	vadd.s32 v19, v11;
	v11 =	vadd.s32 v4, v21;
	v9 =	vshll.u32 v9, $0x1F;
	s26 =	sld [smem:$0x1]  }
0xad: {  	v20 =	vadd.s32 s21, v18;
	v10 =	vxor.u32 $0x80000000, v9;
	s28 =	sld [smem:$0x2];
	vm0 =	vgt.s32 v8, s10;
	s10 =	simm.s32 $0x4  }
0xae: {  	s29 =	sld [smem:$0x3];
	v25 =	vsel vm0, v10, v9;
	v28 =	vmov s10;
	v34 =	vadd.s32 s10, v16  }
0xaf: {  	s23 =	sld [smem:$0x4];
	v12 =	vxor.u32 s0, v12;
	v36 =	vld.idx.msk [tilespmem:v13+s4+$0x0], $0xffff;
	v13 =	vadd.s32 v5, v21;
	vm10 =	vgt.s32 v8, s26  }
0xb0: {  	s0 =	simm.s32 $0x5;
	v25 =	vxor.u32 v25, v12;
	v12 =	vadd.s32 v6, v21;
	v21 =	vmov s25  }
0xb1: {  	v31 =	vmov s0;
	v35 =	vadd.s32 s0, v16;
	vm11 =	vgt.s32 v8, s28  }
0xb2: {  	s31 =	sld [smem:$0x5];
	v27 =	vsel vm10, v10, v9;
	[tilespmem:v23+s12+$0x0] =	vst.idx.msk $0xffff, v25;
	v25 =	vld.idx.msk [tilespmem:v22+s4+$0x0], $0xffff;
	v22 =	vmov s30;
	v23 =	vmov s2  }
0xb3: {  	s30 =	simm.s32 $0x6;
	v21 =	vand.u32 $0x38, v21;
	v29 =	vsel vm11, v10, v9;
	vm12 =	vgt.s32 v8, s29  }
0xb4: {  	v40 =	vand.u32 $0x38, v31;
	v32 =	vmov s30;
	v38 =	vadd.s32 s30, v16  }
0xb5: {  	s2 =	sld [smem:$0x6];
	v22 =	vand.u32 $0x38, v22;
	v23 =	vand.u32 $0x38, v23;
	vm13 =	vgt.s32 v8, s23  }
0xb6: {  	v37 =	vadd.s32 v17, v21;
	s25 =	sld [smem:$0x0];
	v30 =	vld.idx.msk [tilespmem:v24+s4+$0x0], $0xffff;
	v24 =	vand.u32 $0x38, v28;
	v28 =	vsel vm12, v10, v9  }
0xb7: {  	v32 =	vand.u32 $0x38, v32;
	v31 =	vsel vm13, v10, v9;
	vm14 =	vgt.s32 v8, s31;
	s10 =	sld [smem:$0x40]  }
0xb8: {  	v21 =	vadd.s32 v15, v22;
	v22 =	vadd.s32 v14, v23;
	v33 =	vld.idx.msk [tilespmem:v26+s4+$0x0], $0xffff;
	v26 =	vsel vm14, v10, v9;
	s0 =	sld [smem:$0x41]  }
0xb9: {  	s24 =	simm.s32 $0x44;
	v24 =	vadd.s32 v11, v24;
	v34 =	vld.idx.msk [tilespmem:v34+s4+$0x0], $0xffff;
	vm15 =	vgt.s32 v8, s2;
	s29 =	sld [smem:$0x42];
	vm1 =	vgt.s32 v8, s25  }
0xba: {  	s26 =	simm.s32 $0x10;
	s28 =	simm.s32 $0xF;
	v35 =	vld.idx.msk [tilespmem:v35+s4+$0x0], $0xffff;
	v23 =	vsel vm15, v10, v9;
	s30 =	sld [smem:$0x43];
	v39 =	vsel vm1, v10, v9;
	v41 =	vxor.u32 s10, v36  }
0xbb: {  	s23 =	simm.s32 $0x8;
	s25 =	simm.s32 $0x4;
	v36 =	vld.idx.msk [tilespmem:v38+s4+$0x0], $0xffff;
	v38 =	vxor.u32 v39, v41;
	v39 =	vxor.u32 s0, v25;
	s31 =	sld [smem:$0x44];
	v25 =	vadd.s32 v13, v40  }
.LBB2_8:
0xbc: {  	p1 =	slt.u32 s26, $0x38;
	v40 =	vadd.s32 s28, v16;
	[tilespmem:v20+s12+$0x0] =	vst.idx.msk $0xffff, v38;
	v20 =	vxor.u32 v27, v39;
	v27 =	vxor.u32 s29, v30;
	s0 =	sld [smem:s24+$0x1]  }
0xbd: {  	[tilespmem:v37+s12+$0x0] =	vst.idx.msk $0xffff, v20;
	v20 =	vxor.u32 v29, v27;
	v27 =	vxor.u32 s30, v33;
	s2 =	sld [smem:s24+$0x2];
	v29 =	vadd.s32 v12, v32  }
0xbe: {  	[tilespmem:v21+s12+$0x0] =	vst.idx.msk $0xffff, v20;
	v21 =	vxor.u32 v28, v27;
	v27 =	vxor.u32 s31, v34  }
0xbf: {  	v20 =	vadd.s32 s23, v18;
	[tilespmem:v22+s12+$0x0] =	vst.idx.msk $0xffff, v21;
	v21 =	vxor.u32 v31, v27;
	v22 =	vxor.u32 s0, v35  }
0xc0: {  	s29 =	sadd.s32 $0x2, s23;
	v27 =	vadd.s32 s23, v16;
	s0 =	sadd.s32 $0x1, s23;
	[tilespmem:v24+s12+$0x0] =	vst.idx.msk $0xffff, v21;
	v21 =	vxor.u32 v26, v22;
	v22 =	vxor.u32 s2, v36  }
0xc1: {  	s30 =	sadd.s32 $0x4, s23;
	v24 =	vmov s0;
	v26 =	vmov s29;
	s2 =	sadd.s32 $0x3, s23;
	v28 =	vld.idx.msk [tilespmem:v40+s4+$0x0], $0xffff;
	[tilespmem:v25+s12+$0x0] =	vst.idx.msk $0xffff, v21;
	v21 =	vxor.u32 v23, v22  }
0xc2: {  	s10 =	sadd.s32 $0x6, s23;
	s25 =	sadd.s32 $0x8, s25;
	s31 =	sadd.s32 $0x5, s23;
	v22 =	vmov s2;
	v23 =	vmov s30;
	v25 =	vmov s28;
	[tilespmem:v29+s12+$0x0] =	vst.idx.msk $0xffff, v21  }
0xc3: {  	s24 =	sadd.s32 $0x8, s24;
	v31 =	vmov s10;
	s23 =	smov.u32 s26;
	v21 =	vmov s31;
	v25 =	vand.u32 $0x38, v25;
	s28 =	sld [smem:s25+$0x3]  }
0xc4: {  	v30 =	vadd.s32 s29, v16;
	v29 =	vadd.s32 s0, v16;
	v25 =	vadd.s32 v19, v25;
	s0 =	sld [smem:s24+$0x3]  }
0xc5: {  	v34 =	vadd.s32 s30, v16;
	v35 =	vadd.s32 s31, v16;
	v33 =	vadd.s32 s2, v16;
	s29 =	sld [smem:s25+$0xFFFFFFFD]  }
0xc6: {  	v36 =	vadd.s32 s10, v16;
	v24 =	vand.u32 $0x38, v24;
	s2 =	sld [smem:s25+$0xFFFFFFFE];
	vm0 =	vgt.s32 v8, s28  }
0xc7: {  	v26 =	vand.u32 $0x38, v26;
	s10 =	sld [smem:s25+$0xFFFFFFFF];
	v32 =	vsel vm0, v10, v9;
	v28 =	vxor.u32 s0, v28  }
0xc8: {  	v22 =	vand.u32 $0x38, v22;
	vm0 =	vgt.s32 v8, s29;
	s0 =	sld [smem:s25+$0x0];
	v28 =	vxor.u32 v32, v28  }
0xc9: {  	v39 =	vand.u32 $0x38, v23;
	v38 =	vld.idx.msk [tilespmem:v27+s4+$0x0], $0xffff;
	v27 =	vsel vm0, v10, v9;
	vm0 =	vgt.s32 v8, s2;
	s2 =	sld [smem:s25+$0x1];
	[tilespmem:v25+s12+$0x0] =	vst.idx.msk $0xffff, v28  }
0xca: {  	v40 =	vand.u32 $0x38, v21;
	v25 =	vld.idx.msk [tilespmem:v29+s4+$0x0], $0xffff;
	v29 =	vsel vm0, v10, v9;
	vm0 =	vgt.s32 v8, s10;
	s10 =	sld [smem:s25+$0x2]  }
0xcb: {  	v32 =	vand.u32 $0x38, v31;
	s28 =	sld [smem:s25+$0xFFFFFFFC];
	v30 =	vld.idx.msk [tilespmem:v30+s4+$0x0], $0xffff;
	v28 =	vsel vm0, v10, v9;
	vm0 =	vgt.s32 v8, s0  }
.Ltmp2:
0xcc: {  	v37 =	vadd.s32 v17, v24;
	s0 =	sld [smem:s24+$0xFFFFFFFC];
	v33 =	vld.idx.msk [tilespmem:v33+s4+$0x0], $0xffff;
	v31 =	vsel vm0, v10, v9;
	vm0 =	vgt.s32 v8, s2;
	(pc) =	sbr.rel @p1 .LBB2_8-.Ltmp2, $4  }
0xcd: {  	v21 =	vadd.s32 v15, v26;
	s2 =	sld [smem:s24+$0xFFFFFFFD];
	v34 =	vld.idx.msk [tilespmem:v34+s4+$0x0], $0xffff;
	v26 =	vsel vm0, v10, v9;
	vm0 =	vgt.s32 v8, s10  }
0xce: {  	v22 =	vadd.s32 v14, v22;
	vm1 =	vgt.s32 v8, s28;
	s29 =	sld [smem:s24+$0xFFFFFFFE];
	v35 =	vld.idx.msk [tilespmem:v35+s4+$0x0], $0xffff;
	v23 =	vsel vm0, v10, v9  }
0xcf: {  	v24 =	vadd.s32 v11, v39;
	v41 =	vsel vm1, v10, v9;
	v38 =	vxor.u32 s0, v38;
	s30 =	sld [smem:s24+$0xFFFFFFFF];
	v36 =	vld.idx.msk [tilespmem:v36+s4+$0x0], $0xffff  }
0xd0: {  	s26 =	sadd.s32 $0x8, s26;
	s28 =	sadd.s32 $0x7, s23;
	v38 =	vxor.u32 v41, v38;
	v39 =	vxor.u32 s2, v25;
	s31 =	sld [smem:s24+$0x0];
	v25 =	vadd.s32 v13, v40  }
0xd1: {  	_ =	sdelay $0x1  }
0xd2: {  	v40 =	vadd.s32 s28, v16;
	v61 =	vxor.u32 v27, v39  }
0xd3: {  	v62 =	vxor.u32 s29, v30;
	v46 =	vmov s28;
	v48 =	vadd.s32 s23, v16  }
0xd4: {  	[tilespmem:v20+s12+$0x0] =	vst.idx.msk $0xffff, v38;
	s26 =	sadd.s32 $0x1, s23;
	v18 =	vadd.s32 s23, v18;
	v63 =	vxor.u32 v29, v62;
	v42 =	vxor.u32 s30, v33  }
0xd5: {  	s10 =	sadd.s32 $0x8, s25;
	s0 =	sld [smem:s24+$0x1];
	v29 =	vadd.s32 v12, v32;
	v50 =	vmov s26;
	s30 =	sadd.s32 $0x3, s23;
	v52 =	vadd.s32 s26, v16  }
0xd6: {  	s25 =	sld [smem:s10+$0x3];
	v43 =	vxor.u32 s31, v34;
	v27 =	vxor.u32 v28, v42;
	v54 =	vmov s30  }
0xd7: {  	[tilespmem:v37+s12+$0x0] =	vst.idx.msk $0xffff, v61;
	s26 =	sld [smem:s10+$0xFFFFFFFE];
	s31 =	sadd.s32 $0x2, s23;
	v57 =	vadd.s32 s30, v16;
	s30 =	sadd.s32 $0x5, s23;
	v44 =	vxor.u32 v31, v43;
	v31 =	vand.u32 $0x38, v46;
	v45 =	vld.idx.msk [tilespmem:v40+s4+$0x0], $0xffff  }
0xd8: {  	s2 =	sld [smem:s24+$0x2];
	s24 =	sadd.s32 $0x8, s24;
	v51 =	vmov s31;
	v53 =	vadd.s32 s31, v16;
	v59 =	vmov s30  }
0xd9: {  	s31 =	sadd.s32 $0x4, s23;
	v61 =	vadd.s32 s30, v16;
	v47 =	vxor.u32 s0, v35;
	s0 =	sld [smem:s24+$0x3];
	v19 =	vadd.s32 v19, v31  }
0xda: {  	v41 =	vand.u32 $0x38, v54;
	vm0 =	vgt.s32 v8, s25;
	v55 =	vmov s31  }
0xdb: {  	s28 =	sld [smem:s10+$0x1];
	[tilespmem:v21+s12+$0x0] =	vst.idx.msk $0xffff, v63;
	v58 =	vadd.s32 s31, v16;
	v31 =	vand.u32 $0x38, v50;
	v63 =	vand.u32 $0x38, v51  }
0xdc: {  	s25 =	sld [smem:s10+$0xFFFFFFFF];
	vm11 =	vgt.s32 v8, s26;
	v56 =	vsel vm0, v10, v9;
	v30 =	vxor.u32 s0, v45  }
0xdd: {  	[tilespmem:v22+s12+$0x0] =	vst.idx.msk $0xffff, v27;
	v14 =	vadd.s32 v14, v41;
	v49 =	vxor.u32 s2, v36;
	s2 =	sld [smem:s10+$0xFFFFFFFD];
	v30 =	vxor.u32 v56, v30  }
0xde: {  	s31 =	sadd.s32 $0x6, s23;
	v46 =	vand.u32 $0x38, v59;
	vm14 =	vgt.s32 v8, s28;
	v26 =	vxor.u32 v26, v47;
	v33 =	vld.idx.msk [tilespmem:v48+s4+$0x0], $0xffff;
	s0 =	sld [smem:s10+$0x0];
	[tilespmem:v19+s12+$0x0] =	vst.idx.msk $0xffff, v30  }
0xdf: {  	[tilespmem:v24+s12+$0x0] =	vst.idx.msk $0xffff, v44;
	v60 =	vmov s31;
	v62 =	vadd.s32 s31, v16;
	v44 =	vand.u32 $0x38, v55;
	v43 =	vld.idx.msk [tilespmem:v52+s4+$0x0], $0xffff;
	s23 =	sld [smem:s10+$0xFFFFFFFC]  }
0xe0: {  	v17 =	vadd.s32 v17, v31;
	v15 =	vadd.s32 v15, v63;
	v13 =	vadd.s32 v13, v46;
	s26 =	sld [smem:s24+$0xFFFFFFFC]  }
0xe1: {  	v23 =	vxor.u32 v23, v49;
	v11 =	vadd.s32 v11, v44;
	vm12 =	vgt.s32 v8, s25;
	v47 =	vld.idx.msk [tilespmem:v53+s4+$0x0], $0xffff;
	s30 =	sld [smem:s24+$0xFFFFFFFD]  }
0xe2: {  	[tilespmem:v25+s12+$0x0] =	vst.idx.msk $0xffff, v26;
	v49 =	vld.idx.msk [tilespmem:v57+s4+$0x0], $0xffff;
	vm10 =	vgt.s32 v8, s2;
	v48 =	vsel vm12, v10, v9;
	s29 =	sld [smem:s10+$0x2];
	vm1 =	vgt.s32 v8, s23  }
0xe3: {  	v42 =	vsel vm10, v10, v9;
	v51 =	vld.idx.msk [tilespmem:v58+s4+$0x0], $0xffff;
	s31 =	sld [smem:s24+$0xFFFFFFFE];
	v33 =	vxor.u32 s26, v33;
	v50 =	vsel vm1, v10, v9  }
0xe4: {  	v52 =	vld.idx.msk [tilespmem:v61+s4+$0x0], $0xffff;
	v58 =	vsel vm14, v10, v9;
	s25 =	sld [smem:s24+$0xFFFFFFFF];
	v27 =	vxor.u32 s30, v43;
	v33 =	vxor.u32 v50, v33  }
0xe5: {  	v45 =	vsel vm11, v10, v9;
	v16 =	vld.idx.msk [tilespmem:v62+s4+$0x0], $0xffff;
	s26 =	sld [smem:s24+$0x0];
	v22 =	vxor.u32 v42, v27;
	[tilespmem:v18+s12+$0x0] =	vst.idx.msk $0xffff, v33  }
0xe6: {  	s22 =	sadd.s32 $0x1, s22;
	v19 =	vand.u32 $0x38, v60;
	vm13 =	vgt.s32 v8, s0;
	v54 =	vxor.u32 s31, v47;
	s30 =	sld [smem:s24+$0x1];
	[tilespmem:v17+s12+$0x0] =	vst.idx.msk $0xffff, v22  }
0xe7: {  	p1 =	sne.s32 s22, $0x10;
	[tilespmem:v29+s12+$0x0] =	vst.idx.msk $0xffff, v23;
	v57 =	vadd.s32 v12, v19;
	v56 =	vxor.u32 s25, v49;
	v55 =	vxor.u32 v45, v54;
	s31 =	sld [smem:s24+$0x2]  }
.Ltmp3:
0xe8: {  	v53 =	vsel vm13, v10, v9;
	v59 =	vxor.u32 v48, v56;
	v60 =	vxor.u32 s26, v51;
	[tilespmem:v15+s12+$0x0] =	vst.idx.msk $0xffff, v55;
	(pc) =	sbr.rel @p1 .LBB2_7-.Ltmp3, $4  }
0xe9: {  	vm15 =	vgt.s32 v8, s29;
	v8 =	vxor.u32 v53, v60;
	[tilespmem:v14+s12+$0x0] =	vst.idx.msk $0xffff, v59;
	v61 =	vxor.u32 s30, v52  }
0xea: {  	v62 =	vsel vm15, v10, v9;
	[tilespmem:v11+s12+$0x0] =	vst.idx.msk $0xffff, v8;
	v8 =	vxor.u32 v58, v61;
	v63 =	vxor.u32 s31, v16  }
0xeb: {  	[tilespmem:v13+s12+$0x0] =	vst.idx.msk $0xffff, v8;
	v8 =	vxor.u32 v62, v63  }
0xec: {  	[tilespmem:v57+s12+$0x0] =	vst.idx.msk $0xffff, v8  }
0xed: {  	s0 =	sshll.u32 s17, $0xF  }
0xee: {  	s0 =	sadd.s32 s5, s0  }
0xef: {  	s0 =	sshrl.u32 s0, $0x3  }
0xf0: {  	s22 =	simm.s32 $0x10940;
	s21 =	sadd.s32 s3, s0  }
0xf1: {  	s23 =	simm.s32 $0x8;
	s24 =	simm.s32 $0x10988;
	s25 =	sadd.s32 $0x0, s21  }
.LBB2_11:
0xf2: {  	[hbm4b:s25+s4] =	stream.linear.scatter [tilespmem:s22], [sflag:$0x1], $0x40, $0x38;
	[tilespmem:$0x19940] =	vst v63  }
0xf3: {  	s0 =	smov.u32 s23;
	s22 =	smov.u32 s24;
	p1 =	sne.s32 s23, $0x7F8  }
.Ltmp4:
0xf4: {  	s23 =	sadd.s32 $0x8, s23;
	(pc) =	sbr.rel @p1 .LBB2_11-.Ltmp4, $2  }
0xf5: {  	_ =	sdelay $0x2  }
0xf6: {  	s24 =	sadd.s32 $0x48, s24;
	s25 =	sadd.s32 s0, s21  }
0xf7: {  	[hbm4b:s25+s4] =	stream.linear.scatter [tilespmem:s22], [sflag:$0x1], $0x40, $0x38;
	[tilespmem:$0x19940] =	vst v63  }
0xf8: {  	s0 =	simm.s32 @!p0 $0x2  }
0xf9: {  	_ =	swait.ge @!p0 [sflag:s0], $0x4000  }
0xfa: {  	[sflag:s0] =	ssyncset.done @!p0 $0x0  }
0xfb: {  	[sflag:s0] =	ssyncadd.s32 @!p0 $0xFFFFC000  }
0xfc: {  	v8 =	vld [tilespmem:s19+$0x0];
	_ =	sdelay $0x1  }
0xfd: {  	v9 =	vld [tilespmem:s19+$0xFFFFFFF0];
	_ =	sdelay $0x2  }
0xfe: {  	v10 =	vand.u32 $0xFFFF, v8  }
0xff: {  	v8 =	vshra.s32 v8, $0x10;
	v11 =	vmul.u32 $0x1966, v10;
	v12 =	vmul.u32 $0x196600, v10  }
0x100: {  	v13 =	vand.u32 $0xFFFF, v9;
	v14 =	vmul.u32 $0x19660D, v8;
	v15 =	vmul.u32 $0x660D0000, v8  }
0x101: {  	v9 =	vshra.s32 v9, $0x10;
	v12 =	vand.u32 $0x7FFFFE00, v12;
	v11 =	vshrl.u32 v11, $0x17  }
0x102: {  	v15 =	vand.u32 $0x7FFF0000, v15;
	v14 =	vshra.s32 v14, $0xF;
	v11 =	vor.u32 v11, v12  }
0x103: {  	v16 =	vmul.u32 $0x1966, v13;
	v14 =	vadd.s32 v14, v15;
	v15 =	vxor.u32 $0x7FFFFFFF, v11  }
0x104: {  	v17 =	vmul.u32 $0xD, v10;
	v18 =	vmul.u32 $0x660D0000, v9;
	v15 =	vsub.s32 v14, v15  }
0x105: {  	v12 =	vmul.u32 $0x196600, v13;
	v11 =	vadd.s32 v11, v14;
	vm0 =	vlt.s32 v15, $0x0  }
0x106: {  	v41 =	vmul.u32 $0x15A4, v10;
	v14 =	vmul.u32 $0x19660D, v9;
	v11 =	vsel vm0, v11, v15  }
0x107: {  	v16 =	vshrl.u32 v16, $0x17;
	v12 =	vand.u32 $0x7FFFFE00, v12;
	v11 =	vadd.s32 v17, v11  }
0x108: {  	v12 =	vor.u32 v16, v12;
	v14 =	vshra.s32 v14, $0xF;
	v16 =	vadd.s32 $0xBC6EF360, v11  }
0x109: {  	v17 =	vand.u32 $0x7FFF0000, v18;
	v11 =	vadd.s32 $0x3C6EF35F, v11;
	vm0 =	vlt.s32 v16, $0x0  }
0x10a: {  	v14 =	vadd.s32 v14, v17;
	v17 =	vxor.u32 $0x7FFFFFFF, v12;
	v11 =	vsel vm0, v11, v16  }
0x10b: {  	v12 =	vadd.s32 v12, v14;
	v16 =	vsub.s32 v14, v17;
	v14 =	vshra.s32 v11, $0x10  }
0x10c: {  	v19 =	vmul.u32 $0x15A4000, v10;
	v10 =	vmul.u32 $0xE35, v10;
	v14 =	vmul.u32 $0x600, v14  }
0x10d: {  	v15 =	vmul.u32 $0xD, v13;
	vm0 =	vlt.s32 v16, $0x0;
	v11 =	vand.u32 $0xFFFF, v11  }
0x10e: {  	v19 =	vand.u32 $0x7FFFC000, v19;
	v12 =	vsel vm0, v12, v16;
	v11 =	vadd.s32 v11, v14  }
0x10f: {  	v12 =	vadd.s32 v15, v12;
	v14 =	vmul.u32 $0x4E350000, v8;
	v15 =	vshra.s32 v11, $0x10  }
0x110: {  	v18 =	vshrl.u32 v41, $0x13;
	v8 =	vmul.u32 $0x15A4E35, v8;
	v15 =	vmul.u32 $0x600, v15  }
0x111: {  	v17 =	vmul.u32 $0x15A4, v13;
	v11 =	vand.u32 $0xFFFF, v11;
	v14 =	vand.u32 $0x7FFF0000, v14  }
0x112: {  	v8 =	vshra.s32 v8, $0xF;
	v11 =	vadd.s32 v11, v15;
	v15 =	vor.u32 v18, v19  }
0x113: {  	v8 =	vadd.s32 v8, v14;
	v42 =	vshra.s32 v11, $0x10;
	v14 =	vxor.u32 $0x7FFFFFFF, v15  }
0x114: {  	v16 =	vmul.u32 $0x15A4000, v13;
	v18 =	vmul.u32 $0x600, v42;
	v14 =	vsub.s32 v8, v14  }
0x115: {  	v11 =	vand.u32 $0xFFFF, v11;
	v8 =	vadd.s32 v15, v8;
	vm0 =	vlt.s32 v14, $0x0  }
0x116: {  	s21 =	sadd.s32 $0x20, s19;
	v11 =	vadd.s32 v11, v18;
	v8 =	vsel vm0, v8, v14;
	v14 =	vxor.u32 $0x7FFFFFFF, v10  }
0x117: {  	v21 =	vld [tilespmem:s21+$0xFFFFFFF0];
	v15 =	vadd.s32 $0xFFFF0600, v11;
	vm0 =	vlt.s32 v11, $0xFA00;
	v14 =	vsub.s32 v8, v14  }
0x118: {  	v8 =	vadd.s32 v10, v8;
	v11 =	vsel vm0, v11, v15;
	vm0 =	vlt.s32 v14, $0x0  }
0x119: {  	v10 =	vadd.s32 $0xBC6EF360, v12;
	v15 =	vadd.s32 $0x3C6EF35F, v12;
	v12 =	vsel vm0, v8, v14  }
0x11a: {  	vm0 =	vlt.s32 v10, $0x0;
	v8 =	vmul.u32 $0x15A4E35, v9;
	v9 =	vmul.u32 $0x4E350000, v9  }
0x11b: {  	v14 =	vand.u32 $0x7FFFC000, v16;
	v10 =	vsel vm0, v15, v10;
	v15 =	vshrl.u32 v17, $0x13  }
0x11c: {  	v46 =	vshra.s32 v21, $0x10;
	v16 =	vshra.s32 v10, $0x10;
	v14 =	vor.u32 v15, v14  }
0x11d: {  	v15 =	vld [tilespmem:s21+$0x0];
	v9 =	vand.u32 $0x7FFF0000, v9;
	v8 =	vshra.s32 v8, $0xF;
	v16 =	vmul.u32 $0x600, v16  }
0x11e: {  	v8 =	vadd.s32 v8, v9;
	v9 =	vmul.u32 $0xE35, v13;
	v13 =	vxor.u32 $0x7FFFFFFF, v14  }
0x11f: {  	v10 =	vand.u32 $0xFFFF, v10;
	v13 =	vsub.s32 v8, v13;
	v8 =	vadd.s32 v14, v8  }
0x120: {  	v10 =	vadd.s32 v10, v16;
	vm0 =	vlt.s32 v13, $0x0;
	v43 =	vxor.u32 $0x7FFFFFFF, v9  }
0x121: {  	v14 =	vshra.s32 v10, $0x10;
	v10 =	vand.u32 $0xFFFF, v10;
	v8 =	vsel vm0, v8, v13  }
0x122: {  	v14 =	vmul.u32 $0x600, v14;
	v13 =	vand.u32 $0xFFFF, v15;
	v15 =	vshra.s32 v15, $0x10  }
0x123: {  	v18 =	vsub.s32 v8, v43;
	v8 =	vadd.s32 v9, v8;
	v16 =	vmul.u32 $0x1966, v13  }
0x124: {  	v17 =	vmul.u32 $0x196600, v13;
	v44 =	vmul.u32 $0x19660D, v15;
	v20 =	vmul.u32 $0x660D0000, v15  }
0x125: {  	v50 =	vmul.u32 $0x4E350000, v15;
	v51 =	vmul.u32 $0x15A4, v13;
	v52 =	vmul.u32 $0x15A4000, v13  }
0x126: {  	v15 =	vmul.u32 $0x15A4E35, v15;
	v10 =	vadd.s32 v10, v14;
	v17 =	vand.u32 $0x7FFFFE00, v17  }
0x127: {  	v16 =	vshrl.u32 v16, $0x17;
	v20 =	vand.u32 $0x7FFF0000, v20;
	v19 =	vshra.s32 v44, $0xF  }
0x128: {  	v45 =	vshra.s32 v10, $0x10;
	v15 =	vshra.s32 v15, $0xF;
	v16 =	vor.u32 v16, v17  }
0x129: {  	v14 =	vadd.s32 v19, v20;
	v19 =	vand.u32 $0x7FFF0000, v50;
	v17 =	vxor.u32 $0x7FFFFFFF, v16  }
0x12a: {  	v15 =	vadd.s32 v15, v19;
	v9 =	vsub.s32 v14, v17;
	v17 =	vmul.u32 $0xD, v13  }
0x12b: {  	v14 =	vadd.s32 v16, v14;
	v13 =	vmul.u32 $0xE35, v13;
	vm0 =	vlt.s32 v9, $0x0  }
0x12c: {  	v9 =	vsel vm0, v14, v9;
	vm0 =	vlt.s32 v18, $0x0;
	v14 =	vand.u32 $0xFFFF, v21  }
0x12d: {  	v21 =	vmul.u32 $0x660D0000, v46;
	v58 =	vxor.u32 $0x7FFFFFFF, v13;
	v8 =	vsel vm0, v8, v18  }
0x12e: {  	v16 =	vmul.u32 $0x1966, v14;
	v9 =	vadd.s32 v17, v9;
	v17 =	vmul.u32 $0x196600, v14  }
0x12f: {  	v57 =	vmul.u32 $0xD, v14;
	v59 =	vmul.u32 $0x15A4, v14;
	v47 =	vadd.s32 $0xBC6EF360, v9  }
0x130: {  	v22 =	vadd.s32 $0x3C6EF35F, v9;
	v9 =	vand.u32 $0xFFFF, v10;
	vm0 =	vlt.s32 v47, $0x0  }
0x131: {  	v16 =	vshrl.u32 v16, $0x17;
	v17 =	vand.u32 $0x7FFFFE00, v17;
	v20 =	vsel vm0, v22, v47  }
0x132: {  	v10 =	vmul.u32 $0x19660D, v46;
	v16 =	vor.u32 v16, v17;
	v17 =	vshra.s32 v20, $0x10  }
0x133: {  	v60 =	vmul.u32 $0x15A4000, v14;
	v18 =	vmul.u32 $0x4E350000, v46;
	v17 =	vmul.u32 $0x600, v17  }
0x134: {  	v21 =	vand.u32 $0x7FFF0000, v21;
	v10 =	vshra.s32 v10, $0xF;
	v20 =	vand.u32 $0xFFFF, v20  }
0x135: {  	v21 =	vadd.s32 v10, v21;
	v48 =	vxor.u32 $0x7FFFFFFF, v16;
	v17 =	vadd.s32 v20, v17  }
0x136: {  	v22 =	vand.u32 $0x7FFFC000, v52;
	v49 =	vsub.s32 v21, v48;
	v20 =	vshra.s32 v17, $0x10  }
0x137: {  	s22 =	simm.s32 $0x10750;
	v16 =	vadd.s32 v16, v21;
	v21 =	vshrl.u32 v51, $0x13;
	v20 =	vmul.u32 $0x600, v20  }
0x138: {  	[tilespmem:s22+$0x0] =	vst v11;
	v11 =	vand.u32 $0x7FFF0000, v18;
	v53 =	vor.u32 v21, v22;
	v17 =	vand.u32 $0xFFFF, v17  }
0x139: {  	vm0 =	vlt.s32 v49, $0x0;
	v55 =	vxor.u32 $0x7FFFFFFF, v53;
	v17 =	vadd.s32 v17, v20  }
0x13a: {  	v16 =	vsel vm0, v16, v49;
	v19 =	vsub.s32 v15, v55;
	v54 =	vshra.s32 v17, $0x10  }
0x13b: {  	v15 =	vadd.s32 v53, v15;
	vm0 =	vlt.s32 v19, $0x0;
	v21 =	vmul.u32 $0x600, v54  }
0x13c: {  	v10 =	vmul.u32 $0x600, v45;
	v15 =	vsel vm0, v15, v19;
	v17 =	vand.u32 $0xFFFF, v17  }
0x13d: {  	v16 =	vadd.s32 v57, v16;
	v13 =	vadd.s32 v13, v15;
	v17 =	vadd.s32 v17, v21  }
0x13e: {  	v21 =	vsub.s32 v15, v58;
	v56 =	vadd.s32 $0xFFFF0600, v17;
	vm0 =	vlt.s32 v17, $0xFA00  }
0x13f: {  	v15 =	vadd.s32 $0xBC6EF360, v16;
	v17 =	vsel vm0, v17, v56;
	vm0 =	vlt.s32 v21, $0x0  }
0x140: {  	v16 =	vadd.s32 $0x3C6EF35F, v16;
	v61 =	vsel vm0, v13, v21;
	vm0 =	vlt.s32 v15, $0x0  }
0x141: {  	v19 =	vshrl.u32 v59, $0x13;
	v13 =	vmul.u32 $0x15A4E35, v46;
	v15 =	vsel vm0, v16, v15  }
0x142: {  	v16 =	vand.u32 $0x7FFFC000, v60;
	v62 =	vshra.s32 v15, $0x10;
	v15 =	vand.u32 $0xFFFF, v15  }
0x143: {  	s23 =	simm.s32 $0x10850;
	v16 =	vor.u32 v19, v16;
	v13 =	vshra.s32 v13, $0xF;
	v63 =	vmul.u32 $0x600, v62  }
0x144: {  	s24 =	simm.s32 $0x10770;
	[tilespmem:s23+$0x0] =	vst v12;
	v13 =	vadd.s32 v13, v11;
	v11 =	vmul.u32 $0xE35, v14;
	v12 =	vxor.u32 $0x7FFFFFFF, v16  }
0x145: {  	s25 =	simm.s32 $0x10870;
	[tilespmem:s24+$0x0] =	vst v17;
	v12 =	vsub.s32 v13, v12;
	v13 =	vadd.s32 v16, v13;
	v14 =	vadd.s32 v15, v63  }
0x146: {  	s20 =	sor.u32 $0x1, s20;
	s26 =	simm.s32 $0x2;
	s28 =	sadd.s32 $0x20, s21;
	[tilespmem:s25+$0x0] =	vst v61;
	vm0 =	vlt.s32 v12, $0x0;
	v15 =	vshra.s32 v14, $0x10;
	v14 =	vand.u32 $0xFFFF, v14  }
.LBB2_13:
0x147: {  	v16 =	vld [tilespmem:s28+$0x0];
	v15 =	vmul.u32 $0x600, v15;
	v12 =	vsel vm0, v13, v12;
	v13 =	vxor.u32 $0x7FFFFFFF, v11  }
0x148: {  	s26 =	sadd.s32 $0x2, s26;
	v17 =	vld [tilespmem:s28+$0xFFFFFFF0];
	v13 =	vsub.s32 v12, v13;
	v11 =	vadd.s32 v11, v12;
	v12 =	vadd.s32 v9, v10  }
0x149: {  	p0 =	slt.u32 s26, $0xE;
	v9 =	vadd.s32 v14, v15;
	v14 =	vadd.s32 $0xFFFF0600, v12;
	vm0 =	vlt.s32 v12, $0xFA00  }
0x14a: {  	vm1 =	vlt.s32 v13, $0x0;
	v10 =	vshra.s32 v9, $0x10;
	v9 =	vand.u32 $0xFFFF, v9  }
0x14b: {  	v11 =	vsel vm1, v11, v13;
	v12 =	vsel vm0, v12, v14;
	v10 =	vmul.u32 $0x600, v10  }
0x14c: {  	v13 =	vand.u32 $0xFFFF, v16;
	[tilespmem:s22+$0xFFFFFFF0] =	vst v12;
	s22 =	smov.u32 s24  }
0x14d: {  	v12 =	vshra.s32 v16, $0x10;
	v14 =	vmul.u32 $0x1966, v13;
	v15 =	vmul.u32 $0x196600, v13;
	[tilespmem:s23+$0xFFFFFFF0] =	vst v8;
	v8 =	vmovc v11;
	s23 =	smov.u32 s25  }
0x14e: {  	v11 =	vand.u32 $0xFFFF, v17;
	v16 =	vmul.u32 $0x19660D, v12;
	v18 =	vmul.u32 $0x660D0000, v12  }
0x14f: {  	v19 =	vmul.u32 $0x1966, v11;
	v15 =	vand.u32 $0x7FFFFE00, v15;
	v14 =	vshrl.u32 v14, $0x17  }
0x150: {  	v18 =	vand.u32 $0x7FFF0000, v18;
	v16 =	vshra.s32 v16, $0xF;
	v14 =	vor.u32 v14, v15  }
0x151: {  	v15 =	vmul.u32 $0x196600, v11;
	v16 =	vadd.s32 v16, v18;
	v18 =	vxor.u32 $0x7FFFFFFF, v14  }
0x152: {  	v17 =	vshra.s32 v17, $0x10;
	v19 =	vshrl.u32 v19, $0x17;
	v18 =	vsub.s32 v16, v18  }
0x153: {  	v20 =	vmul.u32 $0xD, v13;
	v14 =	vadd.s32 v14, v16;
	vm0 =	vlt.s32 v18, $0x0  }
0x154: {  	v21 =	vmul.u32 $0x660D0000, v17;
	v16 =	vmul.u32 $0x19660D, v17;
	v14 =	vsel vm0, v14, v18  }
0x155: {  	v15 =	vand.u32 $0x7FFFFE00, v15;
	v18 =	vmul.u32 $0xD, v11;
	v14 =	vadd.s32 v20, v14  }
0x156: {  	v15 =	vor.u32 v19, v15;
	v20 =	vand.u32 $0x7FFF0000, v21;
	v19 =	vadd.s32 $0xBC6EF360, v14  }
0x157: {  	v16 =	vshra.s32 v16, $0xF;
	v14 =	vadd.s32 $0x3C6EF35F, v14;
	vm0 =	vlt.s32 v19, $0x0  }
0x158: {  	v16 =	vadd.s32 v16, v20;
	v20 =	vxor.u32 $0x7FFFFFFF, v15;
	v14 =	vsel vm0, v14, v19  }
0x159: {  	v15 =	vadd.s32 v15, v16;
	v19 =	vsub.s32 v16, v20;
	v16 =	vshra.s32 v14, $0x10  }
0x15a: {  	v20 =	vmul.u32 $0x15A4, v11;
	vm0 =	vlt.s32 v19, $0x0;
	v16 =	vmul.u32 $0x600, v16  }
0x15b: {  	v14 =	vand.u32 $0xFFFF, v14;
	v15 =	vsel vm0, v15, v19;
	v19 =	vmul.u32 $0x15A4000, v11  }
0x15c: {  	v15 =	vadd.s32 v18, v15;
	v14 =	vadd.s32 v14, v16;
	v16 =	vmul.u32 $0x4E350000, v12  }
0x15d: {  	v22 =	vmul.u32 $0x15A4000, v13;
	v21 =	vmul.u32 $0x15A4, v13;
	v18 =	vshra.s32 v14, $0x10  }
0x15e: {  	v12 =	vmul.u32 $0x15A4E35, v12;
	v18 =	vmul.u32 $0x600, v18;
	v16 =	vand.u32 $0x7FFF0000, v16  }
0x15f: {  	v22 =	vand.u32 $0x7FFFC000, v22;
	v21 =	vshrl.u32 v21, $0x13;
	v14 =	vand.u32 $0xFFFF, v14  }
0x160: {  	v12 =	vshra.s32 v12, $0xF;
	v14 =	vadd.s32 v14, v18;
	v18 =	vor.u32 v21, v22  }
0x161: {  	v12 =	vadd.s32 v12, v16;
	v21 =	vshra.s32 v14, $0x10;
	v16 =	vxor.u32 $0x7FFFFFFF, v18  }
0x162: {  	v13 =	vmul.u32 $0xE35, v13;
	v21 =	vmul.u32 $0x600, v21;
	v16 =	vsub.s32 v12, v16  }
0x163: {  	v14 =	vand.u32 $0xFFFF, v14;
	v12 =	vadd.s32 v18, v12;
	vm0 =	vlt.s32 v16, $0x0  }
0x164: {  	v14 =	vadd.s32 v14, v21;
	v12 =	vsel vm0, v12, v16;
	v16 =	vxor.u32 $0x7FFFFFFF, v13  }
0x165: {  	v18 =	vadd.s32 $0xFFFF0600, v14;
	vm0 =	vlt.s32 v14, $0xFA00;
	v16 =	vsub.s32 v12, v16  }
0x166: {  	s24 =	sadd.s32 $0x20, s24;
	v12 =	vadd.s32 v13, v12;
	v14 =	vsel vm0, v14, v18;
	vm0 =	vlt.s32 v16, $0x0  }
0x167: {  	s25 =	sadd.s32 $0x20, s25;
	v13 =	vadd.s32 $0xBC6EF360, v15;
	v15 =	vadd.s32 $0x3C6EF35F, v15;
	v12 =	vsel vm0, v12, v16;
	[tilespmem:s24+$0x0] =	vst v14  }
0x168: {  	s21 =	simm.s32 $0x0;
	vm0 =	vlt.s32 v13, $0x0;
	v14 =	vmul.u32 $0x15A4E35, v17;
	v16 =	vmul.u32 $0x4E350000, v17;
	[tilespmem:s25+$0x0] =	vst v12  }
0x169: {  	v12 =	vsel vm0, v15, v13;
	v13 =	vand.u32 $0x7FFFC000, v19;
	v15 =	vshrl.u32 v20, $0x13  }
.Ltmp5:
0x16a: {  	v17 =	vshra.s32 v12, $0x10;
	v12 =	vand.u32 $0xFFFF, v12;
	v13 =	vor.u32 v15, v13;
	(pc) =	sbr.rel @p0 .LBB2_13-.Ltmp5, $4  }
0x16b: {  	v16 =	vand.u32 $0x7FFF0000, v16;
	v14 =	vshra.s32 v14, $0xF;
	v15 =	vmul.u32 $0x600, v17  }
0x16c: {  	v11 =	vmul.u32 $0xE35, v11;
	v14 =	vadd.s32 v14, v16;
	v16 =	vxor.u32 $0x7FFFFFFF, v13  }
0x16d: {  	v13 =	vadd.s32 v13, v14;
	v17 =	vadd.s32 v12, v15;
	v12 =	vsub.s32 v14, v16  }
0x16e: {  	s28 =	sadd.s32 $0x20, s28;
	v15 =	vshra.s32 v17, $0x10;
	v14 =	vand.u32 $0xFFFF, v17;
	vm0 =	vlt.s32 v12, $0x0  }
0x16f: {  	v15 =	vmul.u32 $0x600, v15;
	_ =	sdelay $0x1  }
0x170: {  	v14 =	vadd.s32 v14, v15  }
0x171: {  	v15 =	vshra.s32 v14, $0x10  }
0x172: {  	v12 =	vsel vm0, v13, v12;
	v9 =	vadd.s32 v9, v10;
	v57 =	vmul.u32 $0x600, v15  }
0x173: {  	v58 =	vadd.s32 $0xFFFF0600, v9;
	vm14 =	vlt.s32 v9, $0xFA00;
	v14 =	vand.u32 $0xFFFF, v14  }
0x174: {  	v59 =	vxor.u32 $0x7FFFFFFF, v11;
	v9 =	vsel vm14, v9, v58;
	v10 =	vadd.s32 v14, v57  }
0x175: {  	v60 =	vsub.s32 v12, v59;
	[tilespmem:s22+$0xFFFFFFF0] =	vst v9;
	v61 =	vadd.s32 $0xFFFF0600, v10;
	vm15 =	vlt.s32 v10, $0xFA00  }
0x176: {  	v62 =	vadd.s32 v11, v12;
	vm1 =	vlt.s32 v60, $0x0;
	[tilespmem:s23+$0xFFFFFFF0] =	vst v8;
	v8 =	vsel vm15, v10, v61  }
0x177: {  	v63 =	vsel vm1, v62, v60;
	[tilespmem:s24+$0xFFFFFFF0] =	vst v8  }
0x178: {  	s22 =	simm.s32 $0x0;
	[tilespmem:s25+$0xFFFFFFF0] =	vst v63  }
.LBB2_15:
0x179: {  	s0 =	sshll.u32 s22, $0x4  }
0x17a: {  	v16 =	vld [tilespmem:s0+$0x10740];
	_ =	sdelay $0x3  }
0x17b: {  	s2 =	simm.s32 $0x7  }
0x17c: {  	v10 =	vmov s0;
	v9 =	vadd.s32 s2, v16  }
0x17d: {  	v8 =	vld [tilespmem:s0+$0x10840];
	v10 =	vmul.u32 $0x48, v10;
	_ =	sdelay $0x1  }
0x17e: {  	v21 =	vbroadcast v10, $0x0;
	v10 =	vmov s2  }
0x17f: {  	s10 =	simm.s32 $0x1;
	v11 =	vand.u32 $0x38, v10;
	v13 =	vadd.s32 s21, v16  }
0x180: {  	v19 =	vadd.s32 v7, v21;
	v22 =	vadd.s32 s10, v16;
	v18 =	vadd.s32 v0, v21;
	v12 =	vld.idx.msk [tilespmem:v9+s4+$0x0], $0xffff;
	s0 =	sld [smem:$0x7]  }
0x181: {  	v17 =	vadd.s32 v1, v21;
	v15 =	vadd.s32 v2, v21;
	v9 =	vxor.u32 $0xFFFFFFFF, v8;
	s2 =	sld [smem:$0x47]  }
0x182: {  	s26 =	simm.s32 $0x2;
	v14 =	vadd.s32 v3, v21;
	v23 =	vadd.s32 v19, v11;
	v9 =	vshll.u32 v9, $0x1F;
	s23 =	sld [smem:$0x1]  }
0x183: {  	v24 =	vadd.s32 s26, v16;
	v10 =	vxor.u32 $0x80000000, v9;
	s24 =	sld [smem:$0x2];
	vm0 =	vgt.s32 v8, s0  }
0x184: {  	v11 =	vadd.s32 v4, v21;
	v20 =	vadd.s32 s21, v18;
	s25 =	sld [smem:$0x3];
	v25 =	vsel vm0, v10, v9  }
0x185: {  	s0 =	sld [smem:$0x4];
	v12 =	vxor.u32 s2, v12;
	v36 =	vld.idx.msk [tilespmem:v13+s4+$0x0], $0xffff;
	v13 =	vadd.s32 v5, v21;
	vm10 =	vgt.s32 v8, s23  }
0x186: {  	s2 =	simm.s32 $0x3;
	v25 =	vxor.u32 v25, v12;
	v12 =	vadd.s32 v6, v21;
	v21 =	vmov s10  }
0x187: {  	s28 =	sld [smem:$0x5];
	s10 =	simm.s32 $0x4;
	v26 =	vadd.s32 s2, v16;
	v27 =	vsel vm10, v10, v9;
	vm11 =	vgt.s32 v8, s24;
	[tilespmem:v23+s13+$0x0] =	vst.idx.msk $0xffff, v25  }
0x188: {  	v25 =	vld.idx.msk [tilespmem:v22+s4+$0x0], $0xffff;
	v22 =	vmov s26;
	v23 =	vmov s2;
	v28 =	vmov s10  }
0x189: {  	s2 =	simm.s32 $0x5;
	s26 =	simm.s32 $0x6;
	v34 =	vadd.s32 s10, v16;
	v21 =	vand.u32 $0x38, v21;
	v29 =	vsel vm11, v10, v9  }
0x18a: {  	vm12 =	vgt.s32 v8, s25;
	v31 =	vmov s2;
	v32 =	vmov s26  }
0x18b: {  	v35 =	vadd.s32 s2, v16;
	v38 =	vadd.s32 s26, v16;
	v22 =	vand.u32 $0x38, v22  }
0x18c: {  	s30 =	sld [smem:$0x6];
	v23 =	vand.u32 $0x38, v23;
	vm13 =	vgt.s32 v8, s0;
	v37 =	vadd.s32 v17, v21  }
0x18d: {  	s10 =	sld [smem:$0x0];
	v30 =	vld.idx.msk [tilespmem:v24+s4+$0x0], $0xffff;
	v24 =	vand.u32 $0x38, v28;
	v40 =	vand.u32 $0x38, v31;
	v28 =	vsel vm12, v10, v9  }
0x18e: {  	v32 =	vand.u32 $0x38, v32;
	v31 =	vsel vm13, v10, v9;
	vm14 =	vgt.s32 v8, s28;
	s26 =	sld [smem:$0x40]  }
0x18f: {  	v21 =	vadd.s32 v15, v22;
	v22 =	vadd.s32 v14, v23;
	v24 =	vadd.s32 v11, v24;
	v33 =	vld.idx.msk [tilespmem:v26+s4+$0x0], $0xffff;
	s31 =	sld [smem:$0x41]  }
0x190: {  	s23 =	simm.s32 $0x8;
	v26 =	vsel vm14, v10, v9;
	vm15 =	vgt.s32 v8, s30;
	v34 =	vld.idx.msk [tilespmem:v34+s4+$0x0], $0xffff;
	s29 =	sld [smem:$0x42];
	vm1 =	vgt.s32 v8, s10  }
0x191: {  	s24 =	simm.s32 $0x44;
	s25 =	simm.s32 $0x4;
	v23 =	vsel vm15, v10, v9;
	v35 =	vld.idx.msk [tilespmem:v35+s4+$0x0], $0xffff;
	s30 =	sld [smem:$0x43];
	v39 =	vsel vm1, v10, v9;
	v41 =	vxor.u32 s26, v36  }
0x192: {  	s28 =	simm.s32 $0xF;
	v36 =	vld.idx.msk [tilespmem:v38+s4+$0x0], $0xffff;
	s26 =	simm.s32 $0x10;
	v38 =	vxor.u32 v39, v41;
	v39 =	vxor.u32 s31, v25;
	s31 =	sld [smem:$0x44];
	v25 =	vadd.s32 v13, v40  }
.LBB2_16:
0x193: {  	p0 =	slt.u32 s26, $0x38;
	v40 =	vadd.s32 s28, v16;
	[tilespmem:v20+s13+$0x0] =	vst.idx.msk $0xffff, v38;
	v20 =	vxor.u32 v27, v39;
	v27 =	vxor.u32 s29, v30;
	s0 =	sld [smem:s24+$0x1]  }
0x194: {  	[tilespmem:v37+s13+$0x0] =	vst.idx.msk $0xffff, v20;
	v20 =	vxor.u32 v29, v27;
	v27 =	vxor.u32 s30, v33;
	s2 =	sld [smem:s24+$0x2];
	v29 =	vadd.s32 v12, v32  }
0x195: {  	[tilespmem:v21+s13+$0x0] =	vst.idx.msk $0xffff, v20;
	v21 =	vxor.u32 v28, v27;
	v27 =	vxor.u32 s31, v34  }
0x196: {  	v20 =	vadd.s32 s23, v18;
	[tilespmem:v22+s13+$0x0] =	vst.idx.msk $0xffff, v21;
	v21 =	vxor.u32 v31, v27;
	v22 =	vxor.u32 s0, v35  }
0x197: {  	s10 =	sadd.s32 $0x2, s23;
	v27 =	vadd.s32 s23, v16;
	s0 =	sadd.s32 $0x1, s23;
	[tilespmem:v24+s13+$0x0] =	vst.idx.msk $0xffff, v21;
	v21 =	vxor.u32 v26, v22;
	v22 =	vxor.u32 s2, v36  }
0x198: {  	s29 =	sadd.s32 $0x4, s23;
	v24 =	vmov s0;
	v26 =	vmov s10;
	s2 =	sadd.s32 $0x3, s23;
	v28 =	vld.idx.msk [tilespmem:v40+s4+$0x0], $0xffff;
	[tilespmem:v25+s13+$0x0] =	vst.idx.msk $0xffff, v21;
	v21 =	vxor.u32 v23, v22  }
0x199: {  	s25 =	sadd.s32 $0x8, s25;
	s30 =	sadd.s32 $0x5, s23;
	s31 =	sadd.s32 $0x6, s23;
	v22 =	vmov s2;
	v23 =	vmov s29;
	v25 =	vmov s28;
	[tilespmem:v29+s13+$0x0] =	vst.idx.msk $0xffff, v21  }
0x19a: {  	s24 =	sadd.s32 $0x8, s24;
	v31 =	vmov s31;
	s23 =	smov.u32 s26;
	v21 =	vmov s30;
	v25 =	vand.u32 $0x38, v25;
	s28 =	sld [smem:s25+$0x3]  }
0x19b: {  	v30 =	vadd.s32 s10, v16;
	v29 =	vadd.s32 s0, v16;
	v25 =	vadd.s32 v19, v25;
	s0 =	sld [smem:s24+$0x3]  }
0x19c: {  	v34 =	vadd.s32 s29, v16;
	v35 =	vadd.s32 s30, v16;
	v33 =	vadd.s32 s2, v16;
	s10 =	sld [smem:s25+$0xFFFFFFFD]  }
0x19d: {  	v36 =	vadd.s32 s31, v16;
	v24 =	vand.u32 $0x38, v24;
	s2 =	sld [smem:s25+$0xFFFFFFFE];
	vm0 =	vgt.s32 v8, s28  }
0x19e: {  	v26 =	vand.u32 $0x38, v26;
	s28 =	sld [smem:s25+$0xFFFFFFFF];
	v32 =	vsel vm0, v10, v9;
	v28 =	vxor.u32 s0, v28  }
0x19f: {  	v22 =	vand.u32 $0x38, v22;
	vm0 =	vgt.s32 v8, s10;
	s0 =	sld [smem:s25+$0x0];
	v28 =	vxor.u32 v32, v28  }
0x1a0: {  	v39 =	vand.u32 $0x38, v23;
	v38 =	vld.idx.msk [tilespmem:v27+s4+$0x0], $0xffff;
	v27 =	vsel vm0, v10, v9;
	vm0 =	vgt.s32 v8, s2;
	s2 =	sld [smem:s25+$0x1];
	[tilespmem:v25+s13+$0x0] =	vst.idx.msk $0xffff, v28  }
0x1a1: {  	v40 =	vand.u32 $0x38, v21;
	v25 =	vld.idx.msk [tilespmem:v29+s4+$0x0], $0xffff;
	v29 =	vsel vm0, v10, v9;
	vm0 =	vgt.s32 v8, s28;
	s10 =	sld [smem:s25+$0x2]  }
0x1a2: {  	v32 =	vand.u32 $0x38, v31;
	s28 =	sld [smem:s25+$0xFFFFFFFC];
	v30 =	vld.idx.msk [tilespmem:v30+s4+$0x0], $0xffff;
	v28 =	vsel vm0, v10, v9;
	vm0 =	vgt.s32 v8, s0  }
.Ltmp6:
0x1a3: {  	v37 =	vadd.s32 v17, v24;
	s0 =	sld [smem:s24+$0xFFFFFFFC];
	v33 =	vld.idx.msk [tilespmem:v33+s4+$0x0], $0xffff;
	v31 =	vsel vm0, v10, v9;
	vm0 =	vgt.s32 v8, s2;
	(pc) =	sbr.rel @p0 .LBB2_16-.Ltmp6, $4  }
0x1a4: {  	v21 =	vadd.s32 v15, v26;
	s2 =	sld [smem:s24+$0xFFFFFFFD];
	v34 =	vld.idx.msk [tilespmem:v34+s4+$0x0], $0xffff;
	v26 =	vsel vm0, v10, v9;
	vm0 =	vgt.s32 v8, s10  }
0x1a5: {  	v22 =	vadd.s32 v14, v22;
	vm1 =	vgt.s32 v8, s28;
	s29 =	sld [smem:s24+$0xFFFFFFFE];
	v35 =	vld.idx.msk [tilespmem:v35+s4+$0x0], $0xffff;
	v23 =	vsel vm0, v10, v9  }
0x1a6: {  	v24 =	vadd.s32 v11, v39;
	v41 =	vsel vm1, v10, v9;
	v38 =	vxor.u32 s0, v38;
	s30 =	sld [smem:s24+$0xFFFFFFFF];
	v36 =	vld.idx.msk [tilespmem:v36+s4+$0x0], $0xffff  }
0x1a7: {  	s26 =	sadd.s32 $0x8, s26;
	s28 =	sadd.s32 $0x7, s23;
	v38 =	vxor.u32 v41, v38;
	v39 =	vxor.u32 s2, v25;
	s31 =	sld [smem:s24+$0x0];
	v25 =	vadd.s32 v13, v40  }
0x1a8: {  	_ =	sdelay $0x1  }
0x1a9: {  	v40 =	vadd.s32 s28, v16;
	v61 =	vxor.u32 v27, v39  }
0x1aa: {  	v62 =	vxor.u32 s29, v30;
	v46 =	vmov s28;
	v48 =	vadd.s32 s23, v16  }
0x1ab: {  	[tilespmem:v20+s13+$0x0] =	vst.idx.msk $0xffff, v38;
	s26 =	sadd.s32 $0x1, s23;
	v18 =	vadd.s32 s23, v18;
	v63 =	vxor.u32 v29, v62;
	v42 =	vxor.u32 s30, v33  }
0x1ac: {  	s10 =	sadd.s32 $0x8, s25;
	s0 =	sld [smem:s24+$0x1];
	v29 =	vadd.s32 v12, v32;
	v50 =	vmov s26;
	s30 =	sadd.s32 $0x3, s23;
	v52 =	vadd.s32 s26, v16  }
0x1ad: {  	s25 =	sld [smem:s10+$0x3];
	v43 =	vxor.u32 s31, v34;
	v27 =	vxor.u32 v28, v42;
	v54 =	vmov s30  }
0x1ae: {  	[tilespmem:v37+s13+$0x0] =	vst.idx.msk $0xffff, v61;
	s26 =	sld [smem:s10+$0xFFFFFFFE];
	s31 =	sadd.s32 $0x2, s23;
	v57 =	vadd.s32 s30, v16;
	s30 =	sadd.s32 $0x5, s23;
	v44 =	vxor.u32 v31, v43;
	v31 =	vand.u32 $0x38, v46;
	v45 =	vld.idx.msk [tilespmem:v40+s4+$0x0], $0xffff  }
0x1af: {  	s2 =	sld [smem:s24+$0x2];
	s24 =	sadd.s32 $0x8, s24;
	v51 =	vmov s31;
	v53 =	vadd.s32 s31, v16;
	v59 =	vmov s30  }
0x1b0: {  	s31 =	sadd.s32 $0x4, s23;
	v61 =	vadd.s32 s30, v16;
	v47 =	vxor.u32 s0, v35;
	s0 =	sld [smem:s24+$0x3];
	v19 =	vadd.s32 v19, v31  }
0x1b1: {  	v41 =	vand.u32 $0x38, v54;
	vm0 =	vgt.s32 v8, s25;
	v55 =	vmov s31  }
0x1b2: {  	s28 =	sld [smem:s10+$0x1];
	[tilespmem:v21+s13+$0x0] =	vst.idx.msk $0xffff, v63;
	v58 =	vadd.s32 s31, v16;
	v31 =	vand.u32 $0x38, v50;
	v63 =	vand.u32 $0x38, v51  }
0x1b3: {  	s25 =	sld [smem:s10+$0xFFFFFFFF];
	vm11 =	vgt.s32 v8, s26;
	v56 =	vsel vm0, v10, v9;
	v30 =	vxor.u32 s0, v45  }
0x1b4: {  	[tilespmem:v22+s13+$0x0] =	vst.idx.msk $0xffff, v27;
	v14 =	vadd.s32 v14, v41;
	v49 =	vxor.u32 s2, v36;
	s2 =	sld [smem:s10+$0xFFFFFFFD];
	v30 =	vxor.u32 v56, v30  }
0x1b5: {  	s31 =	sadd.s32 $0x6, s23;
	v46 =	vand.u32 $0x38, v59;
	vm14 =	vgt.s32 v8, s28;
	v26 =	vxor.u32 v26, v47;
	v33 =	vld.idx.msk [tilespmem:v48+s4+$0x0], $0xffff;
	s0 =	sld [smem:s10+$0x0];
	[tilespmem:v19+s13+$0x0] =	vst.idx.msk $0xffff, v30  }
0x1b6: {  	[tilespmem:v24+s13+$0x0] =	vst.idx.msk $0xffff, v44;
	v60 =	vmov s31;
	v62 =	vadd.s32 s31, v16;
	v44 =	vand.u32 $0x38, v55;
	v43 =	vld.idx.msk [tilespmem:v52+s4+$0x0], $0xffff;
	s23 =	sld [smem:s10+$0xFFFFFFFC]  }
0x1b7: {  	v17 =	vadd.s32 v17, v31;
	v15 =	vadd.s32 v15, v63;
	v13 =	vadd.s32 v13, v46;
	s26 =	sld [smem:s24+$0xFFFFFFFC]  }
0x1b8: {  	v23 =	vxor.u32 v23, v49;
	v11 =	vadd.s32 v11, v44;
	vm12 =	vgt.s32 v8, s25;
	v47 =	vld.idx.msk [tilespmem:v53+s4+$0x0], $0xffff;
	s30 =	sld [smem:s24+$0xFFFFFFFD]  }
0x1b9: {  	[tilespmem:v25+s13+$0x0] =	vst.idx.msk $0xffff, v26;
	v49 =	vld.idx.msk [tilespmem:v57+s4+$0x0], $0xffff;
	vm10 =	vgt.s32 v8, s2;
	v48 =	vsel vm12, v10, v9;
	s29 =	sld [smem:s10+$0x2];
	vm1 =	vgt.s32 v8, s23  }
0x1ba: {  	v42 =	vsel vm10, v10, v9;
	v51 =	vld.idx.msk [tilespmem:v58+s4+$0x0], $0xffff;
	s31 =	sld [smem:s24+$0xFFFFFFFE];
	v33 =	vxor.u32 s26, v33;
	v50 =	vsel vm1, v10, v9  }
0x1bb: {  	v52 =	vld.idx.msk [tilespmem:v61+s4+$0x0], $0xffff;
	v58 =	vsel vm14, v10, v9;
	s25 =	sld [smem:s24+$0xFFFFFFFF];
	v27 =	vxor.u32 s30, v43;
	v33 =	vxor.u32 v50, v33  }
0x1bc: {  	v45 =	vsel vm11, v10, v9;
	v16 =	vld.idx.msk [tilespmem:v62+s4+$0x0], $0xffff;
	s26 =	sld [smem:s24+$0x0];
	v22 =	vxor.u32 v42, v27;
	[tilespmem:v18+s13+$0x0] =	vst.idx.msk $0xffff, v33  }
0x1bd: {  	s22 =	sadd.s32 $0x1, s22;
	v19 =	vand.u32 $0x38, v60;
	vm13 =	vgt.s32 v8, s0;
	v54 =	vxor.u32 s31, v47;
	s30 =	sld [smem:s24+$0x1];
	[tilespmem:v17+s13+$0x0] =	vst.idx.msk $0xffff, v22  }
0x1be: {  	p0 =	sne.s32 s22, $0x10;
	[tilespmem:v29+s13+$0x0] =	vst.idx.msk $0xffff, v23;
	v57 =	vadd.s32 v12, v19;
	v56 =	vxor.u32 s25, v49;
	v55 =	vxor.u32 v45, v54;
	s31 =	sld [smem:s24+$0x2]  }
.Ltmp7:
0x1bf: {  	v53 =	vsel vm13, v10, v9;
	v59 =	vxor.u32 v48, v56;
	v60 =	vxor.u32 s26, v51;
	[tilespmem:v15+s13+$0x0] =	vst.idx.msk $0xffff, v55;
	(pc) =	sbr.rel @p0 .LBB2_15-.Ltmp7, $4  }
0x1c0: {  	vm15 =	vgt.s32 v8, s29;
	v8 =	vxor.u32 v53, v60;
	[tilespmem:v14+s13+$0x0] =	vst.idx.msk $0xffff, v59;
	v61 =	vxor.u32 s30, v52  }
0x1c1: {  	v62 =	vsel vm15, v10, v9;
	[tilespmem:v11+s13+$0x0] =	vst.idx.msk $0xffff, v8;
	v8 =	vxor.u32 v58, v61;
	v63 =	vxor.u32 s31, v16  }
0x1c2: {  	[tilespmem:v13+s13+$0x0] =	vst.idx.msk $0xffff, v8;
	v8 =	vxor.u32 v62, v63  }
0x1c3: {  	[tilespmem:v57+s13+$0x0] =	vst.idx.msk $0xffff, v8  }
0x1c4: {  	s0 =	sshll.u32 s20, $0xE  }
0x1c5: {  	s0 =	sadd.s32 s5, s0  }
0x1c6: {  	s0 =	sshrl.u32 s0, $0x3  }
0x1c7: {  	s21 =	simm.s32 $0x15140;
	s20 =	sadd.s32 s3, s0  }
0x1c8: {  	s22 =	simm.s32 $0x8;
	s23 =	simm.s32 $0x15188;
	s24 =	sadd.s32 $0x0, s20  }
.LBB2_19:
0x1c9: {  	[hbm4b:s24+s4] =	stream.linear.scatter [tilespmem:s21], [sflag:$0x2], $0x40, $0x38;
	[tilespmem:$0x19940] =	vst v63  }
0x1ca: {  	s0 =	smov.u32 s22;
	s21 =	smov.u32 s23;
	p0 =	sne.s32 s22, $0x7F8  }
.Ltmp8:
0x1cb: {  	s22 =	sadd.s32 $0x8, s22;
	(pc) =	sbr.rel @p0 .LBB2_19-.Ltmp8, $2  }
0x1cc: {  	_ =	sdelay $0x2  }
0x1cd: {  	s23 =	sadd.s32 $0x48, s23;
	s24 =	sadd.s32 s0, s20  }
0x1ce: {  	s17 =	sadd.s32 $0x1, s17  }
0x1cf: {  	p0 =	sne.s32 s17, $0x6  }
.Ltmp9:
0x1d0: {  	_ = 	snop;
	(pc) =	sbr.rel @p0 .LBB2_4-.Ltmp9, $3  }
0x1d1: {  	_ =	sdelay $0x1  }
0x1d2: {  	[hbm4b:s24+s4] =	stream.linear.scatter [tilespmem:s21], [sflag:$0x2], $0x40, $0x38;
	[tilespmem:$0x19940] =	vst v63  }
0x1d3: {  	s18 =	sadd.s32 $0x200, s18;
	s19 =	sadd.s32 $0x200, s19  }
0x1d4: {  	_ =	swait.ge [sflag:s14], $0x4000  }
0x1d5: {  	[sflag:s14] =	ssyncset.done $0x0  }
0x1d6: {  	s0 =	simm.s32 $0x10650;
	[sflag:s14] =	ssyncadd.s32 $0xFFFFC000  }
0x1d7: {  	v8 =	vld [tilespmem:s0+$0x0]  }
0x1d8: {  	v9 =	vld [tilespmem:s0+$0xFFFFFFF0]  }
0x1d9: {  	s31 =	simm.s32 $0x10670  }
0x1da: {  	v21 =	vld [tilespmem:s31+$0xFFFFFFF0];
	_ =	sdelay $0x1  }
0x1db: {  	v10 =	vand.u32 $0xFFFF, v8;
	v8 =	vshra.s32 v8, $0x10  }
0x1dc: {  	v13 =	vand.u32 $0xFFFF, v9;
	v11 =	vmul.u32 $0x1966, v10;
	v12 =	vmul.u32 $0x196600, v10  }
0x1dd: {  	v9 =	vshra.s32 v9, $0x10;
	v14 =	vmul.u32 $0x19660D, v8;
	v15 =	vmul.u32 $0x660D0000, v8  }
0x1de: {  	v45 =	vshra.s32 v21, $0x10;
	v12 =	vand.u32 $0x7FFFFE00, v12;
	v11 =	vshrl.u32 v11, $0x17  }
0x1df: {  	v15 =	vand.u32 $0x7FFF0000, v15;
	v14 =	vshra.s32 v14, $0xF;
	v11 =	vor.u32 v11, v12  }
0x1e0: {  	v16 =	vmul.u32 $0x1966, v13;
	v14 =	vadd.s32 v14, v15;
	v15 =	vxor.u32 $0x7FFFFFFF, v11  }
0x1e1: {  	v17 =	vmul.u32 $0xD, v10;
	v18 =	vmul.u32 $0x660D0000, v9;
	v15 =	vsub.s32 v14, v15  }
0x1e2: {  	v12 =	vmul.u32 $0x196600, v13;
	v11 =	vadd.s32 v11, v14;
	vm0 =	vlt.s32 v15, $0x0  }
0x1e3: {  	v40 =	vmul.u32 $0x15A4, v10;
	v14 =	vmul.u32 $0x19660D, v9;
	v11 =	vsel vm0, v11, v15  }
0x1e4: {  	v16 =	vshrl.u32 v16, $0x17;
	v12 =	vand.u32 $0x7FFFFE00, v12;
	v11 =	vadd.s32 v17, v11  }
0x1e5: {  	v12 =	vor.u32 v16, v12;
	v14 =	vshra.s32 v14, $0xF;
	v16 =	vadd.s32 $0xBC6EF360, v11  }
0x1e6: {  	v17 =	vand.u32 $0x7FFF0000, v18;
	v11 =	vadd.s32 $0x3C6EF35F, v11;
	vm0 =	vlt.s32 v16, $0x0  }
0x1e7: {  	v14 =	vadd.s32 v14, v17;
	v17 =	vxor.u32 $0x7FFFFFFF, v12;
	v11 =	vsel vm0, v11, v16  }
0x1e8: {  	v12 =	vadd.s32 v12, v14;
	v16 =	vsub.s32 v14, v17;
	v14 =	vshra.s32 v11, $0x10  }
0x1e9: {  	v19 =	vmul.u32 $0x15A4000, v10;
	v10 =	vmul.u32 $0xE35, v10;
	v14 =	vmul.u32 $0x600, v14  }
0x1ea: {  	v15 =	vmul.u32 $0xD, v13;
	vm0 =	vlt.s32 v16, $0x0;
	v11 =	vand.u32 $0xFFFF, v11  }
0x1eb: {  	v19 =	vand.u32 $0x7FFFC000, v19;
	v12 =	vsel vm0, v12, v16;
	v11 =	vadd.s32 v11, v14  }
0x1ec: {  	v12 =	vadd.s32 v15, v12;
	v14 =	vmul.u32 $0x4E350000, v8;
	v15 =	vshra.s32 v11, $0x10  }
0x1ed: {  	v18 =	vshrl.u32 v40, $0x13;
	v8 =	vmul.u32 $0x15A4E35, v8;
	v15 =	vmul.u32 $0x600, v15  }
0x1ee: {  	v17 =	vmul.u32 $0x15A4, v13;
	v11 =	vand.u32 $0xFFFF, v11;
	v14 =	vand.u32 $0x7FFF0000, v14  }
0x1ef: {  	v8 =	vshra.s32 v8, $0xF;
	v11 =	vadd.s32 v11, v15;
	v15 =	vor.u32 v18, v19  }
0x1f0: {  	v8 =	vadd.s32 v8, v14;
	v41 =	vshra.s32 v11, $0x10;
	v14 =	vxor.u32 $0x7FFFFFFF, v15  }
0x1f1: {  	v16 =	vmul.u32 $0x15A4000, v13;
	v18 =	vmul.u32 $0x600, v41;
	v14 =	vsub.s32 v8, v14  }
0x1f2: {  	v11 =	vand.u32 $0xFFFF, v11;
	v8 =	vadd.s32 v15, v8;
	vm0 =	vlt.s32 v14, $0x0  }
0x1f3: {  	v11 =	vadd.s32 v11, v18;
	v8 =	vsel vm0, v8, v14;
	v14 =	vxor.u32 $0x7FFFFFFF, v10  }
0x1f4: {  	v15 =	vadd.s32 $0xFFFF0600, v11;
	vm0 =	vlt.s32 v11, $0xFA00;
	v14 =	vsub.s32 v8, v14  }
0x1f5: {  	v8 =	vadd.s32 v10, v8;
	v11 =	vsel vm0, v11, v15;
	vm0 =	vlt.s32 v14, $0x0  }
0x1f6: {  	v10 =	vadd.s32 $0xBC6EF360, v12;
	v15 =	vadd.s32 $0x3C6EF35F, v12;
	v12 =	vsel vm0, v8, v14  }
0x1f7: {  	vm0 =	vlt.s32 v10, $0x0;
	v8 =	vmul.u32 $0x15A4E35, v9;
	v9 =	vmul.u32 $0x4E350000, v9  }
0x1f8: {  	v14 =	vand.u32 $0x7FFFC000, v16;
	v10 =	vsel vm0, v15, v10;
	v15 =	vshrl.u32 v17, $0x13  }
0x1f9: {  	v60 =	vmul.u32 $0x15A4E35, v45;
	v16 =	vshra.s32 v10, $0x10;
	v14 =	vor.u32 v15, v14  }
0x1fa: {  	v15 =	vld [tilespmem:s31+$0x0];
	v9 =	vand.u32 $0x7FFF0000, v9;
	v8 =	vshra.s32 v8, $0xF;
	v16 =	vmul.u32 $0x600, v16  }
0x1fb: {  	v8 =	vadd.s32 v8, v9;
	v9 =	vmul.u32 $0xE35, v13;
	v13 =	vxor.u32 $0x7FFFFFFF, v14  }
0x1fc: {  	v63 =	vshra.s32 v60, $0xF;
	v10 =	vand.u32 $0xFFFF, v10;
	v13 =	vsub.s32 v8, v13  }
0x1fd: {  	v8 =	vadd.s32 v14, v8;
	v10 =	vadd.s32 v10, v16;
	vm0 =	vlt.s32 v13, $0x0  }
0x1fe: {  	v42 =	vxor.u32 $0x7FFFFFFF, v9;
	v14 =	vshra.s32 v10, $0x10;
	v10 =	vand.u32 $0xFFFF, v10  }
0x1ff: {  	v8 =	vsel vm0, v8, v13;
	v14 =	vmul.u32 $0x600, v14;
	v13 =	vand.u32 $0xFFFF, v15  }
0x200: {  	v15 =	vshra.s32 v15, $0x10;
	v18 =	vsub.s32 v8, v42;
	v8 =	vadd.s32 v9, v8  }
0x201: {  	v16 =	vmul.u32 $0x1966, v13;
	v17 =	vmul.u32 $0x196600, v13;
	v43 =	vmul.u32 $0x19660D, v15  }
0x202: {  	v20 =	vmul.u32 $0x660D0000, v15;
	v49 =	vmul.u32 $0x4E350000, v15;
	v50 =	vmul.u32 $0x15A4, v13  }
0x203: {  	v51 =	vmul.u32 $0x15A4000, v13;
	v15 =	vmul.u32 $0x15A4E35, v15;
	v10 =	vadd.s32 v10, v14  }
0x204: {  	v17 =	vand.u32 $0x7FFFFE00, v17;
	v16 =	vshrl.u32 v16, $0x17;
	v20 =	vand.u32 $0x7FFF0000, v20  }
0x205: {  	v19 =	vshra.s32 v43, $0xF;
	v44 =	vshra.s32 v10, $0x10;
	v16 =	vor.u32 v16, v17  }
0x206: {  	v15 =	vshra.s32 v15, $0xF;
	v14 =	vadd.s32 v19, v20;
	v17 =	vxor.u32 $0x7FFFFFFF, v16  }
0x207: {  	v19 =	vand.u32 $0x7FFF0000, v49;
	v9 =	vsub.s32 v14, v17;
	v17 =	vmul.u32 $0xD, v13  }
0x208: {  	v14 =	vadd.s32 v16, v14;
	v13 =	vmul.u32 $0xE35, v13;
	vm0 =	vlt.s32 v9, $0x0  }
0x209: {  	v15 =	vadd.s32 v15, v19;
	v9 =	vsel vm0, v14, v9;
	vm0 =	vlt.s32 v18, $0x0  }
0x20a: {  	v14 =	vand.u32 $0xFFFF, v21;
	v21 =	vmul.u32 $0x660D0000, v45;
	v57 =	vxor.u32 $0x7FFFFFFF, v13  }
0x20b: {  	v8 =	vsel vm0, v8, v18;
	v16 =	vmul.u32 $0x1966, v14;
	v9 =	vadd.s32 v17, v9  }
0x20c: {  	v17 =	vmul.u32 $0x196600, v14;
	v56 =	vmul.u32 $0xD, v14;
	v46 =	vadd.s32 $0xBC6EF360, v9  }
0x20d: {  	v22 =	vadd.s32 $0x3C6EF35F, v9;
	v9 =	vand.u32 $0xFFFF, v10;
	vm0 =	vlt.s32 v46, $0x0  }
0x20e: {  	v16 =	vshrl.u32 v16, $0x17;
	v17 =	vand.u32 $0x7FFFFE00, v17;
	v20 =	vsel vm0, v22, v46  }
0x20f: {  	v10 =	vmul.u32 $0x19660D, v45;
	v16 =	vor.u32 v16, v17;
	v17 =	vshra.s32 v20, $0x10  }
0x210: {  	v58 =	vmul.u32 $0x15A4, v14;
	v59 =	vmul.u32 $0x15A4000, v14;
	v17 =	vmul.u32 $0x600, v17  }
0x211: {  	v21 =	vand.u32 $0x7FFF0000, v21;
	v10 =	vshra.s32 v10, $0xF;
	v20 =	vand.u32 $0xFFFF, v20  }
0x212: {  	v21 =	vadd.s32 v10, v21;
	v47 =	vxor.u32 $0x7FFFFFFF, v16;
	v17 =	vadd.s32 v20, v17  }
0x213: {  	v22 =	vand.u32 $0x7FFFC000, v51;
	v48 =	vsub.s32 v21, v47;
	v20 =	vshra.s32 v17, $0x10  }
0x214: {  	v16 =	vadd.s32 v16, v21;
	v21 =	vshrl.u32 v50, $0x13;
	v20 =	vmul.u32 $0x600, v20  }
0x215: {  	v18 =	vmul.u32 $0x4E350000, v45;
	v52 =	vor.u32 v21, v22;
	v17 =	vand.u32 $0xFFFF, v17  }
0x216: {  	vm0 =	vlt.s32 v48, $0x0;
	v54 =	vxor.u32 $0x7FFFFFFF, v52;
	v17 =	vadd.s32 v17, v20  }
0x217: {  	v16 =	vsel vm0, v16, v48;
	v19 =	vsub.s32 v15, v54;
	v53 =	vshra.s32 v17, $0x10  }
0x218: {  	s18 =	simm.s32 $0x10750;
	v15 =	vadd.s32 v52, v15;
	vm0 =	vlt.s32 v19, $0x0;
	v21 =	vmul.u32 $0x600, v53  }
0x219: {  	[tilespmem:s18+$0x0] =	vst v11;
	v11 =	vand.u32 $0x7FFF0000, v18;
	v15 =	vsel vm0, v15, v19;
	v17 =	vand.u32 $0xFFFF, v17  }
0x21a: {  	v16 =	vadd.s32 v56, v16;
	v13 =	vadd.s32 v13, v15;
	v17 =	vadd.s32 v17, v21  }
0x21b: {  	v21 =	vsub.s32 v15, v57;
	v55 =	vadd.s32 $0xFFFF0600, v17;
	vm0 =	vlt.s32 v17, $0xFA00  }
0x21c: {  	v15 =	vadd.s32 $0xBC6EF360, v16;
	v17 =	vsel vm0, v17, v55;
	vm0 =	vlt.s32 v21, $0x0  }
0x21d: {  	v16 =	vadd.s32 $0x3C6EF35F, v16;
	v13 =	vsel vm0, v13, v21;
	vm0 =	vlt.s32 v15, $0x0  }
0x21e: {  	v18 =	vadd.s32 v63, v11;
	v15 =	vsel vm0, v16, v15  }
0x21f: {  	v19 =	vshrl.u32 v58, $0x13;
	v16 =	vand.u32 $0x7FFFC000, v59;
	v61 =	vshra.s32 v15, $0x10  }
0x220: {  	s19 =	simm.s32 $0x10850;
	v11 =	vmul.u32 $0xE35, v14;
	v16 =	vor.u32 v19, v16;
	v62 =	vmul.u32 $0x600, v61  }
0x221: {  	s20 =	simm.s32 $0x10770;
	[tilespmem:s19+$0x0] =	vst v12;
	v10 =	vmul.u32 $0x600, v44;
	v15 =	vand.u32 $0xFFFF, v15;
	v12 =	vxor.u32 $0x7FFFFFFF, v16  }
0x222: {  	s21 =	simm.s32 $0x10870;
	[tilespmem:s20+$0x0] =	vst v17;
	v14 =	vadd.s32 v16, v18;
	v12 =	vsub.s32 v18, v12;
	v17 =	vadd.s32 v15, v62  }
0x223: {  	s22 =	simm.s32 $0x2;
	s23 =	simm.s32 $0x10690;
	[tilespmem:s21+$0x0] =	vst v13;
	vm0 =	vlt.s32 v12, $0x0;
	v15 =	vshra.s32 v17, $0x10;
	v13 =	vand.u32 $0xFFFF, v17  }
.LBB2_22:
0x224: {  	v16 =	vld [tilespmem:s23+$0x0];
	v15 =	vmul.u32 $0x600, v15;
	v12 =	vsel vm0, v14, v12;
	v14 =	vxor.u32 $0x7FFFFFFF, v11  }
0x225: {  	s22 =	sadd.s32 $0x2, s22;
	v17 =	vld [tilespmem:s23+$0xFFFFFFF0];
	v14 =	vsub.s32 v12, v14;
	v11 =	vadd.s32 v11, v12;
	v12 =	vadd.s32 v9, v10  }
0x226: {  	p0 =	slt.u32 s22, $0xE;
	v9 =	vadd.s32 v13, v15;
	v13 =	vadd.s32 $0xFFFF0600, v12;
	vm0 =	vlt.s32 v12, $0xFA00  }
0x227: {  	vm1 =	vlt.s32 v14, $0x0;
	v10 =	vshra.s32 v9, $0x10;
	v9 =	vand.u32 $0xFFFF, v9  }
0x228: {  	v11 =	vsel vm1, v11, v14;
	v12 =	vsel vm0, v12, v13;
	v10 =	vmul.u32 $0x600, v10  }
0x229: {  	v13 =	vand.u32 $0xFFFF, v16;
	[tilespmem:s18+$0xFFFFFFF0] =	vst v12;
	s18 =	smov.u32 s20  }
0x22a: {  	v12 =	vshra.s32 v16, $0x10;
	v14 =	vmul.u32 $0x1966, v13;
	v15 =	vmul.u32 $0x196600, v13;
	[tilespmem:s19+$0xFFFFFFF0] =	vst v8;
	v8 =	vmovc v11;
	s19 =	smov.u32 s21  }
0x22b: {  	v11 =	vand.u32 $0xFFFF, v17;
	v16 =	vmul.u32 $0x19660D, v12;
	v18 =	vmul.u32 $0x660D0000, v12  }
0x22c: {  	v19 =	vmul.u32 $0x1966, v11;
	v15 =	vand.u32 $0x7FFFFE00, v15;
	v14 =	vshrl.u32 v14, $0x17  }
0x22d: {  	v18 =	vand.u32 $0x7FFF0000, v18;
	v16 =	vshra.s32 v16, $0xF;
	v14 =	vor.u32 v14, v15  }
0x22e: {  	v15 =	vmul.u32 $0x196600, v11;
	v16 =	vadd.s32 v16, v18;
	v18 =	vxor.u32 $0x7FFFFFFF, v14  }
0x22f: {  	v17 =	vshra.s32 v17, $0x10;
	v19 =	vshrl.u32 v19, $0x17;
	v18 =	vsub.s32 v16, v18  }
0x230: {  	v20 =	vmul.u32 $0xD, v13;
	v14 =	vadd.s32 v14, v16;
	vm0 =	vlt.s32 v18, $0x0  }
0x231: {  	v21 =	vmul.u32 $0x660D0000, v17;
	v16 =	vmul.u32 $0x19660D, v17;
	v14 =	vsel vm0, v14, v18  }
0x232: {  	v15 =	vand.u32 $0x7FFFFE00, v15;
	v18 =	vmul.u32 $0xD, v11;
	v14 =	vadd.s32 v20, v14  }
0x233: {  	v15 =	vor.u32 v19, v15;
	v20 =	vand.u32 $0x7FFF0000, v21;
	v19 =	vadd.s32 $0xBC6EF360, v14  }
0x234: {  	v16 =	vshra.s32 v16, $0xF;
	v14 =	vadd.s32 $0x3C6EF35F, v14;
	vm0 =	vlt.s32 v19, $0x0  }
0x235: {  	v16 =	vadd.s32 v16, v20;
	v20 =	vxor.u32 $0x7FFFFFFF, v15;
	v14 =	vsel vm0, v14, v19  }
0x236: {  	v15 =	vadd.s32 v15, v16;
	v19 =	vsub.s32 v16, v20;
	v16 =	vshra.s32 v14, $0x10  }
0x237: {  	v20 =	vmul.u32 $0x15A4, v11;
	vm0 =	vlt.s32 v19, $0x0;
	v16 =	vmul.u32 $0x600, v16  }
0x238: {  	v14 =	vand.u32 $0xFFFF, v14;
	v15 =	vsel vm0, v15, v19;
	v19 =	vmul.u32 $0x15A4000, v11  }
0x239: {  	v15 =	vadd.s32 v18, v15;
	v14 =	vadd.s32 v14, v16;
	v16 =	vmul.u32 $0x4E350000, v12  }
0x23a: {  	v22 =	vmul.u32 $0x15A4000, v13;
	v21 =	vmul.u32 $0x15A4, v13;
	v18 =	vshra.s32 v14, $0x10  }
0x23b: {  	v12 =	vmul.u32 $0x15A4E35, v12;
	v18 =	vmul.u32 $0x600, v18;
	v16 =	vand.u32 $0x7FFF0000, v16  }
0x23c: {  	v22 =	vand.u32 $0x7FFFC000, v22;
	v21 =	vshrl.u32 v21, $0x13;
	v14 =	vand.u32 $0xFFFF, v14  }
0x23d: {  	v12 =	vshra.s32 v12, $0xF;
	v14 =	vadd.s32 v14, v18;
	v18 =	vor.u32 v21, v22  }
0x23e: {  	v12 =	vadd.s32 v12, v16;
	v21 =	vshra.s32 v14, $0x10;
	v16 =	vxor.u32 $0x7FFFFFFF, v18  }
0x23f: {  	v13 =	vmul.u32 $0xE35, v13;
	v21 =	vmul.u32 $0x600, v21;
	v16 =	vsub.s32 v12, v16  }
0x240: {  	v14 =	vand.u32 $0xFFFF, v14;
	v12 =	vadd.s32 v18, v12;
	vm0 =	vlt.s32 v16, $0x0  }
0x241: {  	v14 =	vadd.s32 v14, v21;
	v12 =	vsel vm0, v12, v16;
	v16 =	vxor.u32 $0x7FFFFFFF, v13  }
0x242: {  	v18 =	vadd.s32 $0xFFFF0600, v14;
	vm0 =	vlt.s32 v14, $0xFA00;
	v16 =	vsub.s32 v12, v16  }
0x243: {  	s20 =	sadd.s32 $0x20, s20;
	v12 =	vadd.s32 v13, v12;
	v14 =	vsel vm0, v14, v18;
	vm0 =	vlt.s32 v16, $0x0  }
0x244: {  	s21 =	sadd.s32 $0x20, s21;
	v13 =	vadd.s32 $0xBC6EF360, v15;
	v15 =	vadd.s32 $0x3C6EF35F, v15;
	v12 =	vsel vm0, v12, v16;
	[tilespmem:s20+$0x0] =	vst v14  }
0x245: {  	s17 =	simm.s32 $0x0;
	vm0 =	vlt.s32 v13, $0x0;
	v14 =	vmul.u32 $0x15A4E35, v17;
	v16 =	vmul.u32 $0x4E350000, v17;
	[tilespmem:s21+$0x0] =	vst v12  }
0x246: {  	v12 =	vsel vm0, v15, v13;
	v13 =	vand.u32 $0x7FFFC000, v19;
	v15 =	vshrl.u32 v20, $0x13  }
.Ltmp10:
0x247: {  	v17 =	vshra.s32 v12, $0x10;
	v12 =	vand.u32 $0xFFFF, v12;
	v13 =	vor.u32 v15, v13;
	(pc) =	sbr.rel @p0 .LBB2_22-.Ltmp10, $4  }
0x248: {  	v16 =	vand.u32 $0x7FFF0000, v16;
	v14 =	vshra.s32 v14, $0xF;
	v15 =	vmul.u32 $0x600, v17  }
0x249: {  	v11 =	vmul.u32 $0xE35, v11;
	v14 =	vadd.s32 v14, v16;
	v16 =	vxor.u32 $0x7FFFFFFF, v13  }
0x24a: {  	v17 =	vadd.s32 v12, v15;
	v12 =	vsub.s32 v14, v16;
	v14 =	vadd.s32 v13, v14  }
0x24b: {  	s23 =	sadd.s32 $0x20, s23;
	v15 =	vshra.s32 v17, $0x10;
	v13 =	vand.u32 $0xFFFF, v17;
	vm0 =	vlt.s32 v12, $0x0  }
0x24c: {  	v15 =	vmul.u32 $0x600, v15;
	_ =	sdelay $0x1  }
0x24d: {  	v13 =	vadd.s32 v13, v15  }
0x24e: {  	v15 =	vshra.s32 v13, $0x10  }
0x24f: {  	v12 =	vsel vm0, v14, v12;
	v9 =	vadd.s32 v9, v10;
	v57 =	vmul.u32 $0x600, v15  }
0x250: {  	v58 =	vadd.s32 $0xFFFF0600, v9;
	vm14 =	vlt.s32 v9, $0xFA00;
	v13 =	vand.u32 $0xFFFF, v13  }
0x251: {  	v59 =	vxor.u32 $0x7FFFFFFF, v11;
	v9 =	vsel vm14, v9, v58;
	v10 =	vadd.s32 v13, v57  }
0x252: {  	v60 =	vsub.s32 v12, v59;
	[tilespmem:s18+$0xFFFFFFF0] =	vst v9;
	v61 =	vadd.s32 $0xFFFF0600, v10;
	vm15 =	vlt.s32 v10, $0xFA00  }
0x253: {  	v62 =	vadd.s32 v11, v12;
	vm1 =	vlt.s32 v60, $0x0;
	[tilespmem:s19+$0xFFFFFFF0] =	vst v8;
	v8 =	vsel vm15, v10, v61  }
0x254: {  	v63 =	vsel vm1, v62, v60;
	[tilespmem:s20+$0xFFFFFFF0] =	vst v8  }
0x255: {  	s18 =	simm.s32 $0x0;
	[tilespmem:s21+$0xFFFFFFF0] =	vst v63  }
.LBB2_24:
0x256: {  	s0 =	sshll.u32 s18, $0x4  }
0x257: {  	v16 =	vld [tilespmem:s0+$0x10740];
	_ =	sdelay $0x2  }
0x258: {  	v10 =	vmov s0  }
0x259: {  	s2 =	simm.s32 $0x7;
	s26 =	simm.s32 $0x4;
	v10 =	vmul.u32 $0x48, v10  }
0x25a: {  	s28 =	simm.s32 $0x5;
	s29 =	simm.s32 $0x6;
	v28 =	vmov s26;
	v9 =	vadd.s32 s2, v16  }
0x25b: {  	v8 =	vld [tilespmem:s0+$0x10840];
	v31 =	vmov s28;
	v32 =	vmov s29;
	v21 =	vbroadcast v10, $0x0  }
0x25c: {  	v40 =	vand.u32 $0x38, v31;
	v32 =	vand.u32 $0x38, v32;
	v10 =	vmov s2  }
0x25d: {  	s10 =	simm.s32 $0x1;
	v11 =	vand.u32 $0x38, v10;
	v13 =	vadd.s32 s17, v16;
	v19 =	vadd.s32 v7, v21  }
0x25e: {  	s22 =	simm.s32 $0x2;
	v22 =	vadd.s32 s10, v16;
	v18 =	vadd.s32 v0, v21;
	v17 =	vadd.s32 v1, v21  }
0x25f: {  	s25 =	simm.s32 $0x3;
	v15 =	vadd.s32 v2, v21;
	v14 =	vadd.s32 v3, v21;
	v24 =	vadd.s32 s22, v16;
	v12 =	vld.idx.msk [tilespmem:v9+s4+$0x0], $0xffff;
	s31 =	sld [smem:$0x7]  }
0x260: {  	v26 =	vadd.s32 s25, v16;
	v34 =	vadd.s32 s26, v16;
	v9 =	vxor.u32 $0xFFFFFFFF, v8;
	s23 =	sld [smem:$0x47]  }
0x261: {  	v35 =	vadd.s32 s28, v16;
	v23 =	vadd.s32 v19, v11;
	v9 =	vshll.u32 v9, $0x1F;
	s19 =	sld [smem:$0x1]  }
0x262: {  	v38 =	vadd.s32 s29, v16;
	v10 =	vxor.u32 $0x80000000, v9;
	s20 =	sld [smem:$0x2];
	vm0 =	vgt.s32 v8, s31  }
0x263: {  	v11 =	vadd.s32 v4, v21;
	v20 =	vadd.s32 s17, v18;
	s21 =	sld [smem:$0x3];
	v25 =	vsel vm0, v10, v9  }
0x264: {  	s24 =	sld [smem:$0x4];
	v12 =	vxor.u32 s23, v12;
	v36 =	vld.idx.msk [tilespmem:v13+s4+$0x0], $0xffff;
	v13 =	vadd.s32 v5, v21;
	vm10 =	vgt.s32 v8, s19  }
0x265: {  	v25 =	vxor.u32 v25, v12;
	v12 =	vadd.s32 v6, v21;
	v21 =	vmov s10  }
0x266: {  	s23 =	sld [smem:$0x5];
	v27 =	vsel vm10, v10, v9;
	vm11 =	vgt.s32 v8, s20;
	[tilespmem:v23+s12+$0x0] =	vst.idx.msk $0xffff, v25;
	v25 =	vld.idx.msk [tilespmem:v22+s4+$0x0], $0xffff;
	v22 =	vmov s22  }
0x267: {  	v23 =	vmov s25;
	v21 =	vand.u32 $0x38, v21;
	v29 =	vsel vm11, v10, v9  }
0x268: {  	vm12 =	vgt.s32 v8, s21;
	s25 =	sld [smem:$0x6];
	v22 =	vand.u32 $0x38, v22;
	v23 =	vand.u32 $0x38, v23  }
0x269: {  	vm13 =	vgt.s32 v8, s24;
	v37 =	vadd.s32 v17, v21;
	s30 =	sld [smem:$0x0];
	v30 =	vld.idx.msk [tilespmem:v24+s4+$0x0], $0xffff;
	v24 =	vand.u32 $0x38, v28  }
0x26a: {  	v28 =	vsel vm12, v10, v9;
	v31 =	vsel vm13, v10, v9;
	vm14 =	vgt.s32 v8, s23;
	s31 =	sld [smem:$0x40]  }
0x26b: {  	v21 =	vadd.s32 v15, v22;
	v22 =	vadd.s32 v14, v23;
	v33 =	vld.idx.msk [tilespmem:v26+s4+$0x0], $0xffff;
	v26 =	vsel vm14, v10, v9;
	s26 =	sld [smem:$0x41]  }
0x26c: {  	s19 =	simm.s32 $0x8;
	v24 =	vadd.s32 v11, v24;
	v34 =	vld.idx.msk [tilespmem:v34+s4+$0x0], $0xffff;
	vm15 =	vgt.s32 v8, s25;
	s24 =	sld [smem:$0x42];
	vm1 =	vgt.s32 v8, s30  }
0x26d: {  	s20 =	simm.s32 $0x44;
	s21 =	simm.s32 $0x4;
	v35 =	vld.idx.msk [tilespmem:v35+s4+$0x0], $0xffff;
	v23 =	vsel vm15, v10, v9;
	s25 =	sld [smem:$0x43];
	v39 =	vsel vm1, v10, v9;
	v41 =	vxor.u32 s31, v36  }
0x26e: {  	s22 =	simm.s32 $0x10;
	s23 =	simm.s32 $0xF;
	v36 =	vld.idx.msk [tilespmem:v38+s4+$0x0], $0xffff;
	v38 =	vxor.u32 v39, v41;
	v39 =	vxor.u32 s26, v25;
	s26 =	sld [smem:$0x44];
	v25 =	vadd.s32 v13, v40  }
.LBB2_25:
0x26f: {  	p0 =	slt.u32 s22, $0x38;
	v40 =	vadd.s32 s23, v16;
	[tilespmem:v20+s12+$0x0] =	vst.idx.msk $0xffff, v38;
	v20 =	vxor.u32 v27, v39;
	v27 =	vxor.u32 s24, v30;
	s0 =	sld [smem:s20+$0x1]  }
0x270: {  	[tilespmem:v37+s12+$0x0] =	vst.idx.msk $0xffff, v20;
	v20 =	vxor.u32 v29, v27;
	v27 =	vxor.u32 s25, v33;
	s2 =	sld [smem:s20+$0x2];
	v29 =	vadd.s32 v12, v32  }
0x271: {  	[tilespmem:v21+s12+$0x0] =	vst.idx.msk $0xffff, v20;
	v21 =	vxor.u32 v28, v27;
	v27 =	vxor.u32 s26, v34  }
0x272: {  	v20 =	vadd.s32 s19, v18;
	[tilespmem:v22+s12+$0x0] =	vst.idx.msk $0xffff, v21;
	v21 =	vxor.u32 v31, v27;
	v22 =	vxor.u32 s0, v35  }
0x273: {  	s10 =	sadd.s32 $0x2, s19;
	v27 =	vadd.s32 s19, v16;
	s0 =	sadd.s32 $0x1, s19;
	[tilespmem:v24+s12+$0x0] =	vst.idx.msk $0xffff, v21;
	v21 =	vxor.u32 v26, v22;
	v22 =	vxor.u32 s2, v36  }
0x274: {  	s24 =	sadd.s32 $0x4, s19;
	v24 =	vmov s0;
	v26 =	vmov s10;
	s2 =	sadd.s32 $0x3, s19;
	v28 =	vld.idx.msk [tilespmem:v40+s4+$0x0], $0xffff;
	[tilespmem:v25+s12+$0x0] =	vst.idx.msk $0xffff, v21;
	v21 =	vxor.u32 v23, v22  }
0x275: {  	s21 =	sadd.s32 $0x8, s21;
	s25 =	sadd.s32 $0x5, s19;
	s26 =	sadd.s32 $0x6, s19;
	v22 =	vmov s2;
	v23 =	vmov s24;
	v25 =	vmov s23;
	[tilespmem:v29+s12+$0x0] =	vst.idx.msk $0xffff, v21  }
0x276: {  	s20 =	sadd.s32 $0x8, s20;
	v31 =	vmov s26;
	s19 =	smov.u32 s22;
	v21 =	vmov s25;
	v25 =	vand.u32 $0x38, v25;
	s23 =	sld [smem:s21+$0x3]  }
0x277: {  	v30 =	vadd.s32 s10, v16;
	v29 =	vadd.s32 s0, v16;
	v25 =	vadd.s32 v19, v25;
	s0 =	sld [smem:s20+$0x3]  }
0x278: {  	v34 =	vadd.s32 s24, v16;
	v35 =	vadd.s32 s25, v16;
	v33 =	vadd.s32 s2, v16;
	s10 =	sld [smem:s21+$0xFFFFFFFD]  }
0x279: {  	v36 =	vadd.s32 s26, v16;
	v24 =	vand.u32 $0x38, v24;
	s2 =	sld [smem:s21+$0xFFFFFFFE];
	vm0 =	vgt.s32 v8, s23  }
0x27a: {  	v26 =	vand.u32 $0x38, v26;
	s23 =	sld [smem:s21+$0xFFFFFFFF];
	v32 =	vsel vm0, v10, v9;
	v28 =	vxor.u32 s0, v28  }
0x27b: {  	v22 =	vand.u32 $0x38, v22;
	vm0 =	vgt.s32 v8, s10;
	s0 =	sld [smem:s21+$0x0];
	v28 =	vxor.u32 v32, v28  }
0x27c: {  	v39 =	vand.u32 $0x38, v23;
	v38 =	vld.idx.msk [tilespmem:v27+s4+$0x0], $0xffff;
	v27 =	vsel vm0, v10, v9;
	vm0 =	vgt.s32 v8, s2;
	s2 =	sld [smem:s21+$0x1];
	[tilespmem:v25+s12+$0x0] =	vst.idx.msk $0xffff, v28  }
0x27d: {  	v40 =	vand.u32 $0x38, v21;
	v25 =	vld.idx.msk [tilespmem:v29+s4+$0x0], $0xffff;
	v29 =	vsel vm0, v10, v9;
	vm0 =	vgt.s32 v8, s23;
	s10 =	sld [smem:s21+$0x2]  }
0x27e: {  	v32 =	vand.u32 $0x38, v31;
	s23 =	sld [smem:s21+$0xFFFFFFFC];
	v30 =	vld.idx.msk [tilespmem:v30+s4+$0x0], $0xffff;
	v28 =	vsel vm0, v10, v9;
	vm0 =	vgt.s32 v8, s0  }
.Ltmp11:
0x27f: {  	v37 =	vadd.s32 v17, v24;
	s0 =	sld [smem:s20+$0xFFFFFFFC];
	v33 =	vld.idx.msk [tilespmem:v33+s4+$0x0], $0xffff;
	v31 =	vsel vm0, v10, v9;
	vm0 =	vgt.s32 v8, s2;
	(pc) =	sbr.rel @p0 .LBB2_25-.Ltmp11, $4  }
0x280: {  	v21 =	vadd.s32 v15, v26;
	s2 =	sld [smem:s20+$0xFFFFFFFD];
	v34 =	vld.idx.msk [tilespmem:v34+s4+$0x0], $0xffff;
	v26 =	vsel vm0, v10, v9;
	vm0 =	vgt.s32 v8, s10  }
0x281: {  	v22 =	vadd.s32 v14, v22;
	vm1 =	vgt.s32 v8, s23;
	s24 =	sld [smem:s20+$0xFFFFFFFE];
	v35 =	vld.idx.msk [tilespmem:v35+s4+$0x0], $0xffff;
	v23 =	vsel vm0, v10, v9  }
0x282: {  	v24 =	vadd.s32 v11, v39;
	v41 =	vsel vm1, v10, v9;
	v38 =	vxor.u32 s0, v38;
	s25 =	sld [smem:s20+$0xFFFFFFFF];
	v36 =	vld.idx.msk [tilespmem:v36+s4+$0x0], $0xffff  }
0x283: {  	s22 =	sadd.s32 $0x8, s22;
	s23 =	sadd.s32 $0x7, s19;
	v38 =	vxor.u32 v41, v38;
	v39 =	vxor.u32 s2, v25;
	s26 =	sld [smem:s20+$0x0];
	v25 =	vadd.s32 v13, v40  }
0x284: {  	_ = 	snop  }
0x285: {  	v40 =	vadd.s32 s23, v16  }
0x286: {  	v61 =	vxor.u32 v27, v39;
	v62 =	vxor.u32 s24, v30;
	v46 =	vmov s23  }
0x287: {  	v48 =	vadd.s32 s19, v16;
	s22 =	sadd.s32 $0x1, s19;
	v18 =	vadd.s32 s19, v18;
	v63 =	vxor.u32 v29, v62  }
0x288: {  	[tilespmem:v20+s12+$0x0] =	vst.idx.msk $0xffff, v38;
	s30 =	sadd.s32 $0x2, s19;
	v42 =	vxor.u32 s25, v33;
	v29 =	vadd.s32 v12, v32;
	v50 =	vmov s22  }
0x289: {  	s10 =	sadd.s32 $0x8, s21;
	s31 =	sadd.s32 $0x3, s19;
	s0 =	sld [smem:s20+$0x1];
	v51 =	vmov s30;
	v52 =	vadd.s32 s22, v16;
	v53 =	vadd.s32 s30, v16  }
0x28a: {  	[tilespmem:v37+s12+$0x0] =	vst.idx.msk $0xffff, v61;
	s21 =	sld [smem:s10+$0x3];
	v54 =	vmov s31;
	v57 =	vadd.s32 s31, v16;
	s30 =	sadd.s32 $0x5, s19;
	v43 =	vxor.u32 s26, v34;
	v45 =	vld.idx.msk [tilespmem:v40+s4+$0x0], $0xffff  }
0x28b: {  	s31 =	sadd.s32 $0x6, s19;
	s2 =	sld [smem:s20+$0x2];
	v27 =	vxor.u32 v28, v42;
	s20 =	sadd.s32 $0x8, s20;
	v44 =	vxor.u32 v31, v43;
	v31 =	vand.u32 $0x38, v46  }
0x28c: {  	v59 =	vmov s30;
	v60 =	vmov s31;
	s29 =	sld [smem:s20+$0x3];
	v19 =	vadd.s32 v19, v31  }
0x28d: {  	s25 =	sld [smem:s10+$0xFFFFFFFE];
	s26 =	sadd.s32 $0x4, s19;
	v61 =	vadd.s32 s30, v16;
	[tilespmem:v21+s12+$0x0] =	vst.idx.msk $0xffff, v63;
	v62 =	vadd.s32 s31, v16;
	v63 =	vand.u32 $0x38, v51  }
0x28e: {  	s28 =	sld [smem:s10+$0xFFFFFFFF];
	v41 =	vand.u32 $0x38, v54;
	v55 =	vmov s26;
	vm0 =	vgt.s32 v8, s21  }
0x28f: {  	s23 =	sld [smem:s10+$0x1];
	v58 =	vadd.s32 s26, v16;
	v56 =	vsel vm0, v10, v9;
	v30 =	vxor.u32 s29, v45  }
0x290: {  	v15 =	vadd.s32 v15, v63;
	v49 =	vxor.u32 s2, v36;
	s2 =	sld [smem:s10+$0xFFFFFFFD];
	v30 =	vxor.u32 v56, v30  }
0x291: {  	v46 =	vand.u32 $0x38, v59;
	v14 =	vadd.s32 v14, v41;
	v47 =	vxor.u32 s0, v35;
	v33 =	vld.idx.msk [tilespmem:v48+s4+$0x0], $0xffff;
	s29 =	sld [smem:s10+$0x0];
	[tilespmem:v19+s12+$0x0] =	vst.idx.msk $0xffff, v30  }
0x292: {  	v31 =	vand.u32 $0x38, v50;
	vm11 =	vgt.s32 v8, s25;
	[tilespmem:v24+s12+$0x0] =	vst.idx.msk $0xffff, v44;
	v44 =	vand.u32 $0x38, v55;
	v43 =	vld.idx.msk [tilespmem:v52+s4+$0x0], $0xffff;
	s19 =	sld [smem:s10+$0xFFFFFFFC]  }
0x293: {  	[tilespmem:v22+s12+$0x0] =	vst.idx.msk $0xffff, v27;
	vm12 =	vgt.s32 v8, s28;
	vm14 =	vgt.s32 v8, s23;
	v26 =	vxor.u32 v26, v47;
	v47 =	vld.idx.msk [tilespmem:v53+s4+$0x0], $0xffff;
	s22 =	sld [smem:s20+$0xFFFFFFFC]  }
0x294: {  	v13 =	vadd.s32 v13, v46;
	v17 =	vadd.s32 v17, v31;
	v23 =	vxor.u32 v23, v49;
	v49 =	vld.idx.msk [tilespmem:v57+s4+$0x0], $0xffff;
	s25 =	sld [smem:s20+$0xFFFFFFFD]  }
0x295: {  	v48 =	vsel vm12, v10, v9;
	v11 =	vadd.s32 v11, v44;
	v52 =	vld.idx.msk [tilespmem:v61+s4+$0x0], $0xffff;
	s24 =	sld [smem:s10+$0x2];
	vm1 =	vgt.s32 v8, s19  }
0x296: {  	[tilespmem:v25+s12+$0x0] =	vst.idx.msk $0xffff, v26;
	vm10 =	vgt.s32 v8, s2;
	v51 =	vld.idx.msk [tilespmem:v58+s4+$0x0], $0xffff;
	s26 =	sld [smem:s20+$0xFFFFFFFE];
	v33 =	vxor.u32 s22, v33;
	v50 =	vsel vm1, v10, v9  }
0x297: {  	v16 =	vld.idx.msk [tilespmem:v62+s4+$0x0], $0xffff;
	v42 =	vsel vm10, v10, v9;
	s28 =	sld [smem:s20+$0xFFFFFFFF];
	v27 =	vxor.u32 s25, v43;
	v33 =	vxor.u32 v50, v33  }
0x298: {  	v58 =	vsel vm14, v10, v9;
	vm13 =	vgt.s32 v8, s29;
	s29 =	sld [smem:s20+$0x0];
	v22 =	vxor.u32 v42, v27;
	[tilespmem:v18+s12+$0x0] =	vst.idx.msk $0xffff, v33  }
0x299: {  	s18 =	sadd.s32 $0x1, s18;
	v45 =	vsel vm11, v10, v9;
	v19 =	vand.u32 $0x38, v60;
	v54 =	vxor.u32 s26, v47;
	s30 =	sld [smem:s20+$0x1];
	[tilespmem:v17+s12+$0x0] =	vst.idx.msk $0xffff, v22  }
0x29a: {  	p0 =	sne.s32 s18, $0x10;
	[tilespmem:v29+s12+$0x0] =	vst.idx.msk $0xffff, v23;
	v57 =	vadd.s32 v12, v19;
	v56 =	vxor.u32 s28, v49;
	v55 =	vxor.u32 v45, v54;
	s31 =	sld [smem:s20+$0x2]  }
.Ltmp12:
0x29b: {  	v53 =	vsel vm13, v10, v9;
	v60 =	vxor.u32 s29, v51;
	v59 =	vxor.u32 v48, v56;
	[tilespmem:v15+s12+$0x0] =	vst.idx.msk $0xffff, v55;
	(pc) =	sbr.rel @p0 .LBB2_24-.Ltmp12, $4  }
0x29c: {  	vm15 =	vgt.s32 v8, s24;
	v8 =	vxor.u32 v53, v60;
	[tilespmem:v14+s12+$0x0] =	vst.idx.msk $0xffff, v59;
	v61 =	vxor.u32 s30, v52  }
0x29d: {  	v62 =	vsel vm15, v10, v9;
	[tilespmem:v11+s12+$0x0] =	vst.idx.msk $0xffff, v8;
	v8 =	vxor.u32 v58, v61;
	v63 =	vxor.u32 s31, v16  }
0x29e: {  	[tilespmem:v13+s12+$0x0] =	vst.idx.msk $0xffff, v8;
	v8 =	vxor.u32 v62, v63  }
0x29f: {  	[tilespmem:v57+s12+$0x0] =	vst.idx.msk $0xffff, v8  }
0x2a0: {  	s17 =	simm.s32 $0x10940  }
0x2a1: {  	s18 =	simm.s32 $0x8;
	s20 =	sadd.s32 $0x0, s7;
	s19 =	simm.s32 $0x10988  }
.LBB2_28:
0x2a2: {  	[hbm4b:s20+s4] =	stream.linear.scatter [tilespmem:s17], [sflag:$0x1], $0x40, $0x38;
	[tilespmem:$0x19940] =	vst v63  }
0x2a3: {  	s0 =	smov.u32 s18;
	s17 =	smov.u32 s19;
	p0 =	sne.s32 s18, $0x7F8  }
.Ltmp13:
0x2a4: {  	s18 =	sadd.s32 $0x8, s18;
	(pc) =	sbr.rel @p0 .LBB2_28-.Ltmp13, $2  }
0x2a5: {  	_ =	sdelay $0x2  }
0x2a6: {  	s19 =	sadd.s32 $0x48, s19;
	s20 =	sadd.s32 s0, s7  }
0x2a7: {  	[hbm4b:s20+s4] =	stream.linear.scatter [tilespmem:s17], [sflag:$0x1], $0x40, $0x38;
	[tilespmem:$0x19940] =	vst v63  }
0x2a8: {  	s16 =	sadd.s32 $0x1, s16  }
0x2a9: {  	_ =	swait.ge [sflag:s14], $0x4000;
	p0 =	sne.s32 s16, s8  }
.Ltmp14:
0x2aa: {  	[sflag:s14] =	ssyncset.done $0x0;
	(pc) =	sbr.rel @p0 .LBB2_1-.Ltmp14, $4  }
0x2ab: {  	[sflag:s14] =	ssyncadd.s32 $0xFFFFC000  }
0x2ac: {  	_ =	swait.ge [sflag:s15], $0x4000  }
0x2ad: {  	[sflag:s15] =	ssyncset.done $0x0  }
0x2ae: {  	[sflag:s15] =	ssyncadd.s32 $0xFFFFC000  }
0x2af: {  	_ =	sfence.sel $0x180000  }
0x2b0: {  	[bflag:$0x0] =	sbarrier.arrive $0xFFFF  }
0x2b1: {  	_ =	strace $0x90000047  }
0x2b2: {  	s0 =	stileid.u32;
	[bflag:$0x2] =	sbarrier.arrive $0xFFFF  }
0x2b3: {  	p0 =	sne.s32 s0, $0x0;
	s0 =	rddreg [dreg:$0x3]  }
0x2b4: {  	s0 =	sadd.s32 @!p0 $0x100000, s0  }
0x2b5: {  	[sflag:s0] =	ssyncadd.tile.s32 @!p0 $0x1;
	_ =	shalt  }
.Lfunc_end2:
_tile_overlayer_lowered:
.L_overlay_start_2:
0x2b6: {  	(tag) =	ssettag $0x2  }
0x2b7: {  	s0 =	rddreg [dreg:$0x0];
	s2 =	stileid.u32  }
0x2b8: {  	s1 =	rddreg [dreg:$0x1];
	p0 =	sne.s32 s2, $0x0  }
0x2b9: {  	s3 =	rddreg [dreg:$0x2];
	[bflag:$0x3] =	sbarrier.arrive $0xFFFF;
	s2 =	simm.s32 @!p0 $0x1C03  }
0x2ba: {  	[timem:s3], [sflag:s2] =	dma.local @!p0 [hbm:s0], s1  }
0x2bb: {  	s0 =	simm.s32 @!p0 $0x3  }
0x2bc: {  	_ =	swait.ge @!p0 [sflag:s0], s1  }
0x2bd: {  	s1 =	ssub.s32 @!p0 $0x0, s1;
	[sflag:s0] =	ssyncset.done @!p0 $0x0  }
0x2be: {  	[sflag:s0] =	ssyncadd.s32 @!p0 s1  }
0x2bf: {  	[bflag:$0x3] =	sbarrier.arrive $0xFFFF  }
0x2c0: {  	_ =	shalt  }

</sc_bundles>
